<compile_context>
chip_gen: v7x
topology: tpu7x:2x2x1
jax: 0.10.2.dev20260603
libtpu: 0.0.44.dev20260713+nightly
codegen_flags: <defaults>
</compile_context>

<pallas_src>
import functools

import jax
import jax.numpy as jnp
from jax import lax
from jax.experimental import pallas as pl
from jax.experimental.pallas import tpu as pltpu
from jax.experimental.pallas import tpu_sc as plsc

N = 10000
E = 320000
D = 128
H = 64
G = 64
HW = 128

NC = 2
NS = 16
NW = NC * NS
CHUNK = 128
CPT = 80
EPT = CPT * CHUNK
EPAD = NW * EPT

HALF = 5120
NLO = HALF
NHI = N - HALF
NPAD = 6144
RPT = NPAD // NS
SINK = 6000
PAD_DST = HALF + SINK
DEGR = 1024

_mesh = functools.partial(
    plsc.VectorSubcoreMesh, core_axis_name="c", subcore_axis_name="s"
)


def _sc_scatter(table, idx2d, row2d):

    @functools.partial(
        pl.kernel,
        out_type=jax.ShapeDtypeStruct((NC, NPAD, HW), jnp.float32),
        mesh=_mesh(),
        scratch_types=[
            pltpu.VMEM((CPT, CHUNK), jnp.int32),
            pltpu.VMEM((CPT, CHUNK), jnp.int32),
            pltpu.VMEM((CHUNK, HW), jnp.float32),
            pltpu.VMEM((CHUNK, HW), jnp.float32),
            pltpu.VMEM_SHARED((NPAD, HW), jnp.float32),
            pltpu.SemaphoreType.DMA,
            pltpu.SemaphoreType.DMA,
        ],
    )
    def k(tab_hbm, src_hbm, dst_hbm, out_hbm,
          srcv, dstv, gbuf0, gbuf1, acc, sem0, sem1):
        c = lax.axis_index("c")
        s = lax.axis_index("s")
        tile = c * NS + s

        @pl.loop(0, CHUNK)
        def _(i):
            @pl.loop(0, HW, step=16)
            def _(l):
                gbuf0[i, pl.ds(l, 16)] = jnp.zeros((16,), jnp.float32)

        @pl.loop(0, RPT, step=CHUNK)
        def _(r):
            pltpu.sync_copy(gbuf0, acc.at[pl.ds(s * RPT + r, CHUNK)])

        pltpu.sync_copy(src_hbm.at[pl.ds(tile * CPT, CPT)], srcv)
        pltpu.sync_copy(dst_hbm.at[pl.ds(tile * CPT, CPT)], dstv)
        plsc.subcore_barrier()

        pltpu.async_copy(tab_hbm.at[srcv.at[0]], gbuf0, sem0)
        pltpu.async_copy(tab_hbm.at[srcv.at[1]], gbuf1, sem1)

        @pl.loop(0, CPT, step=2)
        def _(j):
            pltpu.make_async_copy(tab_hbm.at[srcv.at[0]], gbuf0, sem0).wait()
            pltpu.sync_copy(gbuf0, acc.at[dstv.at[j]], add=True)

            @pl.when(j + 2 < CPT)
            def _():
                pltpu.async_copy(tab_hbm.at[srcv.at[j + 2]], gbuf0, sem0)

            pltpu.make_async_copy(tab_hbm.at[srcv.at[1]], gbuf1, sem1).wait()
            pltpu.sync_copy(gbuf1, acc.at[dstv.at[j + 1]], add=True)

            @pl.when(j + 3 < CPT)
            def _():
                pltpu.async_copy(tab_hbm.at[srcv.at[j + 3]], gbuf1, sem1)

        plsc.subcore_barrier()
        pltpu.sync_copy(acc.at[pl.ds(s * RPT, RPT)],
                        out_hbm.at[c, pl.ds(s * RPT, RPT)])

    return k(table, idx2d, row2d)


def _tc_prep(src2d, dst2d):

    def body(src_ref, dst_ref, idx_ref, row_ref, deg_ref):
        src = src_ref[...]
        dst = dst_ref[...]
        hi = (dst >= HALF).astype(jnp.int32)
        idx_ref[...] = src + N * hi
        row_ref[...] = dst - HALF * hi
        deg_ref[...] = hi * DEGR + (src & (DEGR - 1))

    shp = jax.ShapeDtypeStruct((NW * CPT, CHUNK), jnp.int32)
    return pl.pallas_call(body, out_shape=[shp, shp, shp])(src2d, dst2d)


def _unfold(s_ref, g_lo):
    ss = s_ref[0] + s_ref[1]
    return jnp.concatenate([ss[:NLO, :H], ss[:NHI, H:]], axis=0) + g_lo


def _tc_first(cnt, x, W1):

    def body(cnt_ref, x_ref, w_ref, dinv_ref, t_ref):
        cl = cnt_ref[0, :NLO, 0:1] + cnt_ref[1, :NLO, 0:1]
        ch = cnt_ref[0, :NHI, H:H + 1] + cnt_ref[1, :NHI, H:H + 1]
        deg = jnp.concatenate([cl, ch], axis=0) + 1.0
        dinv = lax.rsqrt(deg)
        g = jnp.dot(x_ref[...], w_ref[...], preferred_element_type=jnp.float32)
        g = g * dinv
        dinv_ref[...] = dinv
        z = jnp.zeros((N, H), jnp.float32)
        t_ref[:N, :H] = g
        t_ref[:N, H:] = z
        t_ref[N:, :H] = z
        t_ref[N:, H:] = g

    return pl.pallas_call(
        body,
        out_shape=[
            jax.ShapeDtypeStruct((N, 1), jnp.float32),
            jax.ShapeDtypeStruct((2 * N, HW), jnp.float32),
        ],
    )(cnt, x, W1)


def _tc_mid(sparts, t, dinv, b, Wn):

    def body(s_ref, t_ref, dinv_ref, b_ref, w_ref, out_ref):
        dinv = dinv_ref[...]
        h = _unfold(s_ref, t_ref[:N, :H])
        h = jnp.maximum(dinv * h + b_ref[...], 0.0)
        g = jnp.dot(h, w_ref[...], preferred_element_type=jnp.float32) * dinv
        z = jnp.zeros((N, H), jnp.float32)
        out_ref[:N, :H] = g
        out_ref[:N, H:] = z
        out_ref[N:, :H] = z
        out_ref[N:, H:] = g

    return pl.pallas_call(
        body,
        out_shape=jax.ShapeDtypeStruct((2 * N, HW), jnp.float32),
    )(sparts, t, dinv, b, Wn)


def _tc_final(sparts, t, dinv, b, batch2d, fc1_W, fc1_b, fc2_W, fc2_b):

    def body(s_ref, t_ref, dinv_ref, b_ref, batch_ref, f1w_ref, f1b_ref,
             f2w_ref, f2b_ref, out_ref):
        dinv = dinv_ref[...]
        h = _unfold(s_ref, t_ref[:N, :H])
        h = jnp.maximum(dinv * h + b_ref[...], 0.0)
        gids = lax.broadcasted_iota(jnp.int32, (1, G), 1)
        onehot = (batch_ref[...] == gids).astype(jnp.float32)
        pooled = lax.dot_general(
            onehot, h, (((0,), (0,)), ((), ())),
            preferred_element_type=jnp.float32,
        )
        p = jnp.maximum(
            jnp.dot(pooled, f1w_ref[...], preferred_element_type=jnp.float32)
            + f1b_ref[...],
            0.0,
        )
        out_ref[...] = (
            jnp.dot(p, f2w_ref[...], preferred_element_type=jnp.float32)
            + f2b_ref[...]
        )

    return pl.pallas_call(
        body,
        out_shape=jax.ShapeDtypeStruct((G, 1), jnp.float32),
    )(sparts, t, dinv, b, batch2d, fc1_W, fc1_b, fc2_W, fc2_b)


def kernel(x, edge_index, batch, W1, b1, W2, b2, W3, b3, W4, b4, W5, b5,
           fc1_W, fc1_b, fc2_W, fc2_b):
    pad = EPAD - E
    src2d = jnp.concatenate(
        [edge_index[0], jnp.zeros((pad,), jnp.int32)]).reshape(NW * CPT, CHUNK)
    dst2d = jnp.concatenate(
        [edge_index[1],
         jnp.full((pad,), PAD_DST, jnp.int32)]).reshape(NW * CPT, CHUNK)
    batch2d = batch.reshape(N, 1)
    ones_tab = jnp.concatenate(
        [jnp.ones((1, H), jnp.float32), jnp.zeros((1, H), jnp.float32)], axis=1)
    deg_tab = jnp.concatenate(
        [jnp.tile(ones_tab, (DEGR, 1)),
         jnp.tile(jnp.roll(ones_tab, H, axis=1), (DEGR, 1))], axis=0)

    idx2d, row2d, deg2d = _tc_prep(src2d, dst2d)
    cnt = _sc_scatter(deg_tab, deg2d, row2d)
    dinv, t = _tc_first(cnt, x, W1)
    for Wn, b in ((W2, b1), (W3, b2), (W4, b3), (W5, b4)):
        s = _sc_scatter(t, idx2d, row2d)
        t = _tc_mid(s, t, dinv, b.reshape(1, H), Wn)
    s = _sc_scatter(t, idx2d, row2d)
    return _tc_final(s, t, dinv, b5.reshape(1, H), batch2d,
                     fc1_W, fc1_b.reshape(1, 32), fc2_W, fc2_b.reshape(1, 1))

# --- scband reference (transcript-rebuilt; emitter-appended) ---
"""Pipeline reference for scband-gcn-net-64991445123372 (READ-ONLY COPY).

The authoritative reference and input builder live on the scoring server;
editing this copy changes nothing except your own understanding.
"""

import jax, jax.numpy as jnp
import numpy as np

N_NODES = 10000
N_EDGES = 320000
D_FEAT = 128
HIDDEN = 64
NUM_GRAPHS = 64


def setup_inputs(seed: int = 0) -> dict:
    key = jax.random.key(seed)
    ks = jax.random.split(key, 20)
    inp = {}
    inp["x"] = jax.random.normal(ks[0], (N_NODES, D_FEAT), dtype=jnp.float32)
    inp["edge_index"] = jax.random.randint(ks[1], (2, N_EDGES), 0, N_NODES, dtype=jnp.int32)
    inp["batch"] = jnp.sort(jax.random.randint(ks[2], (N_NODES,), 0, NUM_GRAPHS, dtype=jnp.int32))
    inp["W1"] = jax.random.normal(ks[3], (D_FEAT, HIDDEN), dtype=jnp.float32) * 0.1
    inp["b1"] = jnp.zeros((HIDDEN,), dtype=jnp.float32)
    inp["W2"] = jax.random.normal(ks[4], (HIDDEN, HIDDEN), dtype=jnp.float32) * 0.1
    inp["b2"] = jnp.zeros((HIDDEN,), dtype=jnp.float32)
    inp["W3"] = jax.random.normal(ks[5], (HIDDEN, HIDDEN), dtype=jnp.float32) * 0.1
    inp["b3"] = jnp.zeros((HIDDEN,), dtype=jnp.float32)
    inp["W4"] = jax.random.normal(ks[6], (HIDDEN, HIDDEN), dtype=jnp.float32) * 0.1
    inp["b4"] = jnp.zeros((HIDDEN,), dtype=jnp.float32)
    inp["W5"] = jax.random.normal(ks[7], (HIDDEN, HIDDEN), dtype=jnp.float32) * 0.1
    inp["b5"] = jnp.zeros((HIDDEN,), dtype=jnp.float32)
    inp["fc1_W"] = jax.random.normal(ks[8], (HIDDEN, 32), dtype=jnp.float32) * 0.1
    inp["fc1_b"] = jnp.zeros((32,), dtype=jnp.float32)
    inp["fc2_W"] = jax.random.normal(ks[9], (32, 1), dtype=jnp.float32) * 0.1
    inp["fc2_b"] = jnp.zeros((1,), dtype=jnp.float32)
    return inp


def reference(x, edge_index, batch, W1, b1, W2, b2, W3, b3, W4, b4, W5, b5, fc1_W, fc1_b, fc2_W, fc2_b):
    N = x.shape[0]
    loops = jnp.arange(N, dtype=edge_index.dtype)
    src = jnp.concatenate([edge_index[0], loops])
    dst = jnp.concatenate([edge_index[1], loops])
    deg = jax.ops.segment_sum(jnp.ones(src.shape[0], dtype=x.dtype), dst, num_segments=N)
    dinv = jnp.where(deg > 0, jax.lax.rsqrt(jnp.maximum(deg, 1e-12)), 0.0)
    norm = dinv[src] * dinv[dst]

    def conv(h, W, b):
        m = (h @ W)[src] * norm[:, None]
        return jax.ops.segment_sum(m, dst, num_segments=N) + b

    h = jax.nn.relu(conv(x, W1, b1))
    h = jax.nn.relu(conv(h, W2, b2))
    h = jax.nn.relu(conv(h, W3, b3))
    h = jax.nn.relu(conv(h, W4, b4))
    h = jax.nn.relu(conv(h, W5, b5))
    pooled = jax.ops.segment_sum(h, batch, num_segments=NUM_GRAPHS)
    h = jax.nn.relu(pooled @ fc1_W + fc1_b)
    return h @ fc2_W + fc2_b

if __name__ == "__main__":
    import jax
    _d = setup_inputs()
    print(jax.jit(kernel)(*tuple(_d.values())))

</pallas_src>

<mosaic_0001>
#map = affine_map<(d0, d1) -> (0, 0)>
#map1 = affine_map<(d0, d1) -> (0, 0, 0)>
module attributes {stable_mosaic.version = 14 : i64} {
  func.func @k(%arg0: i32, %arg1: i32, %arg2: memref<20000x128xf32, #tpu.memory_space<hbm>>, %arg3: memref<2560x128xi32, #tpu.memory_space<hbm>>, %arg4: memref<2560x128xi32, #tpu.memory_space<hbm>>, %arg5: memref<2x6144x128xf32, #tpu.memory_space<hbm>>, %arg6: memref<80x128xi32, #tpu.memory_space<vmem>>, %arg7: memref<80x128xi32, #tpu.memory_space<vmem>>, %arg8: memref<128x128xf32, #tpu.memory_space<vmem>>, %arg9: memref<128x128xf32, #tpu.memory_space<vmem>>, %arg10: memref<6144x128xf32, #tpu.memory_space<vmem_shared>>, %arg11: memref<!tpu.dma_semaphore, #tpu.memory_space<semaphore_mem>>, %arg12: memref<!tpu.dma_semaphore, #tpu.memory_space<semaphore_mem>>) attributes {dimension_semantics = [#tpu.dimension_semantics<core_parallel>, #tpu.dimension_semantics<subcore_parallel>], iteration_bounds = array<i64: 2, 16>, scalar_prefetch = 0 : i64, scratch_operands = 7 : i64, tpu.core_type = #tpu.core_type<sc_vector_subcore>, window_params = [{transform_indices = #map}, {transform_indices = #map}, {transform_indices = #map}, {transform_indices = #map1}]} {
    %mul3A = arith.constant 16 : i32
    %mul3A_0 = arith.muli %arg0, %mul3A : i32
    %add3A = arith.addi %mul3A_0, %arg1 : i32
    %scan3A = arith.constant 0 : i32
    %scan3A_1 = arith.constant 128 : i32
    %scan3A_2 = arith.addi %scan3A, %scan3A_1 : i32
    %scan3A_3 = arith.constant 1 : i32
    scf.for %scan3A_37 = %scan3A to %scan3A_2 step %scan3A_3  : i32 {
      %mul3A_38 = arith.constant 1 : i32
      %mul3A_39 = arith.muli %scan3A_37, %mul3A_38 : i32
      %add3A_40 = arith.constant 0 : i32
      %add3A_41 = arith.addi %add3A_40, %mul3A_39 : i32
      %scan3A_42 = arith.constant 0 : i32
      %scan3A_43 = arith.constant 8 : i32
      %scan3A_44 = arith.addi %scan3A_42, %scan3A_43 : i32
      %scan3A_45 = arith.constant 1 : i32
      scf.for %scan3A_47 = %scan3A_42 to %scan3A_44 step %scan3A_45  : i32 {
        %mul3A_48 = arith.constant 16 : i32
        %mul3A_49 = arith.muli %scan3A_47, %mul3A_48 : i32
        %add3A_50 = arith.constant 0 : i32
        %add3A_51 = arith.addi %add3A_50, %mul3A_49 : i32
        %broadcast_in_dim3A = arith.constant 0.000000e+00 : f32
        %broadcast_in_dim3A_52 = vector.broadcast %broadcast_in_dim3A : f32 to vector<16xf32>
        %swap3A = arith.index_cast %add3A_41 : i32 to index
        %swap3A_53 = arith.index_cast %add3A_51 : i32 to index
        %swap3A_54 = tpu.vector_load %arg8[%swap3A, %swap3A_53] {strides = array<i32>} : memref<128x128xf32, #tpu.memory_space<vmem>>, vector<1x16xf32>,
        %swap3A_55 = vector.shape_cast %swap3A_54 : vector<1x16xf32> to vector<16xf32>
        %swap3A_56 = vector.shape_cast %broadcast_in_dim3A_52 : vector<16xf32> to vector<1x16xf32>
        tpu.vector_store %arg8[%swap3A, %swap3A_53], %swap3A_56 {strides = array<i32>} : memref<128x128xf32, #tpu.memory_space<vmem>>, vector<1x16xf32>,
      }
      %scan3A_46 = arith.constant 8 : i32
    }
    %scan3A_4 = arith.constant 128 : i32
    %scan3A_5 = arith.constant 0 : i32
    %scan3A_6 = arith.constant 3 : i32
    %scan3A_7 = arith.addi %scan3A_5, %scan3A_6 : i32
    %scan3A_8 = arith.constant 1 : i32
    scf.for %scan3A_37 = %scan3A_5 to %scan3A_7 step %scan3A_8  : i32 {
      %mul3A_38 = arith.constant 128 : i32
      %mul3A_39 = arith.muli %scan3A_37, %mul3A_38 : i32
      %add3A_40 = arith.constant 0 : i32
      %add3A_41 = arith.addi %add3A_40, %mul3A_39 : i32
      %mul3A_42 = arith.constant 384 : i32
      %mul3A_43 = arith.muli %arg1, %mul3A_42 : i32
      %add3A_44 = arith.addi %mul3A_43, %add3A_41 : i32
      "tpu.region"() ({
        %run_scoped3A = tpu.sem_alloc : memref<!tpu.dma_semaphore, #tpu.memory_space<semaphore_mem>>
        %dma_start3A_45 = arith.constant 0 : i32
        %dma_start3A_46 = tpu.memref_slice %arg10[%add3A_44, %dma_start3A_45] : memref<6144x128xf32, #tpu.memory_space<vmem_shared>> -> memref<128x128xf32, #tpu.memory_space<vmem_shared>>
        %dma_start3A_47 = arith.constant 0 : i32
        %dma_start3A_48 = tpu.memref_slice %arg10[%add3A_44, %dma_start3A_47] : memref<6144x128xf32, #tpu.memory_space<vmem_shared>> -> memref<128x128xf32, #tpu.memory_space<vmem_shared>>
        tpu.enqueue_dma source(%arg8 : memref<128x128xf32, #tpu.memory_space<vmem>>) target(%dma_start3A_48 : memref<128x128xf32, #tpu.memory_space<vmem_shared>>) target_semaphore(%run_scoped3A : memref<!tpu.dma_semaphore, #tpu.memory_space<semaphore_mem>>)
        %dma_wait3A = arith.constant 0 : i32
        %dma_wait3A_49 = tpu.memref_slice %arg10[%add3A_44, %dma_wait3A] : memref<6144x128xf32, #tpu.memory_space<vmem_shared>> -> memref<128x128xf32, #tpu.memory_space<vmem_shared>>
        %dma_wait3A_50 = arith.constant 0 : i32
        %dma_wait3A_51 = tpu.memref_slice %arg10[%add3A_44, %dma_wait3A_50] : memref<6144x128xf32, #tpu.memory_space<vmem_shared>> -> memref<128x128xf32, #tpu.memory_space<vmem_shared>>
        tpu.wait_dma2 semaphore(%run_scoped3A : memref<!tpu.dma_semaphore, #tpu.memory_space<semaphore_mem>>) src(%arg8 : memref<128x128xf32, #tpu.memory_space<vmem>>) dst(%dma_wait3A_51 : memref<128x128xf32, #tpu.memory_space<vmem_shared>>)
        tpu.yield
      }) : () -> ()
    }
    %scan3A_9 = arith.constant 3 : i32
    %mul3A_10 = arith.constant 80 : i32
    %mul3A_11 = arith.muli %add3A, %mul3A_10 : i32
    "tpu.region"() ({
      %run_scoped3A = tpu.sem_alloc : memref<!tpu.dma_semaphore, #tpu.memory_space<semaphore_mem>>
      %dma_start3A_37 = arith.constant 0 : i32
      %dma_start3A_38 = tpu.memref_slice %arg3[%mul3A_11, %dma_start3A_37] : memref<2560x128xi32, #tpu.memory_space<hbm>> -> memref<80x128xi32, #tpu.memory_space<hbm>>
      %dma_start3A_39 = arith.constant 0 : i32
      %dma_start3A_40 = tpu.memref_slice %arg3[%mul3A_11, %dma_start3A_39] : memref<2560x128xi32, #tpu.memory_space<hbm>> -> memref<80x128xi32, #tpu.memory_space<hbm>>
      tpu.enqueue_dma source(%dma_start3A_40 : memref<80x128xi32, #tpu.memory_space<hbm>>) target(%arg6 : memref<80x128xi32, #tpu.memory_space<vmem>>) target_semaphore(%run_scoped3A : memref<!tpu.dma_semaphore, #tpu.memory_space<semaphore_mem>>)
      %dma_wait3A = arith.constant 0 : i32
      %dma_wait3A_41 = tpu.memref_slice %arg3[%mul3A_11, %dma_wait3A] : memref<2560x128xi32, #tpu.memory_space<hbm>> -> memref<80x128xi32, #tpu.memory_space<hbm>>
      %dma_wait3A_42 = arith.constant 0 : i32
      %dma_wait3A_43 = tpu.memref_slice %arg3[%mul3A_11, %dma_wait3A_42] : memref<2560x128xi32, #tpu.memory_space<hbm>> -> memref<80x128xi32, #tpu.memory_space<hbm>>
      tpu.wait_dma2 semaphore(%run_scoped3A : memref<!tpu.dma_semaphore, #tpu.memory_space<semaphore_mem>>) src(%dma_wait3A_43 : memref<80x128xi32, #tpu.memory_space<hbm>>) dst(%arg6 : memref<80x128xi32, #tpu.memory_space<vmem>>)
      tpu.yield
    }) : () -> ()
    %mul3A_12 = arith.constant 80 : i32
    %mul3A_13 = arith.muli %add3A, %mul3A_12 : i32
    "tpu.region"() ({
      %run_scoped3A = tpu.sem_alloc : memref<!tpu.dma_semaphore, #tpu.memory_space<semaphore_mem>>
      %dma_start3A_37 = arith.constant 0 : i32
      %dma_start3A_38 = tpu.memref_slice %arg4[%mul3A_13, %dma_start3A_37] : memref<2560x128xi32, #tpu.memory_space<hbm>> -> memref<80x128xi32, #tpu.memory_space<hbm>>
      %dma_start3A_39 = arith.constant 0 : i32
      %dma_start3A_40 = tpu.memref_slice %arg4[%mul3A_13, %dma_start3A_39] : memref<2560x128xi32, #tpu.memory_space<hbm>> -> memref<80x128xi32, #tpu.memory_space<hbm>>
      tpu.enqueue_dma source(%dma_start3A_40 : memref<80x128xi32, #tpu.memory_space<hbm>>) target(%arg7 : memref<80x128xi32, #tpu.memory_space<vmem>>) target_semaphore(%run_scoped3A : memref<!tpu.dma_semaphore, #tpu.memory_space<semaphore_mem>>)
      %dma_wait3A = arith.constant 0 : i32
      %dma_wait3A_41 = tpu.memref_slice %arg4[%mul3A_13, %dma_wait3A] : memref<2560x128xi32, #tpu.memory_space<hbm>> -> memref<80x128xi32, #tpu.memory_space<hbm>>
      %dma_wait3A_42 = arith.constant 0 : i32
      %dma_wait3A_43 = tpu.memref_slice %arg4[%mul3A_13, %dma_wait3A_42] : memref<2560x128xi32, #tpu.memory_space<hbm>> -> memref<80x128xi32, #tpu.memory_space<hbm>>
      tpu.wait_dma2 semaphore(%run_scoped3A : memref<!tpu.dma_semaphore, #tpu.memory_space<semaphore_mem>>) src(%dma_wait3A_43 : memref<80x128xi32, #tpu.memory_space<hbm>>) dst(%arg7 : memref<80x128xi32, #tpu.memory_space<vmem>>)
      tpu.yield
    }) : () -> ()
    %barrier3A = arith.constant 0 : index
    tpu.barrier barrier_id(%barrier3A)
    %dma_start3A = arith.constant 0 : i32
    %dma_start3A_14 = arith.constant 0 : i32
    %dma_start3A_15 = tpu.memref_slice %arg6[%dma_start3A, %dma_start3A_14] : memref<80x128xi32, #tpu.memory_space<vmem>> -> memref<1x128xi32, #tpu.memory_space<vmem>>
    %dma_start3A_16 = tpu.memref_squeeze %dma_start3A_15 : memref<1x128xi32, #tpu.memory_space<vmem>> -> memref<128xi32, #tpu.memory_space<vmem>>
    %dma_start3A_17 = arith.constant 0 : i32
    %dma_start3A_18 = arith.constant 0 : i32
    %dma_start3A_19 = tpu.memref_slice %arg2[%dma_start3A_17, %dma_start3A_18] : memref<20000x128xf32, #tpu.memory_space<hbm>> -> memref<20000x128xf32, #tpu.memory_space<hbm>>
    tpu.enqueue_indirect_dma source(%dma_start3A_19 : memref<20000x128xf32, #tpu.memory_space<hbm>>) target(%arg8 : memref<128x128xf32, #tpu.memory_space<vmem>>) offsets(%dma_start3A_16 : memref<128xi32, #tpu.memory_space<vmem>>) semaphore(%arg11 : memref<!tpu.dma_semaphore, #tpu.memory_space<semaphore_mem>>)
    %dma_start3A_20 = arith.constant 1 : i32
    %dma_start3A_21 = arith.constant 0 : i32
    %dma_start3A_22 = tpu.memref_slice %arg6[%dma_start3A_20, %dma_start3A_21] : memref<80x128xi32, #tpu.memory_space<vmem>> -> memref<1x128xi32, #tpu.memory_space<vmem>>
    %dma_start3A_23 = tpu.memref_squeeze %dma_start3A_22 : memref<1x128xi32, #tpu.memory_space<vmem>> -> memref<128xi32, #tpu.memory_space<vmem>>
    %dma_start3A_24 = arith.constant 0 : i32
    %dma_start3A_25 = arith.constant 0 : i32
    %dma_start3A_26 = tpu.memref_slice %arg2[%dma_start3A_24, %dma_start3A_25] : memref<20000x128xf32, #tpu.memory_space<hbm>> -> memref<20000x128xf32, #tpu.memory_space<hbm>>
    tpu.enqueue_indirect_dma source(%dma_start3A_26 : memref<20000x128xf32, #tpu.memory_space<hbm>>) target(%arg9 : memref<128x128xf32, #tpu.memory_space<vmem>>) offsets(%dma_start3A_23 : memref<128xi32, #tpu.memory_space<vmem>>) semaphore(%arg12 : memref<!tpu.dma_semaphore, #tpu.memory_space<semaphore_mem>>)
    %scan3A_27 = arith.constant 0 : i32
    %scan3A_28 = arith.constant 40 : i32
    %scan3A_29 = arith.addi %scan3A_27, %scan3A_28 : i32
    %scan3A_30 = arith.constant 1 : i32
    scf.for %scan3A_37 = %scan3A_27 to %scan3A_29 step %scan3A_30  : i32 {
      %mul3A_38 = arith.constant 2 : i32
      %mul3A_39 = arith.muli %scan3A_37, %mul3A_38 : i32
      %add3A_40 = arith.constant 0 : i32
      %add3A_41 = arith.addi %add3A_40, %mul3A_39 : i32
      %dma_wait3A = arith.constant 0 : i32
      %dma_wait3A_42 = arith.constant 0 : i32
      %dma_wait3A_43 = tpu.memref_slice %arg6[%dma_wait3A, %dma_wait3A_42] : memref<80x128xi32, #tpu.memory_space<vmem>> -> memref<1x128xi32, #tpu.memory_space<vmem>>
      %dma_wait3A_44 = tpu.memref_squeeze %dma_wait3A_43 : memref<1x128xi32, #tpu.memory_space<vmem>> -> memref<128xi32, #tpu.memory_space<vmem>>
      %dma_wait3A_45 = arith.constant 0 : i32
      %dma_wait3A_46 = arith.constant 0 : i32
      %dma_wait3A_47 = tpu.memref_slice %arg2[%dma_wait3A_45, %dma_wait3A_46] : memref<20000x128xf32, #tpu.memory_space<hbm>> -> memref<20000x128xf32, #tpu.memory_space<hbm>>
      tpu.wait_indirect_dma semaphore(%arg11 : memref<!tpu.dma_semaphore, #tpu.memory_space<semaphore_mem>>) src(%dma_wait3A_47 : memref<20000x128xf32, #tpu.memory_space<hbm>>) dst(%arg8 : memref<128x128xf32, #tpu.memory_space<vmem>>)
      "tpu.region"() ({
        %run_scoped3A = tpu.sem_alloc : memref<!tpu.dma_semaphore, #tpu.memory_space<semaphore_mem>>
        %dma_start3A_68 = arith.constant 0 : i32
        %dma_start3A_69 = tpu.memref_slice %arg7[%add3A_41, %dma_start3A_68] : memref<80x128xi32, #tpu.memory_space<vmem>> -> memref<1x128xi32, #tpu.memory_space<vmem>>
        %dma_start3A_70 = tpu.memref_squeeze %dma_start3A_69 : memref<1x128xi32, #tpu.memory_space<vmem>> -> memref<128xi32, #tpu.memory_space<vmem>>
        %dma_start3A_71 = arith.constant 0 : i32
        %dma_start3A_72 = arith.constant 0 : i32
        %dma_start3A_73 = tpu.memref_slice %arg10[%dma_start3A_71, %dma_start3A_72] : memref<6144x128xf32, #tpu.memory_space<vmem_shared>> -> memref<6144x128xf32, #tpu.memory_space<vmem_shared>>
        tpu.enqueue_indirect_dma source(%arg8 : memref<128x128xf32, #tpu.memory_space<vmem>>) target(%dma_start3A_73 : memref<6144x128xf32, #tpu.memory_space<vmem_shared>>) offsets(%dma_start3A_70 : memref<128xi32, #tpu.memory_space<vmem>>) semaphore(%run_scoped3A : memref<!tpu.dma_semaphore, #tpu.memory_space<semaphore_mem>>) {add = true}
        %dma_wait3A_74 = arith.constant 0 : i32
        %dma_wait3A_75 = tpu.memref_slice %arg7[%add3A_41, %dma_wait3A_74] : memref<80x128xi32, #tpu.memory_space<vmem>> -> memref<1x128xi32, #tpu.memory_space<vmem>>
        %dma_wait3A_76 = tpu.memref_squeeze %dma_wait3A_75 : memref<1x128xi32, #tpu.memory_space<vmem>> -> memref<128xi32, #tpu.memory_space<vmem>>
        %dma_wait3A_77 = arith.constant 0 : i32
        %dma_wait3A_78 = arith.constant 0 : i32
        %dma_wait3A_79 = tpu.memref_slice %arg10[%dma_wait3A_77, %dma_wait3A_78] : memref<6144x128xf32, #tpu.memory_space<vmem_shared>> -> memref<6144x128xf32, #tpu.memory_space<vmem_shared>>
        tpu.wait_indirect_dma semaphore(%run_scoped3A : memref<!tpu.dma_semaphore, #tpu.memory_space<semaphore_mem>>) src(%arg8 : memref<128x128xf32, #tpu.memory_space<vmem>>) dst(%dma_wait3A_79 : memref<6144x128xf32, #tpu.memory_space<vmem_shared>>)
        tpu.yield
      }) : () -> ()
      %add3A_48 = arith.constant 2 : i32
      %add3A_49 = arith.addi %add3A_41, %add3A_48 : i32
      %lt3A = arith.constant 80 : i32
      %lt3A_50 = arith.cmpi slt, %add3A_49, %lt3A : i32
      %convert_element_type3A = arith.extui %lt3A_50 : i1 to i32
      %cond3A = arith.constant 0 : i32
      %cond3A_51 = arith.cmpi ne, %convert_element_type3A, %cond3A : i32
      scf.if %cond3A_51 {
        %add3A_68 = arith.constant 2 : i32
        %add3A_69 = arith.addi %add3A_41, %add3A_68 : i32
        %dma_start3A_70 = arith.constant 0 : i32
        %dma_start3A_71 = tpu.memref_slice %arg6[%add3A_69, %dma_start3A_70] : memref<80x128xi32, #tpu.memory_space<vmem>> -> memref<1x128xi32, #tpu.memory_space<vmem>>
        %dma_start3A_72 = tpu.memref_squeeze %dma_start3A_71 : memref<1x128xi32, #tpu.memory_space<vmem>> -> memref<128xi32, #tpu.memory_space<vmem>>
        %dma_start3A_73 = arith.constant 0 : i32
        %dma_start3A_74 = arith.constant 0 : i32
        %dma_start3A_75 = tpu.memref_slice %arg2[%dma_start3A_73, %dma_start3A_74] : memref<20000x128xf32, #tpu.memory_space<hbm>> -> memref<20000x128xf32, #tpu.memory_space<hbm>>
        tpu.enqueue_indirect_dma source(%dma_start3A_75 : memref<20000x128xf32, #tpu.memory_space<hbm>>) target(%arg8 : memref<128x128xf32, #tpu.memory_space<vmem>>) offsets(%dma_start3A_72 : memref<128xi32, #tpu.memory_space<vmem>>) semaphore(%arg11 : memref<!tpu.dma_semaphore, #tpu.memory_space<semaphore_mem>>)
      } else {
      }
      %dma_wait3A_52 = arith.constant 1 : i32
      %dma_wait3A_53 = arith.constant 0 : i32
      %dma_wait3A_54 = tpu.memref_slice %arg6[%dma_wait3A_52, %dma_wait3A_53] : memref<80x128xi32, #tpu.memory_space<vmem>> -> memref<1x128xi32, #tpu.memory_space<vmem>>
      %dma_wait3A_55 = tpu.memref_squeeze %dma_wait3A_54 : memref<1x128xi32, #tpu.memory_space<vmem>> -> memref<128xi32, #tpu.memory_space<vmem>>
      %dma_wait3A_56 = arith.constant 0 : i32
      %dma_wait3A_57 = arith.constant 0 : i32
      %dma_wait3A_58 = tpu.memref_slice %arg2[%dma_wait3A_56, %dma_wait3A_57] : memref<20000x128xf32, #tpu.memory_space<hbm>> -> memref<20000x128xf32, #tpu.memory_space<hbm>>
      tpu.wait_indirect_dma semaphore(%arg12 : memref<!tpu.dma_semaphore, #tpu.memory_space<semaphore_mem>>) src(%dma_wait3A_58 : memref<20000x128xf32, #tpu.memory_space<hbm>>) dst(%arg9 : memref<128x128xf32, #tpu.memory_space<vmem>>)
      %add3A_59 = arith.constant 1 : i32
      %add3A_60 = arith.addi %add3A_41, %add3A_59 : i32
      "tpu.region"() ({
        %run_scoped3A = tpu.sem_alloc : memref<!tpu.dma_semaphore, #tpu.memory_space<semaphore_mem>>
        %dma_start3A_68 = arith.constant 0 : i32
        %dma_start3A_69 = tpu.memref_slice %arg7[%add3A_60, %dma_start3A_68] : memref<80x128xi32, #tpu.memory_space<vmem>> -> memref<1x128xi32, #tpu.memory_space<vmem>>
        %dma_start3A_70 = tpu.memref_squeeze %dma_start3A_69 : memref<1x128xi32, #tpu.memory_space<vmem>> -> memref<128xi32, #tpu.memory_space<vmem>>
        %dma_start3A_71 = arith.constant 0 : i32
        %dma_start3A_72 = arith.constant 0 : i32
        %dma_start3A_73 = tpu.memref_slice %arg10[%dma_start3A_71, %dma_start3A_72] : memref<6144x128xf32, #tpu.memory_space<vmem_shared>> -> memref<6144x128xf32, #tpu.memory_space<vmem_shared>>
        tpu.enqueue_indirect_dma source(%arg9 : memref<128x128xf32, #tpu.memory_space<vmem>>) target(%dma_start3A_73 : memref<6144x128xf32, #tpu.memory_space<vmem_shared>>) offsets(%dma_start3A_70 : memref<128xi32, #tpu.memory_space<vmem>>) semaphore(%run_scoped3A : memref<!tpu.dma_semaphore, #tpu.memory_space<semaphore_mem>>) {add = true}
        %dma_wait3A_74 = arith.constant 0 : i32
        %dma_wait3A_75 = tpu.memref_slice %arg7[%add3A_60, %dma_wait3A_74] : memref<80x128xi32, #tpu.memory_space<vmem>> -> memref<1x128xi32, #tpu.memory_space<vmem>>
        %dma_wait3A_76 = tpu.memref_squeeze %dma_wait3A_75 : memref<1x128xi32, #tpu.memory_space<vmem>> -> memref<128xi32, #tpu.memory_space<vmem>>
        %dma_wait3A_77 = arith.constant 0 : i32
        %dma_wait3A_78 = arith.constant 0 : i32
        %dma_wait3A_79 = tpu.memref_slice %arg10[%dma_wait3A_77, %dma_wait3A_78] : memref<6144x128xf32, #tpu.memory_space<vmem_shared>> -> memref<6144x128xf32, #tpu.memory_space<vmem_shared>>
        tpu.wait_indirect_dma semaphore(%run_scoped3A : memref<!tpu.dma_semaphore, #tpu.memory_space<semaphore_mem>>) src(%arg9 : memref<128x128xf32, #tpu.memory_space<vmem>>) dst(%dma_wait3A_79 : memref<6144x128xf32, #tpu.memory_space<vmem_shared>>)
        tpu.yield
      }) : () -> ()
      %add3A_61 = arith.constant 3 : i32
      %add3A_62 = arith.addi %add3A_41, %add3A_61 : i32
      %lt3A_63 = arith.constant 80 : i32
      %lt3A_64 = arith.cmpi slt, %add3A_62, %lt3A_63 : i32
      %convert_element_type3A_65 = arith.extui %lt3A_64 : i1 to i32
      %cond3A_66 = arith.constant 0 : i32
      %cond3A_67 = arith.cmpi ne, %convert_element_type3A_65, %cond3A_66 : i32
      scf.if %cond3A_67 {
        %add3A_68 = arith.constant 3 : i32
        %add3A_69 = arith.addi %add3A_41, %add3A_68 : i32
        %dma_start3A_70 = arith.constant 0 : i32
        %dma_start3A_71 = tpu.memref_slice %arg6[%add3A_69, %dma_start3A_70] : memref<80x128xi32, #tpu.memory_space<vmem>> -> memref<1x128xi32, #tpu.memory_space<vmem>>
        %dma_start3A_72 = tpu.memref_squeeze %dma_start3A_71 : memref<1x128xi32, #tpu.memory_space<vmem>> -> memref<128xi32, #tpu.memory_space<vmem>>
        %dma_start3A_73 = arith.constant 0 : i32
        %dma_start3A_74 = arith.constant 0 : i32
        %dma_start3A_75 = tpu.memref_slice %arg2[%dma_start3A_73, %dma_start3A_74] : memref<20000x128xf32, #tpu.memory_space<hbm>> -> memref<20000x128xf32, #tpu.memory_space<hbm>>
        tpu.enqueue_indirect_dma source(%dma_start3A_75 : memref<20000x128xf32, #tpu.memory_space<hbm>>) target(%arg9 : memref<128x128xf32, #tpu.memory_space<vmem>>) offsets(%dma_start3A_72 : memref<128xi32, #tpu.memory_space<vmem>>) semaphore(%arg12 : memref<!tpu.dma_semaphore, #tpu.memory_space<semaphore_mem>>)
      } else {
      }
    }
    %scan3A_31 = arith.constant 40 : i32
    %barrier3A_32 = arith.constant 0 : index
    tpu.barrier barrier_id(%barrier3A_32)
    %mul3A_33 = arith.constant 384 : i32
    %mul3A_34 = arith.muli %arg1, %mul3A_33 : i32
    %mul3A_35 = arith.constant 384 : i32
    %mul3A_36 = arith.muli %arg1, %mul3A_35 : i32
    "tpu.region"() ({
      %run_scoped3A = tpu.sem_alloc : memref<!tpu.dma_semaphore, #tpu.memory_space<semaphore_mem>>
      %dma_start3A_37 = arith.constant 0 : i32
      %dma_start3A_38 = tpu.memref_slice %arg5[%arg0, %mul3A_36, %dma_start3A_37] : memref<2x6144x128xf32, #tpu.memory_space<hbm>> -> memref<1x384x128xf32, #tpu.memory_space<hbm>>
      %dma_start3A_39 = tpu.memref_squeeze %dma_start3A_38 : memref<1x384x128xf32, #tpu.memory_space<hbm>> -> memref<384x128xf32, #tpu.memory_space<hbm>>
      %dma_start3A_40 = arith.constant 0 : i32
      %dma_start3A_41 = tpu.memref_slice %arg10[%mul3A_34, %dma_start3A_40] : memref<6144x128xf32, #tpu.memory_space<vmem_shared>> -> memref<384x128xf32, #tpu.memory_space<vmem_shared>>
      tpu.enqueue_dma source(%dma_start3A_41 : memref<384x128xf32, #tpu.memory_space<vmem_shared>>) target(%dma_start3A_39 : memref<384x128xf32, #tpu.memory_space<hbm>>) target_semaphore(%run_scoped3A : memref<!tpu.dma_semaphore, #tpu.memory_space<semaphore_mem>>)
      %dma_wait3A = arith.constant 0 : i32
      %dma_wait3A_42 = tpu.memref_slice %arg5[%arg0, %mul3A_36, %dma_wait3A] : memref<2x6144x128xf32, #tpu.memory_space<hbm>> -> memref<1x384x128xf32, #tpu.memory_space<hbm>>
      %dma_wait3A_43 = tpu.memref_squeeze %dma_wait3A_42 : memref<1x384x128xf32, #tpu.memory_space<hbm>> -> memref<384x128xf32, #tpu.memory_space<hbm>>
      %dma_wait3A_44 = arith.constant 0 : i32
      %dma_wait3A_45 = tpu.memref_slice %arg10[%mul3A_34, %dma_wait3A_44] : memref<6144x128xf32, #tpu.memory_space<vmem_shared>> -> memref<384x128xf32, #tpu.memory_space<vmem_shared>>
      tpu.wait_dma2 semaphore(%run_scoped3A : memref<!tpu.dma_semaphore, #tpu.memory_space<semaphore_mem>>) src(%dma_wait3A_45 : memref<384x128xf32, #tpu.memory_space<vmem_shared>>) dst(%dma_wait3A_43 : memref<384x128xf32, #tpu.memory_space<hbm>>)
      tpu.yield
    }) : () -> ()
    return
  }
}

#map = affine_map<(d0, d1) -> (0, 0)>
#map1 = affine_map<(d0, d1) -> (0, 0, 0)>
module attributes {stable_mosaic.version = 14 : i64} {
  func.func @k(%arg0: i32, %arg1: i32, %arg2: memref<20000x128xf32, #tpu.memory_space<hbm>>, %arg3: memref<2560x128xi32, #tpu.memory_space<hbm>>, %arg4: memref<2560x128xi32, #tpu.memory_space<hbm>>, %arg5: memref<2x6144x128xf32, #tpu.memory_space<hbm>>, %arg6: memref<80x128xi32, #tpu.memory_space<vmem>>, %arg7: memref<80x128xi32, #tpu.memory_space<vmem>>, %arg8: memref<128x128xf32, #tpu.memory_space<vmem>>, %arg9: memref<128x128xf32, #tpu.memory_space<vmem>>, %arg10: memref<6144x128xf32, #tpu.memory_space<vmem_shared>>, %arg11: memref<!tpu.dma_semaphore, #tpu.memory_space<semaphore_mem>>, %arg12: memref<!tpu.dma_semaphore, #tpu.memory_space<semaphore_mem>>) attributes {dimension_semantics = [#tpu.dimension_semantics<core_parallel>, #tpu.dimension_semantics<subcore_parallel>], iteration_bounds = array<i64: 2, 16>, scalar_prefetch = 0 : i64, scratch_operands = 7 : i64, tpu.core_type = #tpu.core_type<sc_vector_subcore>, window_params = [{transform_indices = #map}, {transform_indices = #map}, {transform_indices = #map}, {transform_indices = #map1}]} {
    %mul3A = arith.constant 16 : i32
    %mul3A_0 = arith.muli %arg0, %mul3A : i32
    %add3A = arith.addi %mul3A_0, %arg1 : i32
    %scan3A = arith.constant 0 : i32
    %scan3A_1 = arith.constant 128 : i32
    %scan3A_2 = arith.addi %scan3A, %scan3A_1 : i32
    %scan3A_3 = arith.constant 1 : i32
    scf.for %scan3A_37 = %scan3A to %scan3A_2 step %scan3A_3  : i32 {
      %mul3A_38 = arith.constant 1 : i32
      %mul3A_39 = arith.muli %scan3A_37, %mul3A_38 : i32
      %add3A_40 = arith.constant 0 : i32
      %add3A_41 = arith.addi %add3A_40, %mul3A_39 : i32
      %scan3A_42 = arith.constant 0 : i32
      %scan3A_43 = arith.constant 8 : i32
      %scan3A_44 = arith.addi %scan3A_42, %scan3A_43 : i32
      %scan3A_45 = arith.constant 1 : i32
      scf.for %scan3A_47 = %scan3A_42 to %scan3A_44 step %scan3A_45  : i32 {
        %mul3A_48 = arith.constant 16 : i32
        %mul3A_49 = arith.muli %scan3A_47, %mul3A_48 : i32
        %add3A_50 = arith.constant 0 : i32
        %add3A_51 = arith.addi %add3A_50, %mul3A_49 : i32
        %broadcast_in_dim3A = arith.constant 0.000000e+00 : f32
        %broadcast_in_dim3A_52 = vector.broadcast %broadcast_in_dim3A : f32 to vector<16xf32>
        %swap3A = arith.index_cast %add3A_41 : i32 to index
        %swap3A_53 = arith.index_cast %add3A_51 : i32 to index
        %swap3A_54 = tpu.vector_load %arg8[%swap3A, %swap3A_53] {strides = array<i32>} : memref<128x128xf32, #tpu.memory_space<vmem>>, vector<1x16xf32>,
        %swap3A_55 = vector.shape_cast %swap3A_54 : vector<1x16xf32> to vector<16xf32>
        %swap3A_56 = vector.shape_cast %broadcast_in_dim3A_52 : vector<16xf32> to vector<1x16xf32>
        tpu.vector_store %arg8[%swap3A, %swap3A_53], %swap3A_56 {strides = array<i32>} : memref<128x128xf32, #tpu.memory_space<vmem>>, vector<1x16xf32>,
      }
      %scan3A_46 = arith.constant 8 : i32
    }
    %scan3A_4 = arith.constant 128 : i32
    %scan3A_5 = arith.constant 0 : i32
    %scan3A_6 = arith.constant 3 : i32
    %scan3A_7 = arith.addi %scan3A_5, %scan3A_6 : i32
    %scan3A_8 = arith.constant 1 : i32
    scf.for %scan3A_37 = %scan3A_5 to %scan3A_7 step %scan3A_8  : i32 {
      %mul3A_38 = arith.constant 128 : i32
      %mul3A_39 = arith.muli %scan3A_37, %mul3A_38 : i32
      %add3A_40 = arith.constant 0 : i32
      %add3A_41 = arith.addi %add3A_40, %mul3A_39 : i32
      %mul3A_42 = arith.constant 384 : i32
      %mul3A_43 = arith.muli %arg1, %mul3A_42 : i32
      %add3A_44 = arith.addi %mul3A_43, %add3A_41 : i32
      "tpu.region"() ({
        %run_scoped3A = tpu.sem_alloc : memref<!tpu.dma_semaphore, #tpu.memory_space<semaphore_mem>>
        %dma_start3A_45 = arith.constant 0 : i32
        %dma_start3A_46 = tpu.memref_slice %arg10[%add3A_44, %dma_start3A_45] : memref<6144x128xf32, #tpu.memory_space<vmem_shared>> -> memref<128x128xf32, #tpu.memory_space<vmem_shared>>
        %dma_start3A_47 = arith.constant 0 : i32
        %dma_start3A_48 = tpu.memref_slice %arg10[%add3A_44, %dma_start3A_47] : memref<6144x128xf32, #tpu.memory_space<vmem_shared>> -> memref<128x128xf32, #tpu.memory_space<vmem_shared>>
        tpu.enqueue_dma source(%arg8 : memref<128x128xf32, #tpu.memory_space<vmem>>) target(%dma_start3A_48 : memref<128x128xf32, #tpu.memory_space<vmem_shared>>) target_semaphore(%run_scoped3A : memref<!tpu.dma_semaphore, #tpu.memory_space<semaphore_mem>>)
        %dma_wait3A = arith.constant 0 : i32
        %dma_wait3A_49 = tpu.memref_slice %arg10[%add3A_44, %dma_wait3A] : memref<6144x128xf32, #tpu.memory_space<vmem_shared>> -> memref<128x128xf32, #tpu.memory_space<vmem_shared>>
        %dma_wait3A_50 = arith.constant 0 : i32
        %dma_wait3A_51 = tpu.memref_slice %arg10[%add3A_44, %dma_wait3A_50] : memref<6144x128xf32, #tpu.memory_space<vmem_shared>> -> memref<128x128xf32, #tpu.memory_space<vmem_shared>>
        tpu.wait_dma2 semaphore(%run_scoped3A : memref<!tpu.dma_semaphore, #tpu.memory_space<semaphore_mem>>) src(%arg8 : memref<128x128xf32, #tpu.memory_space<vmem>>) dst(%dma_wait3A_51 : memref<128x128xf32, #tpu.memory_space<vmem_shared>>)
        tpu.yield
      }) : () -> ()
    }
    %scan3A_9 = arith.constant 3 : i32
    %mul3A_10 = arith.constant 80 : i32
    %mul3A_11 = arith.muli %add3A, %mul3A_10 : i32
    "tpu.region"() ({
      %run_scoped3A = tpu.sem_alloc : memref<!tpu.dma_semaphore, #tpu.memory_space<semaphore_mem>>
      %dma_start3A_37 = arith.constant 0 : i32
      %dma_start3A_38 = tpu.memref_slice %arg3[%mul3A_11, %dma_start3A_37] : memref<2560x128xi32, #tpu.memory_space<hbm>> -> memref<80x128xi32, #tpu.memory_space<hbm>>
      %dma_start3A_39 = arith.constant 0 : i32
      %dma_start3A_40 = tpu.memref_slice %arg3[%mul3A_11, %dma_start3A_39] : memref<2560x128xi32, #tpu.memory_space<hbm>> -> memref<80x128xi32, #tpu.memory_space<hbm>>
      tpu.enqueue_dma source(%dma_start3A_40 : memref<80x128xi32, #tpu.memory_space<hbm>>) target(%arg6 : memref<80x128xi32, #tpu.memory_space<vmem>>) target_semaphore(%run_scoped3A : memref<!tpu.dma_semaphore, #tpu.memory_space<semaphore_mem>>)
      %dma_wait3A = arith.constant 0 : i32
      %dma_wait3A_41 = tpu.memref_slice %arg3[%mul3A_11, %dma_wait3A] : memref<2560x128xi32, #tpu.memory_space<hbm>> -> memref<80x128xi32, #tpu.memory_space<hbm>>
      %dma_wait3A_42 = arith.constant 0 : i32
      %dma_wait3A_43 = tpu.memref_slice %arg3[%mul3A_11, %dma_wait3A_42] : memref<2560x128xi32, #tpu.memory_space<hbm>> -> memref<80x128xi32, #tpu.memory_space<hbm>>
      tpu.wait_dma2 semaphore(%run_scoped3A : memref<!tpu.dma_semaphore, #tpu.memory_space<semaphore_mem>>) src(%dma_wait3A_43 : memref<80x128xi32, #tpu.memory_space<hbm>>) dst(%arg6 : memref<80x128xi32, #tpu.memory_space<vmem>>)
      tpu.yield
    }) : () -> ()
    %mul3A_12 = arith.constant 80 : i32
    %mul3A_13 = arith.muli %add3A, %mul3A_12 : i32
    "tpu.region"() ({
      %run_scoped3A = tpu.sem_alloc : memref<!tpu.dma_semaphore, #tpu.memory_space<semaphore_mem>>
      %dma_start3A_37 = arith.constant 0 : i32
      %dma_start3A_38 = tpu.memref_slice %arg4[%mul3A_13, %dma_start3A_37] : memref<2560x128xi32, #tpu.memory_space<hbm>> -> memref<80x128xi32, #tpu.memory_space<hbm>>
      %dma_start3A_39 = arith.constant 0 : i32
      %dma_start3A_40 = tpu.memref_slice %arg4[%mul3A_13, %dma_start3A_39] : memref<2560x128xi32, #tpu.memory_space<hbm>> -> memref<80x128xi32, #tpu.memory_space<hbm>>
      tpu.enqueue_dma source(%dma_start3A_40 : memref<80x128xi32, #tpu.memory_space<hbm>>) target(%arg7 : memref<80x128xi32, #tpu.memory_space<vmem>>) target_semaphore(%run_scoped3A : memref<!tpu.dma_semaphore, #tpu.memory_space<semaphore_mem>>)
      %dma_wait3A = arith.constant 0 : i32
      %dma_wait3A_41 = tpu.memref_slice %arg4[%mul3A_13, %dma_wait3A] : memref<2560x128xi32, #tpu.memory_space<hbm>> -> memref<80x128xi32, #tpu.memory_space<hbm>>
      %dma_wait3A_42 = arith.constant 0 : i32
      %dma_wait3A_43 = tpu.memref_slice %arg4[%mul3A_13, %dma_wait3A_42] : memref<2560x128xi32, #tpu.memory_space<hbm>> -> memref<80x128xi32, #tpu.memory_space<hbm>>
      tpu.wait_dma2 semaphore(%run_scoped3A : memref<!tpu.dma_semaphore, #tpu.memory_space<semaphore_mem>>) src(%dma_wait3A_43 : memref<80x128xi32, #tpu.memory_space<hbm>>) dst(%arg7 : memref<80x128xi32, #tpu.memory_space<vmem>>)
      tpu.yield
    }) : () -> ()
    %barrier3A = arith.constant 0 : index
    tpu.barrier barrier_id(%barrier3A)
    %dma_start3A = arith.constant 0 : i32
    %dma_start3A_14 = arith.constant 0 : i32
    %dma_start3A_15 = tpu.memref_slice %arg6[%dma_start3A, %dma_start3A_14] : memref<80x128xi32, #tpu.memory_space<vmem>> -> memref<1x128xi32, #tpu.memory_space<vmem>>
    %dma_start3A_16 = tpu.memref_squeeze %dma_start3A_15 : memref<1x128xi32, #tpu.memory_space<vmem>> -> memref<128xi32, #tpu.memory_space<vmem>>
    %dma_start3A_17 = arith.constant 0 : i32
    %dma_start3A_18 = arith.constant 0 : i32
    %dma_start3A_19 = tpu.memref_slice %arg2[%dma_start3A_17, %dma_start3A_18] : memref<20000x128xf32, #tpu.memory_space<hbm>> -> memref<20000x128xf32, #tpu.memory_space<hbm>>
    tpu.enqueue_indirect_dma source(%dma_start3A_19 : memref<20000x128xf32, #tpu.memory_space<hbm>>) target(%arg8 : memref<128x128xf32, #tpu.memory_space<vmem>>) offsets(%dma_start3A_16 : memref<128xi32, #tpu.memory_space<vmem>>) semaphore(%arg11 : memref<!tpu.dma_semaphore, #tpu.memory_space<semaphore_mem>>)
    %dma_start3A_20 = arith.constant 1 : i32
    %dma_start3A_21 = arith.constant 0 : i32
    %dma_start3A_22 = tpu.memref_slice %arg6[%dma_start3A_20, %dma_start3A_21] : memref<80x128xi32, #tpu.memory_space<vmem>> -> memref<1x128xi32, #tpu.memory_space<vmem>>
    %dma_start3A_23 = tpu.memref_squeeze %dma_start3A_22 : memref<1x128xi32, #tpu.memory_space<vmem>> -> memref<128xi32, #tpu.memory_space<vmem>>
    %dma_start3A_24 = arith.constant 0 : i32
    %dma_start3A_25 = arith.constant 0 : i32
    %dma_start3A_26 = tpu.memref_slice %arg2[%dma_start3A_24, %dma_start3A_25] : memref<20000x128xf32, #tpu.memory_space<hbm>> -> memref<20000x128xf32, #tpu.memory_space<hbm>>
    tpu.enqueue_indirect_dma source(%dma_start3A_26 : memref<20000x128xf32, #tpu.memory_space<hbm>>) target(%arg9 : memref<128x128xf32, #tpu.memory_space<vmem>>) offsets(%dma_start3A_23 : memref<128xi32, #tpu.memory_space<vmem>>) semaphore(%arg12 : memref<!tpu.dma_semaphore, #tpu.memory_space<semaphore_mem>>)
    %scan3A_27 = arith.constant 0 : i32
    %scan3A_28 = arith.constant 40 : i32
    %scan3A_29 = arith.addi %scan3A_27, %scan3A_28 : i32
    %scan3A_30 = arith.constant 1 : i32
    scf.for %scan3A_37 = %scan3A_27 to %scan3A_29 step %scan3A_30  : i32 {
      %mul3A_38 = arith.constant 2 : i32
      %mul3A_39 = arith.muli %scan3A_37, %mul3A_38 : i32
      %add3A_40 = arith.constant 0 : i32
      %add3A_41 = arith.addi %add3A_40, %mul3A_39 : i32
      %dma_wait3A = arith.constant 0 : i32
      %dma_wait3A_42 = arith.constant 0 : i32
      %dma_wait3A_43 = tpu.memref_slice %arg6[%dma_wait3A, %dma_wait3A_42] : memref<80x128xi32, #tpu.memory_space<vmem>> -> memref<1x128xi32, #tpu.memory_space<vmem>>
      %dma_wait3A_44 = tpu.memref_squeeze %dma_wait3A_43 : memref<1x128xi32, #tpu.memory_space<vmem>> -> memref<128xi32, #tpu.memory_space<vmem>>
      %dma_wait3A_45 = arith.constant 0 : i32
      %dma_wait3A_46 = arith.constant 0 : i32
      %dma_wait3A_47 = tpu.memref_slice %arg2[%dma_wait3A_45, %dma_wait3A_46] : memref<20000x128xf32, #tpu.memory_space<hbm>> -> memref<20000x128xf32, #tpu.memory_space<hbm>>
      tpu.wait_indirect_dma semaphore(%arg11 : memref<!tpu.dma_semaphore, #tpu.memory_space<semaphore_mem>>) src(%dma_wait3A_47 : memref<20000x128xf32, #tpu.memory_space<hbm>>) dst(%arg8 : memref<128x128xf32, #tpu.memory_space<vmem>>)
      "tpu.region"() ({
        %run_scoped3A = tpu.sem_alloc : memref<!tpu.dma_semaphore, #tpu.memory_space<semaphore_mem>>
        %dma_start3A_68 = arith.constant 0 : i32
        %dma_start3A_69 = tpu.memref_slice %arg7[%add3A_41, %dma_start3A_68] : memref<80x128xi32, #tpu.memory_space<vmem>> -> memref<1x128xi32, #tpu.memory_space<vmem>>
        %dma_start3A_70 = tpu.memref_squeeze %dma_start3A_69 : memref<1x128xi32, #tpu.memory_space<vmem>> -> memref<128xi32, #tpu.memory_space<vmem>>
        %dma_start3A_71 = arith.constant 0 : i32
        %dma_start3A_72 = arith.constant 0 : i32
        %dma_start3A_73 = tpu.memref_slice %arg10[%dma_start3A_71, %dma_start3A_72] : memref<6144x128xf32, #tpu.memory_space<vmem_shared>> -> memref<6144x128xf32, #tpu.memory_space<vmem_shared>>
        tpu.enqueue_indirect_dma source(%arg8 : memref<128x128xf32, #tpu.memory_space<vmem>>) target(%dma_start3A_73 : memref<6144x128xf32, #tpu.memory_space<vmem_shared>>) offsets(%dma_start3A_70 : memref<128xi32, #tpu.memory_space<vmem>>) semaphore(%run_scoped3A : memref<!tpu.dma_semaphore, #tpu.memory_space<semaphore_mem>>) {add = true}
        %dma_wait3A_74 = arith.constant 0 : i32
        %dma_wait3A_75 = tpu.memref_slice %arg7[%add3A_41, %dma_wait3A_74] : memref<80x128xi32, #tpu.memory_space<vmem>> -> memref<1x128xi32, #tpu.memory_space<vmem>>
        %dma_wait3A_76 = tpu.memref_squeeze %dma_wait3A_75 : memref<1x128xi32, #tpu.memory_space<vmem>> -> memref<128xi32, #tpu.memory_space<vmem>>
        %dma_wait3A_77 = arith.constant 0 : i32
        %dma_wait3A_78 = arith.constant 0 : i32
        %dma_wait3A_79 = tpu.memref_slice %arg10[%dma_wait3A_77, %dma_wait3A_78] : memref<6144x128xf32, #tpu.memory_space<vmem_shared>> -> memref<6144x128xf32, #tpu.memory_space<vmem_shared>>
        tpu.wait_indirect_dma semaphore(%run_scoped3A : memref<!tpu.dma_semaphore, #tpu.memory_space<semaphore_mem>>) src(%arg8 : memref<128x128xf32, #tpu.memory_space<vmem>>) dst(%dma_wait3A_79 : memref<6144x128xf32, #tpu.memory_space<vmem_shared>>)
        tpu.yield
      }) : () -> ()
      %add3A_48 = arith.constant 2 : i32
      %add3A_49 = arith.addi %add3A_41, %add3A_48 : i32
      %lt3A = arith.constant 80 : i32
      %lt3A_50 = arith.cmpi slt, %add3A_49, %lt3A : i32
      %convert_element_type3A = arith.extui %lt3A_50 : i1 to i32
      %cond3A = arith.constant 0 : i32
      %cond3A_51 = arith.cmpi ne, %convert_element_type3A, %cond3A : i32
      scf.if %cond3A_51 {
        %add3A_68 = arith.constant 2 : i32
        %add3A_69 = arith.addi %add3A_41, %add3A_68 : i32
        %dma_start3A_70 = arith.constant 0 : i32
        %dma_start3A_71 = tpu.memref_slice %arg6[%add3A_69, %dma_start3A_70] : memref<80x128xi32, #tpu.memory_space<vmem>> -> memref<1x128xi32, #tpu.memory_space<vmem>>
        %dma_start3A_72 = tpu.memref_squeeze %dma_start3A_71 : memref<1x128xi32, #tpu.memory_space<vmem>> -> memref<128xi32, #tpu.memory_space<vmem>>
        %dma_start3A_73 = arith.constant 0 : i32
        %dma_start3A_74 = arith.constant 0 : i32
        %dma_start3A_75 = tpu.memref_slice %arg2[%dma_start3A_73, %dma_start3A_74] : memref<20000x128xf32, #tpu.memory_space<hbm>> -> memref<20000x128xf32, #tpu.memory_space<hbm>>
        tpu.enqueue_indirect_dma source(%dma_start3A_75 : memref<20000x128xf32, #tpu.memory_space<hbm>>) target(%arg8 : memref<128x128xf32, #tpu.memory_space<vmem>>) offsets(%dma_start3A_72 : memref<128xi32, #tpu.memory_space<vmem>>) semaphore(%arg11 : memref<!tpu.dma_semaphore, #tpu.memory_space<semaphore_mem>>)
      } else {
      }
      %dma_wait3A_52 = arith.constant 1 : i32
      %dma_wait3A_53 = arith.constant 0 : i32
      %dma_wait3A_54 = tpu.memref_slice %arg6[%dma_wait3A_52, %dma_wait3A_53] : memref<80x128xi32, #tpu.memory_space<vmem>> -> memref<1x128xi32, #tpu.memory_space<vmem>>
      %dma_wait3A_55 = tpu.memref_squeeze %dma_wait3A_54 : memref<1x128xi32, #tpu.memory_space<vmem>> -> memref<128xi32, #tpu.memory_space<vmem>>
      %dma_wait3A_56 = arith.constant 0 : i32
      %dma_wait3A_57 = arith.constant 0 : i32
      %dma_wait3A_58 = tpu.memref_slice %arg2[%dma_wait3A_56, %dma_wait3A_57] : memref<20000x128xf32, #tpu.memory_space<hbm>> -> memref<20000x128xf32, #tpu.memory_space<hbm>>
      tpu.wait_indirect_dma semaphore(%arg12 : memref<!tpu.dma_semaphore, #tpu.memory_space<semaphore_mem>>) src(%dma_wait3A_58 : memref<20000x128xf32, #tpu.memory_space<hbm>>) dst(%arg9 : memref<128x128xf32, #tpu.memory_space<vmem>>)
      %add3A_59 = arith.constant 1 : i32
      %add3A_60 = arith.addi %add3A_41, %add3A_59 : i32
      "tpu.region"() ({
        %run_scoped3A = tpu.sem_alloc : memref<!tpu.dma_semaphore, #tpu.memory_space<semaphore_mem>>
        %dma_start3A_68 = arith.constant 0 : i32
        %dma_start3A_69 = tpu.memref_slice %arg7[%add3A_60, %dma_start3A_68] : memref<80x128xi32, #tpu.memory_space<vmem>> -> memref<1x128xi32, #tpu.memory_space<vmem>>
        %dma_start3A_70 = tpu.memref_squeeze %dma_start3A_69 : memref<1x128xi32, #tpu.memory_space<vmem>> -> memref<128xi32, #tpu.memory_space<vmem>>
        %dma_start3A_71 = arith.constant 0 : i32
        %dma_start3A_72 = arith.constant 0 : i32
        %dma_start3A_73 = tpu.memref_slice %arg10[%dma_start3A_71, %dma_start3A_72] : memref<6144x128xf32, #tpu.memory_space<vmem_shared>> -> memref<6144x128xf32, #tpu.memory_space<vmem_shared>>
        tpu.enqueue_indirect_dma source(%arg9 : memref<128x128xf32, #tpu.memory_space<vmem>>) target(%dma_start3A_73 : memref<6144x128xf32, #tpu.memory_space<vmem_shared>>) offsets(%dma_start3A_70 : memref<128xi32, #tpu.memory_space<vmem>>) semaphore(%run_scoped3A : memref<!tpu.dma_semaphore, #tpu.memory_space<semaphore_mem>>) {add = true}
        %dma_wait3A_74 = arith.constant 0 : i32
        %dma_wait3A_75 = tpu.memref_slice %arg7[%add3A_60, %dma_wait3A_74] : memref<80x128xi32, #tpu.memory_space<vmem>> -> memref<1x128xi32, #tpu.memory_space<vmem>>
        %dma_wait3A_76 = tpu.memref_squeeze %dma_wait3A_75 : memref<1x128xi32, #tpu.memory_space<vmem>> -> memref<128xi32, #tpu.memory_space<vmem>>
        %dma_wait3A_77 = arith.constant 0 : i32
        %dma_wait3A_78 = arith.constant 0 : i32
        %dma_wait3A_79 = tpu.memref_slice %arg10[%dma_wait3A_77, %dma_wait3A_78] : memref<6144x128xf32, #tpu.memory_space<vmem_shared>> -> memref<6144x128xf32, #tpu.memory_space<vmem_shared>>
        tpu.wait_indirect_dma semaphore(%run_scoped3A : memref<!tpu.dma_semaphore, #tpu.memory_space<semaphore_mem>>) src(%arg9 : memref<128x128xf32, #tpu.memory_space<vmem>>) dst(%dma_wait3A_79 : memref<6144x128xf32, #tpu.memory_space<vmem_shared>>)
        tpu.yield
      }) : () -> ()
      %add3A_61 = arith.constant 3 : i32
      %add3A_62 = arith.addi %add3A_41, %add3A_61 : i32
      %lt3A_63 = arith.constant 80 : i32
      %lt3A_64 = arith.cmpi slt, %add3A_62, %lt3A_63 : i32
      %convert_element_type3A_65 = arith.extui %lt3A_64 : i1 to i32
      %cond3A_66 = arith.constant 0 : i32
      %cond3A_67 = arith.cmpi ne, %convert_element_type3A_65, %cond3A_66 : i32
      scf.if %cond3A_67 {
        %add3A_68 = arith.constant 3 : i32
        %add3A_69 = arith.addi %add3A_41, %add3A_68 : i32
        %dma_start3A_70 = arith.constant 0 : i32
        %dma_start3A_71 = tpu.memref_slice %arg6[%add3A_69, %dma_start3A_70] : memref<80x128xi32, #tpu.memory_space<vmem>> -> memref<1x128xi32, #tpu.memory_space<vmem>>
        %dma_start3A_72 = tpu.memref_squeeze %dma_start3A_71 : memref<1x128xi32, #tpu.memory_space<vmem>> -> memref<128xi32, #tpu.memory_space<vmem>>
        %dma_start3A_73 = arith.constant 0 : i32
        %dma_start3A_74 = arith.constant 0 : i32
        %dma_start3A_75 = tpu.memref_slice %arg2[%dma_start3A_73, %dma_start3A_74] : memref<20000x128xf32, #tpu.memory_space<hbm>> -> memref<20000x128xf32, #tpu.memory_space<hbm>>
        tpu.enqueue_indirect_dma source(%dma_start3A_75 : memref<20000x128xf32, #tpu.memory_space<hbm>>) target(%arg9 : memref<128x128xf32, #tpu.memory_space<vmem>>) offsets(%dma_start3A_72 : memref<128xi32, #tpu.memory_space<vmem>>) semaphore(%arg12 : memref<!tpu.dma_semaphore, #tpu.memory_space<semaphore_mem>>)
      } else {
      }
    }
    %scan3A_31 = arith.constant 40 : i32
    %barrier3A_32 = arith.constant 0 : index
    tpu.barrier barrier_id(%barrier3A_32)
    %mul3A_33 = arith.constant 384 : i32
    %mul3A_34 = arith.muli %arg1, %mul3A_33 : i32
    %mul3A_35 = arith.constant 384 : i32
    %mul3A_36 = arith.muli %arg1, %mul3A_35 : i32
    "tpu.region"() ({
      %run_scoped3A = tpu.sem_alloc : memref<!tpu.dma_semaphore, #tpu.memory_space<semaphore_mem>>
      %dma_start3A_37 = arith.constant 0 : i32
      %dma_start3A_38 = tpu.memref_slice %arg5[%arg0, %mul3A_36, %dma_start3A_37] : memref<2x6144x128xf32, #tpu.memory_space<hbm>> -> memref<1x384x128xf32, #tpu.memory_space<hbm>>
      %dma_start3A_39 = tpu.memref_squeeze %dma_start3A_38 : memref<1x384x128xf32, #tpu.memory_space<hbm>> -> memref<384x128xf32, #tpu.memory_space<hbm>>
      %dma_start3A_40 = arith.constant 0 : i32
      %dma_start3A_41 = tpu.memref_slice %arg10[%mul3A_34, %dma_start3A_40] : memref<6144x128xf32, #tpu.memory_space<vmem_shared>> -> memref<384x128xf32, #tpu.memory_space<vmem_shared>>
      tpu.enqueue_dma source(%dma_start3A_41 : memref<384x128xf32, #tpu.memory_space<vmem_shared>>) target(%dma_start3A_39 : memref<384x128xf32, #tpu.memory_space<hbm>>) target_semaphore(%run_scoped3A : memref<!tpu.dma_semaphore, #tpu.memory_space<semaphore_mem>>)
      %dma_wait3A = arith.constant 0 : i32
      %dma_wait3A_42 = tpu.memref_slice %arg5[%arg0, %mul3A_36, %dma_wait3A] : memref<2x6144x128xf32, #tpu.memory_space<hbm>> -> memref<1x384x128xf32, #tpu.memory_space<hbm>>
      %dma_wait3A_43 = tpu.memref_squeeze %dma_wait3A_42 : memref<1x384x128xf32, #tpu.memory_space<hbm>> -> memref<384x128xf32, #tpu.memory_space<hbm>>
      %dma_wait3A_44 = arith.constant 0 : i32
      %dma_wait3A_45 = tpu.memref_slice %arg10[%mul3A_34, %dma_wait3A_44] : memref<6144x128xf32, #tpu.memory_space<vmem_shared>> -> memref<384x128xf32, #tpu.memory_space<vmem_shared>>
      tpu.wait_dma2 semaphore(%run_scoped3A : memref<!tpu.dma_semaphore, #tpu.memory_space<semaphore_mem>>) src(%dma_wait3A_45 : memref<384x128xf32, #tpu.memory_space<vmem_shared>>) dst(%dma_wait3A_43 : memref<384x128xf32, #tpu.memory_space<hbm>>)
      tpu.yield
    }) : () -> ()
    return
  }
}

#map = affine_map<(d0, d1) -> (0, 0)>
#map1 = affine_map<(d0, d1) -> (0, 0, 0)>
module attributes {stable_mosaic.version = 14 : i64} {
  func.func @k(%arg0: i32, %arg1: i32, %arg2: memref<2048x128xf32, #tpu.memory_space<hbm>>, %arg3: memref<2560x128xi32, #tpu.memory_space<hbm>>, %arg4: memref<2560x128xi32, #tpu.memory_space<hbm>>, %arg5: memref<2x6144x128xf32, #tpu.memory_space<hbm>>, %arg6: memref<80x128xi32, #tpu.memory_space<vmem>>, %arg7: memref<80x128xi32, #tpu.memory_space<vmem>>, %arg8: memref<128x128xf32, #tpu.memory_space<vmem>>, %arg9: memref<128x128xf32, #tpu.memory_space<vmem>>, %arg10: memref<6144x128xf32, #tpu.memory_space<vmem_shared>>, %arg11: memref<!tpu.dma_semaphore, #tpu.memory_space<semaphore_mem>>, %arg12: memref<!tpu.dma_semaphore, #tpu.memory_space<semaphore_mem>>) attributes {dimension_semantics = [#tpu.dimension_semantics<core_parallel>, #tpu.dimension_semantics<subcore_parallel>], iteration_bounds = array<i64: 2, 16>, scalar_prefetch = 0 : i64, scratch_operands = 7 : i64, tpu.core_type = #tpu.core_type<sc_vector_subcore>, window_params = [{transform_indices = #map}, {transform_indices = #map}, {transform_indices = #map}, {transform_indices = #map1}]} {
    %mul3A = arith.constant 16 : i32
    %mul3A_0 = arith.muli %arg0, %mul3A : i32
    %add3A = arith.addi %mul3A_0, %arg1 : i32
    %scan3A = arith.constant 0 : i32
    %scan3A_1 = arith.constant 128 : i32
    %scan3A_2 = arith.addi %scan3A, %scan3A_1 : i32
    %scan3A_3 = arith.constant 1 : i32
    scf.for %scan3A_37 = %scan3A to %scan3A_2 step %scan3A_3  : i32 {
      %mul3A_38 = arith.constant 1 : i32
      %mul3A_39 = arith.muli %scan3A_37, %mul3A_38 : i32
      %add3A_40 = arith.constant 0 : i32
      %add3A_41 = arith.addi %add3A_40, %mul3A_39 : i32
      %scan3A_42 = arith.constant 0 : i32
      %scan3A_43 = arith.constant 8 : i32
      %scan3A_44 = arith.addi %scan3A_42, %scan3A_43 : i32
      %scan3A_45 = arith.constant 1 : i32
      scf.for %scan3A_47 = %scan3A_42 to %scan3A_44 step %scan3A_45  : i32 {
        %mul3A_48 = arith.constant 16 : i32
        %mul3A_49 = arith.muli %scan3A_47, %mul3A_48 : i32
        %add3A_50 = arith.constant 0 : i32
        %add3A_51 = arith.addi %add3A_50, %mul3A_49 : i32
        %broadcast_in_dim3A = arith.constant 0.000000e+00 : f32
        %broadcast_in_dim3A_52 = vector.broadcast %broadcast_in_dim3A : f32 to vector<16xf32>
        %swap3A = arith.index_cast %add3A_41 : i32 to index
        %swap3A_53 = arith.index_cast %add3A_51 : i32 to index
        %swap3A_54 = tpu.vector_load %arg8[%swap3A, %swap3A_53] {strides = array<i32>} : memref<128x128xf32, #tpu.memory_space<vmem>>, vector<1x16xf32>,
        %swap3A_55 = vector.shape_cast %swap3A_54 : vector<1x16xf32> to vector<16xf32>
        %swap3A_56 = vector.shape_cast %broadcast_in_dim3A_52 : vector<16xf32> to vector<1x16xf32>
        tpu.vector_store %arg8[%swap3A, %swap3A_53], %swap3A_56 {strides = array<i32>} : memref<128x128xf32, #tpu.memory_space<vmem>>, vector<1x16xf32>,
      }
      %scan3A_46 = arith.constant 8 : i32
    }
    %scan3A_4 = arith.constant 128 : i32
    %scan3A_5 = arith.constant 0 : i32
    %scan3A_6 = arith.constant 3 : i32
    %scan3A_7 = arith.addi %scan3A_5, %scan3A_6 : i32
    %scan3A_8 = arith.constant 1 : i32
    scf.for %scan3A_37 = %scan3A_5 to %scan3A_7 step %scan3A_8  : i32 {
      %mul3A_38 = arith.constant 128 : i32
      %mul3A_39 = arith.muli %scan3A_37, %mul3A_38 : i32
      %add3A_40 = arith.constant 0 : i32
      %add3A_41 = arith.addi %add3A_40, %mul3A_39 : i32
      %mul3A_42 = arith.constant 384 : i32
      %mul3A_43 = arith.muli %arg1, %mul3A_42 : i32
      %add3A_44 = arith.addi %mul3A_43, %add3A_41 : i32
      "tpu.region"() ({
        %run_scoped3A = tpu.sem_alloc : memref<!tpu.dma_semaphore, #tpu.memory_space<semaphore_mem>>
        %dma_start3A_45 = arith.constant 0 : i32
        %dma_start3A_46 = tpu.memref_slice %arg10[%add3A_44, %dma_start3A_45] : memref<6144x128xf32, #tpu.memory_space<vmem_shared>> -> memref<128x128xf32, #tpu.memory_space<vmem_shared>>
        %dma_start3A_47 = arith.constant 0 : i32
        %dma_start3A_48 = tpu.memref_slice %arg10[%add3A_44, %dma_start3A_47] : memref<6144x128xf32, #tpu.memory_space<vmem_shared>> -> memref<128x128xf32, #tpu.memory_space<vmem_shared>>
        tpu.enqueue_dma source(%arg8 : memref<128x128xf32, #tpu.memory_space<vmem>>) target(%dma_start3A_48 : memref<128x128xf32, #tpu.memory_space<vmem_shared>>) target_semaphore(%run_scoped3A : memref<!tpu.dma_semaphore, #tpu.memory_space<semaphore_mem>>)
        %dma_wait3A = arith.constant 0 : i32
        %dma_wait3A_49 = tpu.memref_slice %arg10[%add3A_44, %dma_wait3A] : memref<6144x128xf32, #tpu.memory_space<vmem_shared>> -> memref<128x128xf32, #tpu.memory_space<vmem_shared>>
        %dma_wait3A_50 = arith.constant 0 : i32
        %dma_wait3A_51 = tpu.memref_slice %arg10[%add3A_44, %dma_wait3A_50] : memref<6144x128xf32, #tpu.memory_space<vmem_shared>> -> memref<128x128xf32, #tpu.memory_space<vmem_shared>>
        tpu.wait_dma2 semaphore(%run_scoped3A : memref<!tpu.dma_semaphore, #tpu.memory_space<semaphore_mem>>) src(%arg8 : memref<128x128xf32, #tpu.memory_space<vmem>>) dst(%dma_wait3A_51 : memref<128x128xf32, #tpu.memory_space<vmem_shared>>)
        tpu.yield
      }) : () -> ()
    }
    %scan3A_9 = arith.constant 3 : i32
    %mul3A_10 = arith.constant 80 : i32
    %mul3A_11 = arith.muli %add3A, %mul3A_10 : i32
    "tpu.region"() ({
      %run_scoped3A = tpu.sem_alloc : memref<!tpu.dma_semaphore, #tpu.memory_space<semaphore_mem>>
      %dma_start3A_37 = arith.constant 0 : i32
      %dma_start3A_38 = tpu.memref_slice %arg3[%mul3A_11, %dma_start3A_37] : memref<2560x128xi32, #tpu.memory_space<hbm>> -> memref<80x128xi32, #tpu.memory_space<hbm>>
      %dma_start3A_39 = arith.constant 0 : i32
      %dma_start3A_40 = tpu.memref_slice %arg3[%mul3A_11, %dma_start3A_39] : memref<2560x128xi32, #tpu.memory_space<hbm>> -> memref<80x128xi32, #tpu.memory_space<hbm>>
      tpu.enqueue_dma source(%dma_start3A_40 : memref<80x128xi32, #tpu.memory_space<hbm>>) target(%arg6 : memref<80x128xi32, #tpu.memory_space<vmem>>) target_semaphore(%run_scoped3A : memref<!tpu.dma_semaphore, #tpu.memory_space<semaphore_mem>>)
      %dma_wait3A = arith.constant 0 : i32
      %dma_wait3A_41 = tpu.memref_slice %arg3[%mul3A_11, %dma_wait3A] : memref<2560x128xi32, #tpu.memory_space<hbm>> -> memref<80x128xi32, #tpu.memory_space<hbm>>
      %dma_wait3A_42 = arith.constant 0 : i32
      %dma_wait3A_43 = tpu.memref_slice %arg3[%mul3A_11, %dma_wait3A_42] : memref<2560x128xi32, #tpu.memory_space<hbm>> -> memref<80x128xi32, #tpu.memory_space<hbm>>
      tpu.wait_dma2 semaphore(%run_scoped3A : memref<!tpu.dma_semaphore, #tpu.memory_space<semaphore_mem>>) src(%dma_wait3A_43 : memref<80x128xi32, #tpu.memory_space<hbm>>) dst(%arg6 : memref<80x128xi32, #tpu.memory_space<vmem>>)
      tpu.yield
    }) : () -> ()
    %mul3A_12 = arith.constant 80 : i32
    %mul3A_13 = arith.muli %add3A, %mul3A_12 : i32
    "tpu.region"() ({
      %run_scoped3A = tpu.sem_alloc : memref<!tpu.dma_semaphore, #tpu.memory_space<semaphore_mem>>
      %dma_start3A_37 = arith.constant 0 : i32
      %dma_start3A_38 = tpu.memref_slice %arg4[%mul3A_13, %dma_start3A_37] : memref<2560x128xi32, #tpu.memory_space<hbm>> -> memref<80x128xi32, #tpu.memory_space<hbm>>
      %dma_start3A_39 = arith.constant 0 : i32
      %dma_start3A_40 = tpu.memref_slice %arg4[%mul3A_13, %dma_start3A_39] : memref<2560x128xi32, #tpu.memory_space<hbm>> -> memref<80x128xi32, #tpu.memory_space<hbm>>
      tpu.enqueue_dma source(%dma_start3A_40 : memref<80x128xi32, #tpu.memory_space<hbm>>) target(%arg7 : memref<80x128xi32, #tpu.memory_space<vmem>>) target_semaphore(%run_scoped3A : memref<!tpu.dma_semaphore, #tpu.memory_space<semaphore_mem>>)
      %dma_wait3A = arith.constant 0 : i32
      %dma_wait3A_41 = tpu.memref_slice %arg4[%mul3A_13, %dma_wait3A] : memref<2560x128xi32, #tpu.memory_space<hbm>> -> memref<80x128xi32, #tpu.memory_space<hbm>>
      %dma_wait3A_42 = arith.constant 0 : i32
      %dma_wait3A_43 = tpu.memref_slice %arg4[%mul3A_13, %dma_wait3A_42] : memref<2560x128xi32, #tpu.memory_space<hbm>> -> memref<80x128xi32, #tpu.memory_space<hbm>>
      tpu.wait_dma2 semaphore(%run_scoped3A : memref<!tpu.dma_semaphore, #tpu.memory_space<semaphore_mem>>) src(%dma_wait3A_43 : memref<80x128xi32, #tpu.memory_space<hbm>>) dst(%arg7 : memref<80x128xi32, #tpu.memory_space<vmem>>)
      tpu.yield
    }) : () -> ()
    %barrier3A = arith.constant 0 : index
    tpu.barrier barrier_id(%barrier3A)
    %dma_start3A = arith.constant 0 : i32
    %dma_start3A_14 = arith.constant 0 : i32
    %dma_start3A_15 = tpu.memref_slice %arg6[%dma_start3A, %dma_start3A_14] : memref<80x128xi32, #tpu.memory_space<vmem>> -> memref<1x128xi32, #tpu.memory_space<vmem>>
    %dma_start3A_16 = tpu.memref_squeeze %dma_start3A_15 : memref<1x128xi32, #tpu.memory_space<vmem>> -> memref<128xi32, #tpu.memory_space<vmem>>
    %dma_start3A_17 = arith.constant 0 : i32
    %dma_start3A_18 = arith.constant 0 : i32
    %dma_start3A_19 = tpu.memref_slice %arg2[%dma_start3A_17, %dma_start3A_18] : memref<2048x128xf32, #tpu.memory_space<hbm>> -> memref<2048x128xf32, #tpu.memory_space<hbm>>
    tpu.enqueue_indirect_dma source(%dma_start3A_19 : memref<2048x128xf32, #tpu.memory_space<hbm>>) target(%arg8 : memref<128x128xf32, #tpu.memory_space<vmem>>) offsets(%dma_start3A_16 : memref<128xi32, #tpu.memory_space<vmem>>) semaphore(%arg11 : memref<!tpu.dma_semaphore, #tpu.memory_space<semaphore_mem>>)
    %dma_start3A_20 = arith.constant 1 : i32
    %dma_start3A_21 = arith.constant 0 : i32
    %dma_start3A_22 = tpu.memref_slice %arg6[%dma_start3A_20, %dma_start3A_21] : memref<80x128xi32, #tpu.memory_space<vmem>> -> memref<1x128xi32, #tpu.memory_space<vmem>>
    %dma_start3A_23 = tpu.memref_squeeze %dma_start3A_22 : memref<1x128xi32, #tpu.memory_space<vmem>> -> memref<128xi32, #tpu.memory_space<vmem>>
    %dma_start3A_24 = arith.constant 0 : i32
    %dma_start3A_25 = arith.constant 0 : i32
    %dma_start3A_26 = tpu.memref_slice %arg2[%dma_start3A_24, %dma_start3A_25] : memref<2048x128xf32, #tpu.memory_space<hbm>> -> memref<2048x128xf32, #tpu.memory_space<hbm>>
    tpu.enqueue_indirect_dma source(%dma_start3A_26 : memref<2048x128xf32, #tpu.memory_space<hbm>>) target(%arg9 : memref<128x128xf32, #tpu.memory_space<vmem>>) offsets(%dma_start3A_23 : memref<128xi32, #tpu.memory_space<vmem>>) semaphore(%arg12 : memref<!tpu.dma_semaphore, #tpu.memory_space<semaphore_mem>>)
    %scan3A_27 = arith.constant 0 : i32
    %scan3A_28 = arith.constant 40 : i32
    %scan3A_29 = arith.addi %scan3A_27, %scan3A_28 : i32
    %scan3A_30 = arith.constant 1 : i32
    scf.for %scan3A_37 = %scan3A_27 to %scan3A_29 step %scan3A_30  : i32 {
      %mul3A_38 = arith.constant 2 : i32
      %mul3A_39 = arith.muli %scan3A_37, %mul3A_38 : i32
      %add3A_40 = arith.constant 0 : i32
      %add3A_41 = arith.addi %add3A_40, %mul3A_39 : i32
      %dma_wait3A = arith.constant 0 : i32
      %dma_wait3A_42 = arith.constant 0 : i32
      %dma_wait3A_43 = tpu.memref_slice %arg6[%dma_wait3A, %dma_wait3A_42] : memref<80x128xi32, #tpu.memory_space<vmem>> -> memref<1x128xi32, #tpu.memory_space<vmem>>
      %dma_wait3A_44 = tpu.memref_squeeze %dma_wait3A_43 : memref<1x128xi32, #tpu.memory_space<vmem>> -> memref<128xi32, #tpu.memory_space<vmem>>
      %dma_wait3A_45 = arith.constant 0 : i32
      %dma_wait3A_46 = arith.constant 0 : i32
      %dma_wait3A_47 = tpu.memref_slice %arg2[%dma_wait3A_45, %dma_wait3A_46] : memref<2048x128xf32, #tpu.memory_space<hbm>> -> memref<2048x128xf32, #tpu.memory_space<hbm>>
      tpu.wait_indirect_dma semaphore(%arg11 : memref<!tpu.dma_semaphore, #tpu.memory_space<semaphore_mem>>) src(%dma_wait3A_47 : memref<2048x128xf32, #tpu.memory_space<hbm>>) dst(%arg8 : memref<128x128xf32, #tpu.memory_space<vmem>>)
      "tpu.region"() ({
        %run_scoped3A = tpu.sem_alloc : memref<!tpu.dma_semaphore, #tpu.memory_space<semaphore_mem>>
        %dma_start3A_68 = arith.constant 0 : i32
        %dma_start3A_69 = tpu.memref_slice %arg7[%add3A_41, %dma_start3A_68] : memref<80x128xi32, #tpu.memory_space<vmem>> -> memref<1x128xi32, #tpu.memory_space<vmem>>
        %dma_start3A_70 = tpu.memref_squeeze %dma_start3A_69 : memref<1x128xi32, #tpu.memory_space<vmem>> -> memref<128xi32, #tpu.memory_space<vmem>>
        %dma_start3A_71 = arith.constant 0 : i32
        %dma_start3A_72 = arith.constant 0 : i32
        %dma_start3A_73 = tpu.memref_slice %arg10[%dma_start3A_71, %dma_start3A_72] : memref<6144x128xf32, #tpu.memory_space<vmem_shared>> -> memref<6144x128xf32, #tpu.memory_space<vmem_shared>>
        tpu.enqueue_indirect_dma source(%arg8 : memref<128x128xf32, #tpu.memory_space<vmem>>) target(%dma_start3A_73 : memref<6144x128xf32, #tpu.memory_space<vmem_shared>>) offsets(%dma_start3A_70 : memref<128xi32, #tpu.memory_space<vmem>>) semaphore(%run_scoped3A : memref<!tpu.dma_semaphore, #tpu.memory_space<semaphore_mem>>) {add = true}
        %dma_wait3A_74 = arith.constant 0 : i32
        %dma_wait3A_75 = tpu.memref_slice %arg7[%add3A_41, %dma_wait3A_74] : memref<80x128xi32, #tpu.memory_space<vmem>> -> memref<1x128xi32, #tpu.memory_space<vmem>>
        %dma_wait3A_76 = tpu.memref_squeeze %dma_wait3A_75 : memref<1x128xi32, #tpu.memory_space<vmem>> -> memref<128xi32, #tpu.memory_space<vmem>>
        %dma_wait3A_77 = arith.constant 0 : i32
        %dma_wait3A_78 = arith.constant 0 : i32
        %dma_wait3A_79 = tpu.memref_slice %arg10[%dma_wait3A_77, %dma_wait3A_78] : memref<6144x128xf32, #tpu.memory_space<vmem_shared>> -> memref<6144x128xf32, #tpu.memory_space<vmem_shared>>
        tpu.wait_indirect_dma semaphore(%run_scoped3A : memref<!tpu.dma_semaphore, #tpu.memory_space<semaphore_mem>>) src(%arg8 : memref<128x128xf32, #tpu.memory_space<vmem>>) dst(%dma_wait3A_79 : memref<6144x128xf32, #tpu.memory_space<vmem_shared>>)
        tpu.yield
      }) : () -> ()
      %add3A_48 = arith.constant 2 : i32
      %add3A_49 = arith.addi %add3A_41, %add3A_48 : i32
      %lt3A = arith.constant 80 : i32
      %lt3A_50 = arith.cmpi slt, %add3A_49, %lt3A : i32
      %convert_element_type3A = arith.extui %lt3A_50 : i1 to i32
      %cond3A = arith.constant 0 : i32
      %cond3A_51 = arith.cmpi ne, %convert_element_type3A, %cond3A : i32
      scf.if %cond3A_51 {
        %add3A_68 = arith.constant 2 : i32
        %add3A_69 = arith.addi %add3A_41, %add3A_68 : i32
        %dma_start3A_70 = arith.constant 0 : i32
        %dma_start3A_71 = tpu.memref_slice %arg6[%add3A_69, %dma_start3A_70] : memref<80x128xi32, #tpu.memory_space<vmem>> -> memref<1x128xi32, #tpu.memory_space<vmem>>
        %dma_start3A_72 = tpu.memref_squeeze %dma_start3A_71 : memref<1x128xi32, #tpu.memory_space<vmem>> -> memref<128xi32, #tpu.memory_space<vmem>>
        %dma_start3A_73 = arith.constant 0 : i32
        %dma_start3A_74 = arith.constant 0 : i32
        %dma_start3A_75 = tpu.memref_slice %arg2[%dma_start3A_73, %dma_start3A_74] : memref<2048x128xf32, #tpu.memory_space<hbm>> -> memref<2048x128xf32, #tpu.memory_space<hbm>>
        tpu.enqueue_indirect_dma source(%dma_start3A_75 : memref<2048x128xf32, #tpu.memory_space<hbm>>) target(%arg8 : memref<128x128xf32, #tpu.memory_space<vmem>>) offsets(%dma_start3A_72 : memref<128xi32, #tpu.memory_space<vmem>>) semaphore(%arg11 : memref<!tpu.dma_semaphore, #tpu.memory_space<semaphore_mem>>)
      } else {
      }
      %dma_wait3A_52 = arith.constant 1 : i32
      %dma_wait3A_53 = arith.constant 0 : i32
      %dma_wait3A_54 = tpu.memref_slice %arg6[%dma_wait3A_52, %dma_wait3A_53] : memref<80x128xi32, #tpu.memory_space<vmem>> -> memref<1x128xi32, #tpu.memory_space<vmem>>
      %dma_wait3A_55 = tpu.memref_squeeze %dma_wait3A_54 : memref<1x128xi32, #tpu.memory_space<vmem>> -> memref<128xi32, #tpu.memory_space<vmem>>
      %dma_wait3A_56 = arith.constant 0 : i32
      %dma_wait3A_57 = arith.constant 0 : i32
      %dma_wait3A_58 = tpu.memref_slice %arg2[%dma_wait3A_56, %dma_wait3A_57] : memref<2048x128xf32, #tpu.memory_space<hbm>> -> memref<2048x128xf32, #tpu.memory_space<hbm>>
      tpu.wait_indirect_dma semaphore(%arg12 : memref<!tpu.dma_semaphore, #tpu.memory_space<semaphore_mem>>) src(%dma_wait3A_58 : memref<2048x128xf32, #tpu.memory_space<hbm>>) dst(%arg9 : memref<128x128xf32, #tpu.memory_space<vmem>>)
      %add3A_59 = arith.constant 1 : i32
      %add3A_60 = arith.addi %add3A_41, %add3A_59 : i32
      "tpu.region"() ({
        %run_scoped3A = tpu.sem_alloc : memref<!tpu.dma_semaphore, #tpu.memory_space<semaphore_mem>>
        %dma_start3A_68 = arith.constant 0 : i32
        %dma_start3A_69 = tpu.memref_slice %arg7[%add3A_60, %dma_start3A_68] : memref<80x128xi32, #tpu.memory_space<vmem>> -> memref<1x128xi32, #tpu.memory_space<vmem>>
        %dma_start3A_70 = tpu.memref_squeeze %dma_start3A_69 : memref<1x128xi32, #tpu.memory_space<vmem>> -> memref<128xi32, #tpu.memory_space<vmem>>
        %dma_start3A_71 = arith.constant 0 : i32
        %dma_start3A_72 = arith.constant 0 : i32
        %dma_start3A_73 = tpu.memref_slice %arg10[%dma_start3A_71, %dma_start3A_72] : memref<6144x128xf32, #tpu.memory_space<vmem_shared>> -> memref<6144x128xf32, #tpu.memory_space<vmem_shared>>
        tpu.enqueue_indirect_dma source(%arg9 : memref<128x128xf32, #tpu.memory_space<vmem>>) target(%dma_start3A_73 : memref<6144x128xf32, #tpu.memory_space<vmem_shared>>) offsets(%dma_start3A_70 : memref<128xi32, #tpu.memory_space<vmem>>) semaphore(%run_scoped3A : memref<!tpu.dma_semaphore, #tpu.memory_space<semaphore_mem>>) {add = true}
        %dma_wait3A_74 = arith.constant 0 : i32
        %dma_wait3A_75 = tpu.memref_slice %arg7[%add3A_60, %dma_wait3A_74] : memref<80x128xi32, #tpu.memory_space<vmem>> -> memref<1x128xi32, #tpu.memory_space<vmem>>
        %dma_wait3A_76 = tpu.memref_squeeze %dma_wait3A_75 : memref<1x128xi32, #tpu.memory_space<vmem>> -> memref<128xi32, #tpu.memory_space<vmem>>
        %dma_wait3A_77 = arith.constant 0 : i32
        %dma_wait3A_78 = arith.constant 0 : i32
        %dma_wait3A_79 = tpu.memref_slice %arg10[%dma_wait3A_77, %dma_wait3A_78] : memref<6144x128xf32, #tpu.memory_space<vmem_shared>> -> memref<6144x128xf32, #tpu.memory_space<vmem_shared>>
        tpu.wait_indirect_dma semaphore(%run_scoped3A : memref<!tpu.dma_semaphore, #tpu.memory_space<semaphore_mem>>) src(%arg9 : memref<128x128xf32, #tpu.memory_space<vmem>>) dst(%dma_wait3A_79 : memref<6144x128xf32, #tpu.memory_space<vmem_shared>>)
        tpu.yield
      }) : () -> ()
      %add3A_61 = arith.constant 3 : i32
      %add3A_62 = arith.addi %add3A_41, %add3A_61 : i32
      %lt3A_63 = arith.constant 80 : i32
      %lt3A_64 = arith.cmpi slt, %add3A_62, %lt3A_63 : i32
      %convert_element_type3A_65 = arith.extui %lt3A_64 : i1 to i32
      %cond3A_66 = arith.constant 0 : i32
      %cond3A_67 = arith.cmpi ne, %convert_element_type3A_65, %cond3A_66 : i32
      scf.if %cond3A_67 {
        %add3A_68 = arith.constant 3 : i32
        %add3A_69 = arith.addi %add3A_41, %add3A_68 : i32
        %dma_start3A_70 = arith.constant 0 : i32
        %dma_start3A_71 = tpu.memref_slice %arg6[%add3A_69, %dma_start3A_70] : memref<80x128xi32, #tpu.memory_space<vmem>> -> memref<1x128xi32, #tpu.memory_space<vmem>>
        %dma_start3A_72 = tpu.memref_squeeze %dma_start3A_71 : memref<1x128xi32, #tpu.memory_space<vmem>> -> memref<128xi32, #tpu.memory_space<vmem>>
        %dma_start3A_73 = arith.constant 0 : i32
        %dma_start3A_74 = arith.constant 0 : i32
        %dma_start3A_75 = tpu.memref_slice %arg2[%dma_start3A_73, %dma_start3A_74] : memref<2048x128xf32, #tpu.memory_space<hbm>> -> memref<2048x128xf32, #tpu.memory_space<hbm>>
        tpu.enqueue_indirect_dma source(%dma_start3A_75 : memref<2048x128xf32, #tpu.memory_space<hbm>>) target(%arg9 : memref<128x128xf32, #tpu.memory_space<vmem>>) offsets(%dma_start3A_72 : memref<128xi32, #tpu.memory_space<vmem>>) semaphore(%arg12 : memref<!tpu.dma_semaphore, #tpu.memory_space<semaphore_mem>>)
      } else {
      }
    }
    %scan3A_31 = arith.constant 40 : i32
    %barrier3A_32 = arith.constant 0 : index
    tpu.barrier barrier_id(%barrier3A_32)
    %mul3A_33 = arith.constant 384 : i32
    %mul3A_34 = arith.muli %arg1, %mul3A_33 : i32
    %mul3A_35 = arith.constant 384 : i32
    %mul3A_36 = arith.muli %arg1, %mul3A_35 : i32
    "tpu.region"() ({
      %run_scoped3A = tpu.sem_alloc : memref<!tpu.dma_semaphore, #tpu.memory_space<semaphore_mem>>
      %dma_start3A_37 = arith.constant 0 : i32
      %dma_start3A_38 = tpu.memref_slice %arg5[%arg0, %mul3A_36, %dma_start3A_37] : memref<2x6144x128xf32, #tpu.memory_space<hbm>> -> memref<1x384x128xf32, #tpu.memory_space<hbm>>
      %dma_start3A_39 = tpu.memref_squeeze %dma_start3A_38 : memref<1x384x128xf32, #tpu.memory_space<hbm>> -> memref<384x128xf32, #tpu.memory_space<hbm>>
      %dma_start3A_40 = arith.constant 0 : i32
      %dma_start3A_41 = tpu.memref_slice %arg10[%mul3A_34, %dma_start3A_40] : memref<6144x128xf32, #tpu.memory_space<vmem_shared>> -> memref<384x128xf32, #tpu.memory_space<vmem_shared>>
      tpu.enqueue_dma source(%dma_start3A_41 : memref<384x128xf32, #tpu.memory_space<vmem_shared>>) target(%dma_start3A_39 : memref<384x128xf32, #tpu.memory_space<hbm>>) target_semaphore(%run_scoped3A : memref<!tpu.dma_semaphore, #tpu.memory_space<semaphore_mem>>)
      %dma_wait3A = arith.constant 0 : i32
      %dma_wait3A_42 = tpu.memref_slice %arg5[%arg0, %mul3A_36, %dma_wait3A] : memref<2x6144x128xf32, #tpu.memory_space<hbm>> -> memref<1x384x128xf32, #tpu.memory_space<hbm>>
      %dma_wait3A_43 = tpu.memref_squeeze %dma_wait3A_42 : memref<1x384x128xf32, #tpu.memory_space<hbm>> -> memref<384x128xf32, #tpu.memory_space<hbm>>
      %dma_wait3A_44 = arith.constant 0 : i32
      %dma_wait3A_45 = tpu.memref_slice %arg10[%mul3A_34, %dma_wait3A_44] : memref<6144x128xf32, #tpu.memory_space<vmem_shared>> -> memref<384x128xf32, #tpu.memory_space<vmem_shared>>
      tpu.wait_dma2 semaphore(%run_scoped3A : memref<!tpu.dma_semaphore, #tpu.memory_space<semaphore_mem>>) src(%dma_wait3A_45 : memref<384x128xf32, #tpu.memory_space<vmem_shared>>) dst(%dma_wait3A_43 : memref<384x128xf32, #tpu.memory_space<hbm>>)
      tpu.yield
    }) : () -> ()
    return
  }
}

#map = affine_map<(d0, d1) -> (0, 0)>
#map1 = affine_map<(d0, d1) -> (0, 0, 0)>
module attributes {stable_mosaic.version = 14 : i64} {
  func.func @k(%arg0: i32, %arg1: i32, %arg2: memref<20000x128xf32, #tpu.memory_space<hbm>>, %arg3: memref<2560x128xi32, #tpu.memory_space<hbm>>, %arg4: memref<2560x128xi32, #tpu.memory_space<hbm>>, %arg5: memref<2x6144x128xf32, #tpu.memory_space<hbm>>, %arg6: memref<80x128xi32, #tpu.memory_space<vmem>>, %arg7: memref<80x128xi32, #tpu.memory_space<vmem>>, %arg8: memref<128x128xf32, #tpu.memory_space<vmem>>, %arg9: memref<128x128xf32, #tpu.memory_space<vmem>>, %arg10: memref<6144x128xf32, #tpu.memory_space<vmem_shared>>, %arg11: memref<!tpu.dma_semaphore, #tpu.memory_space<semaphore_mem>>, %arg12: memref<!tpu.dma_semaphore, #tpu.memory_space<semaphore_mem>>) attributes {dimension_semantics = [#tpu.dimension_semantics<core_parallel>, #tpu.dimension_semantics<subcore_parallel>], iteration_bounds = array<i64: 2, 16>, scalar_prefetch = 0 : i64, scratch_operands = 7 : i64, tpu.core_type = #tpu.core_type<sc_vector_subcore>, window_params = [{transform_indices = #map}, {transform_indices = #map}, {transform_indices = #map}, {transform_indices = #map1}]} {
    %mul3A = arith.constant 16 : i32
    %mul3A_0 = arith.muli %arg0, %mul3A : i32
    %add3A = arith.addi %mul3A_0, %arg1 : i32
    %scan3A = arith.constant 0 : i32
    %scan3A_1 = arith.constant 128 : i32
    %scan3A_2 = arith.addi %scan3A, %scan3A_1 : i32
    %scan3A_3 = arith.constant 1 : i32
    scf.for %scan3A_37 = %scan3A to %scan3A_2 step %scan3A_3  : i32 {
      %mul3A_38 = arith.constant 1 : i32
      %mul3A_39 = arith.muli %scan3A_37, %mul3A_38 : i32
      %add3A_40 = arith.constant 0 : i32
      %add3A_41 = arith.addi %add3A_40, %mul3A_39 : i32
      %scan3A_42 = arith.constant 0 : i32
      %scan3A_43 = arith.constant 8 : i32
      %scan3A_44 = arith.addi %scan3A_42, %scan3A_43 : i32
      %scan3A_45 = arith.constant 1 : i32
      scf.for %scan3A_47 = %scan3A_42 to %scan3A_44 step %scan3A_45  : i32 {
        %mul3A_48 = arith.constant 16 : i32
        %mul3A_49 = arith.muli %scan3A_47, %mul3A_48 : i32
        %add3A_50 = arith.constant 0 : i32
        %add3A_51 = arith.addi %add3A_50, %mul3A_49 : i32
        %broadcast_in_dim3A = arith.constant 0.000000e+00 : f32
        %broadcast_in_dim3A_52 = vector.broadcast %broadcast_in_dim3A : f32 to vector<16xf32>
        %swap3A = arith.index_cast %add3A_41 : i32 to index
        %swap3A_53 = arith.index_cast %add3A_51 : i32 to index
        %swap3A_54 = tpu.vector_load %arg8[%swap3A, %swap3A_53] {strides = array<i32>} : memref<128x128xf32, #tpu.memory_space<vmem>>, vector<1x16xf32>,
        %swap3A_55 = vector.shape_cast %swap3A_54 : vector<1x16xf32> to vector<16xf32>
        %swap3A_56 = vector.shape_cast %broadcast_in_dim3A_52 : vector<16xf32> to vector<1x16xf32>
        tpu.vector_store %arg8[%swap3A, %swap3A_53], %swap3A_56 {strides = array<i32>} : memref<128x128xf32, #tpu.memory_space<vmem>>, vector<1x16xf32>,
      }
      %scan3A_46 = arith.constant 8 : i32
    }
    %scan3A_4 = arith.constant 128 : i32
    %scan3A_5 = arith.constant 0 : i32
    %scan3A_6 = arith.constant 3 : i32
    %scan3A_7 = arith.addi %scan3A_5, %scan3A_6 : i32
    %scan3A_8 = arith.constant 1 : i32
    scf.for %scan3A_37 = %scan3A_5 to %scan3A_7 step %scan3A_8  : i32 {
      %mul3A_38 = arith.constant 128 : i32
      %mul3A_39 = arith.muli %scan3A_37, %mul3A_38 : i32
      %add3A_40 = arith.constant 0 : i32
      %add3A_41 = arith.addi %add3A_40, %mul3A_39 : i32
      %mul3A_42 = arith.constant 384 : i32
      %mul3A_43 = arith.muli %arg1, %mul3A_42 : i32
      %add3A_44 = arith.addi %mul3A_43, %add3A_41 : i32
      "tpu.region"() ({
        %run_scoped3A = tpu.sem_alloc : memref<!tpu.dma_semaphore, #tpu.memory_space<semaphore_mem>>
        %dma_start3A_45 = arith.constant 0 : i32
        %dma_start3A_46 = tpu.memref_slice %arg10[%add3A_44, %dma_start3A_45] : memref<6144x128xf32, #tpu.memory_space<vmem_shared>> -> memref<128x128xf32, #tpu.memory_space<vmem_shared>>
        %dma_start3A_47 = arith.constant 0 : i32
        %dma_start3A_48 = tpu.memref_slice %arg10[%add3A_44, %dma_start3A_47] : memref<6144x128xf32, #tpu.memory_space<vmem_shared>> -> memref<128x128xf32, #tpu.memory_space<vmem_shared>>
        tpu.enqueue_dma source(%arg8 : memref<128x128xf32, #tpu.memory_space<vmem>>) target(%dma_start3A_48 : memref<128x128xf32, #tpu.memory_space<vmem_shared>>) target_semaphore(%run_scoped3A : memref<!tpu.dma_semaphore, #tpu.memory_space<semaphore_mem>>)
        %dma_wait3A = arith.constant 0 : i32
        %dma_wait3A_49 = tpu.memref_slice %arg10[%add3A_44, %dma_wait3A] : memref<6144x128xf32, #tpu.memory_space<vmem_shared>> -> memref<128x128xf32, #tpu.memory_space<vmem_shared>>
        %dma_wait3A_50 = arith.constant 0 : i32
        %dma_wait3A_51 = tpu.memref_slice %arg10[%add3A_44, %dma_wait3A_50] : memref<6144x128xf32, #tpu.memory_space<vmem_shared>> -> memref<128x128xf32, #tpu.memory_space<vmem_shared>>
        tpu.wait_dma2 semaphore(%run_scoped3A : memref<!tpu.dma_semaphore, #tpu.memory_space<semaphore_mem>>) src(%arg8 : memref<128x128xf32, #tpu.memory_space<vmem>>) dst(%dma_wait3A_51 : memref<128x128xf32, #tpu.memory_space<vmem_shared>>)
        tpu.yield
      }) : () -> ()
    }
    %scan3A_9 = arith.constant 3 : i32
    %mul3A_10 = arith.constant 80 : i32
    %mul3A_11 = arith.muli %add3A, %mul3A_10 : i32
    "tpu.region"() ({
      %run_scoped3A = tpu.sem_alloc : memref<!tpu.dma_semaphore, #tpu.memory_space<semaphore_mem>>
      %dma_start3A_37 = arith.constant 0 : i32
      %dma_start3A_38 = tpu.memref_slice %arg3[%mul3A_11, %dma_start3A_37] : memref<2560x128xi32, #tpu.memory_space<hbm>> -> memref<80x128xi32, #tpu.memory_space<hbm>>
      %dma_start3A_39 = arith.constant 0 : i32
      %dma_start3A_40 = tpu.memref_slice %arg3[%mul3A_11, %dma_start3A_39] : memref<2560x128xi32, #tpu.memory_space<hbm>> -> memref<80x128xi32, #tpu.memory_space<hbm>>
      tpu.enqueue_dma source(%dma_start3A_40 : memref<80x128xi32, #tpu.memory_space<hbm>>) target(%arg6 : memref<80x128xi32, #tpu.memory_space<vmem>>) target_semaphore(%run_scoped3A : memref<!tpu.dma_semaphore, #tpu.memory_space<semaphore_mem>>)
      %dma_wait3A = arith.constant 0 : i32
      %dma_wait3A_41 = tpu.memref_slice %arg3[%mul3A_11, %dma_wait3A] : memref<2560x128xi32, #tpu.memory_space<hbm>> -> memref<80x128xi32, #tpu.memory_space<hbm>>
      %dma_wait3A_42 = arith.constant 0 : i32
      %dma_wait3A_43 = tpu.memref_slice %arg3[%mul3A_11, %dma_wait3A_42] : memref<2560x128xi32, #tpu.memory_space<hbm>> -> memref<80x128xi32, #tpu.memory_space<hbm>>
      tpu.wait_dma2 semaphore(%run_scoped3A : memref<!tpu.dma_semaphore, #tpu.memory_space<semaphore_mem>>) src(%dma_wait3A_43 : memref<80x128xi32, #tpu.memory_space<hbm>>) dst(%arg6 : memref<80x128xi32, #tpu.memory_space<vmem>>)
      tpu.yield
    }) : () -> ()
    %mul3A_12 = arith.constant 80 : i32
    %mul3A_13 = arith.muli %add3A, %mul3A_12 : i32
    "tpu.region"() ({
      %run_scoped3A = tpu.sem_alloc : memref<!tpu.dma_semaphore, #tpu.memory_space<semaphore_mem>>
      %dma_start3A_37 = arith.constant 0 : i32
      %dma_start3A_38 = tpu.memref_slice %arg4[%mul3A_13, %dma_start3A_37] : memref<2560x128xi32, #tpu.memory_space<hbm>> -> memref<80x128xi32, #tpu.memory_space<hbm>>
      %dma_start3A_39 = arith.constant 0 : i32
      %dma_start3A_40 = tpu.memref_slice %arg4[%mul3A_13, %dma_start3A_39] : memref<2560x128xi32, #tpu.memory_space<hbm>> -> memref<80x128xi32, #tpu.memory_space<hbm>>
      tpu.enqueue_dma source(%dma_start3A_40 : memref<80x128xi32, #tpu.memory_space<hbm>>) target(%arg7 : memref<80x128xi32, #tpu.memory_space<vmem>>) target_semaphore(%run_scoped3A : memref<!tpu.dma_semaphore, #tpu.memory_space<semaphore_mem>>)
      %dma_wait3A = arith.constant 0 : i32
      %dma_wait3A_41 = tpu.memref_slice %arg4[%mul3A_13, %dma_wait3A] : memref<2560x128xi32, #tpu.memory_space<hbm>> -> memref<80x128xi32, #tpu.memory_space<hbm>>
      %dma_wait3A_42 = arith.constant 0 : i32
      %dma_wait3A_43 = tpu.memref_slice %arg4[%mul3A_13, %dma_wait3A_42] : memref<2560x128xi32, #tpu.memory_space<hbm>> -> memref<80x128xi32, #tpu.memory_space<hbm>>
      tpu.wait_dma2 semaphore(%run_scoped3A : memref<!tpu.dma_semaphore, #tpu.memory_space<semaphore_mem>>) src(%dma_wait3A_43 : memref<80x128xi32, #tpu.memory_space<hbm>>) dst(%arg7 : memref<80x128xi32, #tpu.memory_space<vmem>>)
      tpu.yield
    }) : () -> ()
    %barrier3A = arith.constant 0 : index
    tpu.barrier barrier_id(%barrier3A)
    %dma_start3A = arith.constant 0 : i32
    %dma_start3A_14 = arith.constant 0 : i32
    %dma_start3A_15 = tpu.memref_slice %arg6[%dma_start3A, %dma_start3A_14] : memref<80x128xi32, #tpu.memory_space<vmem>> -> memref<1x128xi32, #tpu.memory_space<vmem>>
    %dma_start3A_16 = tpu.memref_squeeze %dma_start3A_15 : memref<1x128xi32, #tpu.memory_space<vmem>> -> memref<128xi32, #tpu.memory_space<vmem>>
    %dma_start3A_17 = arith.constant 0 : i32
    %dma_start3A_18 = arith.constant 0 : i32
    %dma_start3A_19 = tpu.memref_slice %arg2[%dma_start3A_17, %dma_start3A_18] : memref<20000x128xf32, #tpu.memory_space<hbm>> -> memref<20000x128xf32, #tpu.memory_space<hbm>>
    tpu.enqueue_indirect_dma source(%dma_start3A_19 : memref<20000x128xf32, #tpu.memory_space<hbm>>) target(%arg8 : memref<128x128xf32, #tpu.memory_space<vmem>>) offsets(%dma_start3A_16 : memref<128xi32, #tpu.memory_space<vmem>>) semaphore(%arg11 : memref<!tpu.dma_semaphore, #tpu.memory_space<semaphore_mem>>)
    %dma_start3A_20 = arith.constant 1 : i32
    %dma_start3A_21 = arith.constant 0 : i32
    %dma_start3A_22 = tpu.memref_slice %arg6[%dma_start3A_20, %dma_start3A_21] : memref<80x128xi32, #tpu.memory_space<vmem>> -> memref<1x128xi32, #tpu.memory_space<vmem>>
    %dma_start3A_23 = tpu.memref_squeeze %dma_start3A_22 : memref<1x128xi32, #tpu.memory_space<vmem>> -> memref<128xi32, #tpu.memory_space<vmem>>
    %dma_start3A_24 = arith.constant 0 : i32
    %dma_start3A_25 = arith.constant 0 : i32
    %dma_start3A_26 = tpu.memref_slice %arg2[%dma_start3A_24, %dma_start3A_25] : memref<20000x128xf32, #tpu.memory_space<hbm>> -> memref<20000x128xf32, #tpu.memory_space<hbm>>
    tpu.enqueue_indirect_dma source(%dma_start3A_26 : memref<20000x128xf32, #tpu.memory_space<hbm>>) target(%arg9 : memref<128x128xf32, #tpu.memory_space<vmem>>) offsets(%dma_start3A_23 : memref<128xi32, #tpu.memory_space<vmem>>) semaphore(%arg12 : memref<!tpu.dma_semaphore, #tpu.memory_space<semaphore_mem>>)
    %scan3A_27 = arith.constant 0 : i32
    %scan3A_28 = arith.constant 40 : i32
    %scan3A_29 = arith.addi %scan3A_27, %scan3A_28 : i32
    %scan3A_30 = arith.constant 1 : i32
    scf.for %scan3A_37 = %scan3A_27 to %scan3A_29 step %scan3A_30  : i32 {
      %mul3A_38 = arith.constant 2 : i32
      %mul3A_39 = arith.muli %scan3A_37, %mul3A_38 : i32
      %add3A_40 = arith.constant 0 : i32
      %add3A_41 = arith.addi %add3A_40, %mul3A_39 : i32
      %dma_wait3A = arith.constant 0 : i32
      %dma_wait3A_42 = arith.constant 0 : i32
      %dma_wait3A_43 = tpu.memref_slice %arg6[%dma_wait3A, %dma_wait3A_42] : memref<80x128xi32, #tpu.memory_space<vmem>> -> memref<1x128xi32, #tpu.memory_space<vmem>>
      %dma_wait3A_44 = tpu.memref_squeeze %dma_wait3A_43 : memref<1x128xi32, #tpu.memory_space<vmem>> -> memref<128xi32, #tpu.memory_space<vmem>>
      %dma_wait3A_45 = arith.constant 0 : i32
      %dma_wait3A_46 = arith.constant 0 : i32
      %dma_wait3A_47 = tpu.memref_slice %arg2[%dma_wait3A_45, %dma_wait3A_46] : memref<20000x128xf32, #tpu.memory_space<hbm>> -> memref<20000x128xf32, #tpu.memory_space<hbm>>
      tpu.wait_indirect_dma semaphore(%arg11 : memref<!tpu.dma_semaphore, #tpu.memory_space<semaphore_mem>>) src(%dma_wait3A_47 : memref<20000x128xf32, #tpu.memory_space<hbm>>) dst(%arg8 : memref<128x128xf32, #tpu.memory_space<vmem>>)
      "tpu.region"() ({
        %run_scoped3A = tpu.sem_alloc : memref<!tpu.dma_semaphore, #tpu.memory_space<semaphore_mem>>
        %dma_start3A_68 = arith.constant 0 : i32
        %dma_start3A_69 = tpu.memref_slice %arg7[%add3A_41, %dma_start3A_68] : memref<80x128xi32, #tpu.memory_space<vmem>> -> memref<1x128xi32, #tpu.memory_space<vmem>>
        %dma_start3A_70 = tpu.memref_squeeze %dma_start3A_69 : memref<1x128xi32, #tpu.memory_space<vmem>> -> memref<128xi32, #tpu.memory_space<vmem>>
        %dma_start3A_71 = arith.constant 0 : i32
        %dma_start3A_72 = arith.constant 0 : i32
        %dma_start3A_73 = tpu.memref_slice %arg10[%dma_start3A_71, %dma_start3A_72] : memref<6144x128xf32, #tpu.memory_space<vmem_shared>> -> memref<6144x128xf32, #tpu.memory_space<vmem_shared>>
        tpu.enqueue_indirect_dma source(%arg8 : memref<128x128xf32, #tpu.memory_space<vmem>>) target(%dma_start3A_73 : memref<6144x128xf32, #tpu.memory_space<vmem_shared>>) offsets(%dma_start3A_70 : memref<128xi32, #tpu.memory_space<vmem>>) semaphore(%run_scoped3A : memref<!tpu.dma_semaphore, #tpu.memory_space<semaphore_mem>>) {add = true}
        %dma_wait3A_74 = arith.constant 0 : i32
        %dma_wait3A_75 = tpu.memref_slice %arg7[%add3A_41, %dma_wait3A_74] : memref<80x128xi32, #tpu.memory_space<vmem>> -> memref<1x128xi32, #tpu.memory_space<vmem>>
        %dma_wait3A_76 = tpu.memref_squeeze %dma_wait3A_75 : memref<1x128xi32, #tpu.memory_space<vmem>> -> memref<128xi32, #tpu.memory_space<vmem>>
        %dma_wait3A_77 = arith.constant 0 : i32
        %dma_wait3A_78 = arith.constant 0 : i32
        %dma_wait3A_79 = tpu.memref_slice %arg10[%dma_wait3A_77, %dma_wait3A_78] : memref<6144x128xf32, #tpu.memory_space<vmem_shared>> -> memref<6144x128xf32, #tpu.memory_space<vmem_shared>>
        tpu.wait_indirect_dma semaphore(%run_scoped3A : memref<!tpu.dma_semaphore, #tpu.memory_space<semaphore_mem>>) src(%arg8 : memref<128x128xf32, #tpu.memory_space<vmem>>) dst(%dma_wait3A_79 : memref<6144x128xf32, #tpu.memory_space<vmem_shared>>)
        tpu.yield
      }) : () -> ()
      %add3A_48 = arith.constant 2 : i32
      %add3A_49 = arith.addi %add3A_41, %add3A_48 : i32
      %lt3A = arith.constant 80 : i32
      %lt3A_50 = arith.cmpi slt, %add3A_49, %lt3A : i32
      %convert_element_type3A = arith.extui %lt3A_50 : i1 to i32
      %cond3A = arith.constant 0 : i32
      %cond3A_51 = arith.cmpi ne, %convert_element_type3A, %cond3A : i32
      scf.if %cond3A_51 {
        %add3A_68 = arith.constant 2 : i32
        %add3A_69 = arith.addi %add3A_41, %add3A_68 : i32
        %dma_start3A_70 = arith.constant 0 : i32
        %dma_start3A_71 = tpu.memref_slice %arg6[%add3A_69, %dma_start3A_70] : memref<80x128xi32, #tpu.memory_space<vmem>> -> memref<1x128xi32, #tpu.memory_space<vmem>>
        %dma_start3A_72 = tpu.memref_squeeze %dma_start3A_71 : memref<1x128xi32, #tpu.memory_space<vmem>> -> memref<128xi32, #tpu.memory_space<vmem>>
        %dma_start3A_73 = arith.constant 0 : i32
        %dma_start3A_74 = arith.constant 0 : i32
        %dma_start3A_75 = tpu.memref_slice %arg2[%dma_start3A_73, %dma_start3A_74] : memref<20000x128xf32, #tpu.memory_space<hbm>> -> memref<20000x128xf32, #tpu.memory_space<hbm>>
        tpu.enqueue_indirect_dma source(%dma_start3A_75 : memref<20000x128xf32, #tpu.memory_space<hbm>>) target(%arg8 : memref<128x128xf32, #tpu.memory_space<vmem>>) offsets(%dma_start3A_72 : memref<128xi32, #tpu.memory_space<vmem>>) semaphore(%arg11 : memref<!tpu.dma_semaphore, #tpu.memory_space<semaphore_mem>>)
      } else {
      }
      %dma_wait3A_52 = arith.constant 1 : i32
      %dma_wait3A_53 = arith.constant 0 : i32
      %dma_wait3A_54 = tpu.memref_slice %arg6[%dma_wait3A_52, %dma_wait3A_53] : memref<80x128xi32, #tpu.memory_space<vmem>> -> memref<1x128xi32, #tpu.memory_space<vmem>>
      %dma_wait3A_55 = tpu.memref_squeeze %dma_wait3A_54 : memref<1x128xi32, #tpu.memory_space<vmem>> -> memref<128xi32, #tpu.memory_space<vmem>>
      %dma_wait3A_56 = arith.constant 0 : i32
      %dma_wait3A_57 = arith.constant 0 : i32
      %dma_wait3A_58 = tpu.memref_slice %arg2[%dma_wait3A_56, %dma_wait3A_57] : memref<20000x128xf32, #tpu.memory_space<hbm>> -> memref<20000x128xf32, #tpu.memory_space<hbm>>
      tpu.wait_indirect_dma semaphore(%arg12 : memref<!tpu.dma_semaphore, #tpu.memory_space<semaphore_mem>>) src(%dma_wait3A_58 : memref<20000x128xf32, #tpu.memory_space<hbm>>) dst(%arg9 : memref<128x128xf32, #tpu.memory_space<vmem>>)
      %add3A_59 = arith.constant 1 : i32
      %add3A_60 = arith.addi %add3A_41, %add3A_59 : i32
      "tpu.region"() ({
        %run_scoped3A = tpu.sem_alloc : memref<!tpu.dma_semaphore, #tpu.memory_space<semaphore_mem>>
        %dma_start3A_68 = arith.constant 0 : i32
        %dma_start3A_69 = tpu.memref_slice %arg7[%add3A_60, %dma_start3A_68] : memref<80x128xi32, #tpu.memory_space<vmem>> -> memref<1x128xi32, #tpu.memory_space<vmem>>
        %dma_start3A_70 = tpu.memref_squeeze %dma_start3A_69 : memref<1x128xi32, #tpu.memory_space<vmem>> -> memref<128xi32, #tpu.memory_space<vmem>>
        %dma_start3A_71 = arith.constant 0 : i32
        %dma_start3A_72 = arith.constant 0 : i32
        %dma_start3A_73 = tpu.memref_slice %arg10[%dma_start3A_71, %dma_start3A_72] : memref<6144x128xf32, #tpu.memory_space<vmem_shared>> -> memref<6144x128xf32, #tpu.memory_space<vmem_shared>>
        tpu.enqueue_indirect_dma source(%arg9 : memref<128x128xf32, #tpu.memory_space<vmem>>) target(%dma_start3A_73 : memref<6144x128xf32, #tpu.memory_space<vmem_shared>>) offsets(%dma_start3A_70 : memref<128xi32, #tpu.memory_space<vmem>>) semaphore(%run_scoped3A : memref<!tpu.dma_semaphore, #tpu.memory_space<semaphore_mem>>) {add = true}
        %dma_wait3A_74 = arith.constant 0 : i32
        %dma_wait3A_75 = tpu.memref_slice %arg7[%add3A_60, %dma_wait3A_74] : memref<80x128xi32, #tpu.memory_space<vmem>> -> memref<1x128xi32, #tpu.memory_space<vmem>>
        %dma_wait3A_76 = tpu.memref_squeeze %dma_wait3A_75 : memref<1x128xi32, #tpu.memory_space<vmem>> -> memref<128xi32, #tpu.memory_space<vmem>>
        %dma_wait3A_77 = arith.constant 0 : i32
        %dma_wait3A_78 = arith.constant 0 : i32
        %dma_wait3A_79 = tpu.memref_slice %arg10[%dma_wait3A_77, %dma_wait3A_78] : memref<6144x128xf32, #tpu.memory_space<vmem_shared>> -> memref<6144x128xf32, #tpu.memory_space<vmem_shared>>
        tpu.wait_indirect_dma semaphore(%run_scoped3A : memref<!tpu.dma_semaphore, #tpu.memory_space<semaphore_mem>>) src(%arg9 : memref<128x128xf32, #tpu.memory_space<vmem>>) dst(%dma_wait3A_79 : memref<6144x128xf32, #tpu.memory_space<vmem_shared>>)
        tpu.yield
      }) : () -> ()
      %add3A_61 = arith.constant 3 : i32
      %add3A_62 = arith.addi %add3A_41, %add3A_61 : i32
      %lt3A_63 = arith.constant 80 : i32
      %lt3A_64 = arith.cmpi slt, %add3A_62, %lt3A_63 : i32
      %convert_element_type3A_65 = arith.extui %lt3A_64 : i1 to i32
      %cond3A_66 = arith.constant 0 : i32
      %cond3A_67 = arith.cmpi ne, %convert_element_type3A_65, %cond3A_66 : i32
      scf.if %cond3A_67 {
        %add3A_68 = arith.constant 3 : i32
        %add3A_69 = arith.addi %add3A_41, %add3A_68 : i32
        %dma_start3A_70 = arith.constant 0 : i32
        %dma_start3A_71 = tpu.memref_slice %arg6[%add3A_69, %dma_start3A_70] : memref<80x128xi32, #tpu.memory_space<vmem>> -> memref<1x128xi32, #tpu.memory_space<vmem>>
        %dma_start3A_72 = tpu.memref_squeeze %dma_start3A_71 : memref<1x128xi32, #tpu.memory_space<vmem>> -> memref<128xi32, #tpu.memory_space<vmem>>
        %dma_start3A_73 = arith.constant 0 : i32
        %dma_start3A_74 = arith.constant 0 : i32
        %dma_start3A_75 = tpu.memref_slice %arg2[%dma_start3A_73, %dma_start3A_74] : memref<20000x128xf32, #tpu.memory_space<hbm>> -> memref<20000x128xf32, #tpu.memory_space<hbm>>
        tpu.enqueue_indirect_dma source(%dma_start3A_75 : memref<20000x128xf32, #tpu.memory_space<hbm>>) target(%arg9 : memref<128x128xf32, #tpu.memory_space<vmem>>) offsets(%dma_start3A_72 : memref<128xi32, #tpu.memory_space<vmem>>) semaphore(%arg12 : memref<!tpu.dma_semaphore, #tpu.memory_space<semaphore_mem>>)
      } else {
      }
    }
    %scan3A_31 = arith.constant 40 : i32
    %barrier3A_32 = arith.constant 0 : index
    tpu.barrier barrier_id(%barrier3A_32)
    %mul3A_33 = arith.constant 384 : i32
    %mul3A_34 = arith.muli %arg1, %mul3A_33 : i32
    %mul3A_35 = arith.constant 384 : i32
    %mul3A_36 = arith.muli %arg1, %mul3A_35 : i32
    "tpu.region"() ({
      %run_scoped3A = tpu.sem_alloc : memref<!tpu.dma_semaphore, #tpu.memory_space<semaphore_mem>>
      %dma_start3A_37 = arith.constant 0 : i32
      %dma_start3A_38 = tpu.memref_slice %arg5[%arg0, %mul3A_36, %dma_start3A_37] : memref<2x6144x128xf32, #tpu.memory_space<hbm>> -> memref<1x384x128xf32, #tpu.memory_space<hbm>>
      %dma_start3A_39 = tpu.memref_squeeze %dma_start3A_38 : memref<1x384x128xf32, #tpu.memory_space<hbm>> -> memref<384x128xf32, #tpu.memory_space<hbm>>
      %dma_start3A_40 = arith.constant 0 : i32
      %dma_start3A_41 = tpu.memref_slice %arg10[%mul3A_34, %dma_start3A_40] : memref<6144x128xf32, #tpu.memory_space<vmem_shared>> -> memref<384x128xf32, #tpu.memory_space<vmem_shared>>
      tpu.enqueue_dma source(%dma_start3A_41 : memref<384x128xf32, #tpu.memory_space<vmem_shared>>) target(%dma_start3A_39 : memref<384x128xf32, #tpu.memory_space<hbm>>) target_semaphore(%run_scoped3A : memref<!tpu.dma_semaphore, #tpu.memory_space<semaphore_mem>>)
      %dma_wait3A = arith.constant 0 : i32
      %dma_wait3A_42 = tpu.memref_slice %arg5[%arg0, %mul3A_36, %dma_wait3A] : memref<2x6144x128xf32, #tpu.memory_space<hbm>> -> memref<1x384x128xf32, #tpu.memory_space<hbm>>
      %dma_wait3A_43 = tpu.memref_squeeze %dma_wait3A_42 : memref<1x384x128xf32, #tpu.memory_space<hbm>> -> memref<384x128xf32, #tpu.memory_space<hbm>>
      %dma_wait3A_44 = arith.constant 0 : i32
      %dma_wait3A_45 = tpu.memref_slice %arg10[%mul3A_34, %dma_wait3A_44] : memref<6144x128xf32, #tpu.memory_space<vmem_shared>> -> memref<384x128xf32, #tpu.memory_space<vmem_shared>>
      tpu.wait_dma2 semaphore(%run_scoped3A : memref<!tpu.dma_semaphore, #tpu.memory_space<semaphore_mem>>) src(%dma_wait3A_45 : memref<384x128xf32, #tpu.memory_space<vmem_shared>>) dst(%dma_wait3A_43 : memref<384x128xf32, #tpu.memory_space<hbm>>)
      tpu.yield
    }) : () -> ()
    return
  }
}

#map = affine_map<(d0, d1) -> (0, 0)>
#map1 = affine_map<(d0, d1) -> (0, 0, 0)>
module attributes {stable_mosaic.version = 14 : i64} {
  func.func @k(%arg0: i32, %arg1: i32, %arg2: memref<20000x128xf32, #tpu.memory_space<hbm>>, %arg3: memref<2560x128xi32, #tpu.memory_space<hbm>>, %arg4: memref<2560x128xi32, #tpu.memory_space<hbm>>, %arg5: memref<2x6144x128xf32, #tpu.memory_space<hbm>>, %arg6: memref<80x128xi32, #tpu.memory_space<vmem>>, %arg7: memref<80x128xi32, #tpu.memory_space<vmem>>, %arg8: memref<128x128xf32, #tpu.memory_space<vmem>>, %arg9: memref<128x128xf32, #tpu.memory_space<vmem>>, %arg10: memref<6144x128xf32, #tpu.memory_space<vmem_shared>>, %arg11: memref<!tpu.dma_semaphore, #tpu.memory_space<semaphore_mem>>, %arg12: memref<!tpu.dma_semaphore, #tpu.memory_space<semaphore_mem>>) attributes {dimension_semantics = [#tpu.dimension_semantics<core_parallel>, #tpu.dimension_semantics<subcore_parallel>], iteration_bounds = array<i64: 2, 16>, scalar_prefetch = 0 : i64, scratch_operands = 7 : i64, tpu.core_type = #tpu.core_type<sc_vector_subcore>, window_params = [{transform_indices = #map}, {transform_indices = #map}, {transform_indices = #map}, {transform_indices = #map1}]} {
    %mul3A = arith.constant 16 : i32
    %mul3A_0 = arith.muli %arg0, %mul3A : i32
    %add3A = arith.addi %mul3A_0, %arg1 : i32
    %scan3A = arith.constant 0 : i32
    %scan3A_1 = arith.constant 128 : i32
    %scan3A_2 = arith.addi %scan3A, %scan3A_1 : i32
    %scan3A_3 = arith.constant 1 : i32
    scf.for %scan3A_37 = %scan3A to %scan3A_2 step %scan3A_3  : i32 {
      %mul3A_38 = arith.constant 1 : i32
      %mul3A_39 = arith.muli %scan3A_37, %mul3A_38 : i32
      %add3A_40 = arith.constant 0 : i32
      %add3A_41 = arith.addi %add3A_40, %mul3A_39 : i32
      %scan3A_42 = arith.constant 0 : i32
      %scan3A_43 = arith.constant 8 : i32
      %scan3A_44 = arith.addi %scan3A_42, %scan3A_43 : i32
      %scan3A_45 = arith.constant 1 : i32
      scf.for %scan3A_47 = %scan3A_42 to %scan3A_44 step %scan3A_45  : i32 {
        %mul3A_48 = arith.constant 16 : i32
        %mul3A_49 = arith.muli %scan3A_47, %mul3A_48 : i32
        %add3A_50 = arith.constant 0 : i32
        %add3A_51 = arith.addi %add3A_50, %mul3A_49 : i32
        %broadcast_in_dim3A = arith.constant 0.000000e+00 : f32
        %broadcast_in_dim3A_52 = vector.broadcast %broadcast_in_dim3A : f32 to vector<16xf32>
        %swap3A = arith.index_cast %add3A_41 : i32 to index
        %swap3A_53 = arith.index_cast %add3A_51 : i32 to index
        %swap3A_54 = tpu.vector_load %arg8[%swap3A, %swap3A_53] {strides = array<i32>} : memref<128x128xf32, #tpu.memory_space<vmem>>, vector<1x16xf32>,
        %swap3A_55 = vector.shape_cast %swap3A_54 : vector<1x16xf32> to vector<16xf32>
        %swap3A_56 = vector.shape_cast %broadcast_in_dim3A_52 : vector<16xf32> to vector<1x16xf32>
        tpu.vector_store %arg8[%swap3A, %swap3A_53], %swap3A_56 {strides = array<i32>} : memref<128x128xf32, #tpu.memory_space<vmem>>, vector<1x16xf32>,
      }
      %scan3A_46 = arith.constant 8 : i32
    }
    %scan3A_4 = arith.constant 128 : i32
    %scan3A_5 = arith.constant 0 : i32
    %scan3A_6 = arith.constant 3 : i32
    %scan3A_7 = arith.addi %scan3A_5, %scan3A_6 : i32
    %scan3A_8 = arith.constant 1 : i32
    scf.for %scan3A_37 = %scan3A_5 to %scan3A_7 step %scan3A_8  : i32 {
      %mul3A_38 = arith.constant 128 : i32
      %mul3A_39 = arith.muli %scan3A_37, %mul3A_38 : i32
      %add3A_40 = arith.constant 0 : i32
      %add3A_41 = arith.addi %add3A_40, %mul3A_39 : i32
      %mul3A_42 = arith.constant 384 : i32
      %mul3A_43 = arith.muli %arg1, %mul3A_42 : i32
      %add3A_44 = arith.addi %mul3A_43, %add3A_41 : i32
      "tpu.region"() ({
        %run_scoped3A = tpu.sem_alloc : memref<!tpu.dma_semaphore, #tpu.memory_space<semaphore_mem>>
        %dma_start3A_45 = arith.constant 0 : i32
        %dma_start3A_46 = tpu.memref_slice %arg10[%add3A_44, %dma_start3A_45] : memref<6144x128xf32, #tpu.memory_space<vmem_shared>> -> memref<128x128xf32, #tpu.memory_space<vmem_shared>>
        %dma_start3A_47 = arith.constant 0 : i32
        %dma_start3A_48 = tpu.memref_slice %arg10[%add3A_44, %dma_start3A_47] : memref<6144x128xf32, #tpu.memory_space<vmem_shared>> -> memref<128x128xf32, #tpu.memory_space<vmem_shared>>
        tpu.enqueue_dma source(%arg8 : memref<128x128xf32, #tpu.memory_space<vmem>>) target(%dma_start3A_48 : memref<128x128xf32, #tpu.memory_space<vmem_shared>>) target_semaphore(%run_scoped3A : memref<!tpu.dma_semaphore, #tpu.memory_space<semaphore_mem>>)
        %dma_wait3A = arith.constant 0 : i32
        %dma_wait3A_49 = tpu.memref_slice %arg10[%add3A_44, %dma_wait3A] : memref<6144x128xf32, #tpu.memory_space<vmem_shared>> -> memref<128x128xf32, #tpu.memory_space<vmem_shared>>
        %dma_wait3A_50 = arith.constant 0 : i32
        %dma_wait3A_51 = tpu.memref_slice %arg10[%add3A_44, %dma_wait3A_50] : memref<6144x128xf32, #tpu.memory_space<vmem_shared>> -> memref<128x128xf32, #tpu.memory_space<vmem_shared>>
        tpu.wait_dma2 semaphore(%run_scoped3A : memref<!tpu.dma_semaphore, #tpu.memory_space<semaphore_mem>>) src(%arg8 : memref<128x128xf32, #tpu.memory_space<vmem>>) dst(%dma_wait3A_51 : memref<128x128xf32, #tpu.memory_space<vmem_shared>>)
        tpu.yield
      }) : () -> ()
    }
    %scan3A_9 = arith.constant 3 : i32
    %mul3A_10 = arith.constant 80 : i32
    %mul3A_11 = arith.muli %add3A, %mul3A_10 : i32
    "tpu.region"() ({
      %run_scoped3A = tpu.sem_alloc : memref<!tpu.dma_semaphore, #tpu.memory_space<semaphore_mem>>
      %dma_start3A_37 = arith.constant 0 : i32
      %dma_start3A_38 = tpu.memref_slice %arg3[%mul3A_11, %dma_start3A_37] : memref<2560x128xi32, #tpu.memory_space<hbm>> -> memref<80x128xi32, #tpu.memory_space<hbm>>
      %dma_start3A_39 = arith.constant 0 : i32
      %dma_start3A_40 = tpu.memref_slice %arg3[%mul3A_11, %dma_start3A_39] : memref<2560x128xi32, #tpu.memory_space<hbm>> -> memref<80x128xi32, #tpu.memory_space<hbm>>
      tpu.enqueue_dma source(%dma_start3A_40 : memref<80x128xi32, #tpu.memory_space<hbm>>) target(%arg6 : memref<80x128xi32, #tpu.memory_space<vmem>>) target_semaphore(%run_scoped3A : memref<!tpu.dma_semaphore, #tpu.memory_space<semaphore_mem>>)
      %dma_wait3A = arith.constant 0 : i32
      %dma_wait3A_41 = tpu.memref_slice %arg3[%mul3A_11, %dma_wait3A] : memref<2560x128xi32, #tpu.memory_space<hbm>> -> memref<80x128xi32, #tpu.memory_space<hbm>>
      %dma_wait3A_42 = arith.constant 0 : i32
      %dma_wait3A_43 = tpu.memref_slice %arg3[%mul3A_11, %dma_wait3A_42] : memref<2560x128xi32, #tpu.memory_space<hbm>> -> memref<80x128xi32, #tpu.memory_space<hbm>>
      tpu.wait_dma2 semaphore(%run_scoped3A : memref<!tpu.dma_semaphore, #tpu.memory_space<semaphore_mem>>) src(%dma_wait3A_43 : memref<80x128xi32, #tpu.memory_space<hbm>>) dst(%arg6 : memref<80x128xi32, #tpu.memory_space<vmem>>)
      tpu.yield
    }) : () -> ()
    %mul3A_12 = arith.constant 80 : i32
    %mul3A_13 = arith.muli %add3A, %mul3A_12 : i32
    "tpu.region"() ({
      %run_scoped3A = tpu.sem_alloc : memref<!tpu.dma_semaphore, #tpu.memory_space<semaphore_mem>>
      %dma_start3A_37 = arith.constant 0 : i32
      %dma_start3A_38 = tpu.memref_slice %arg4[%mul3A_13, %dma_start3A_37] : memref<2560x128xi32, #tpu.memory_space<hbm>> -> memref<80x128xi32, #tpu.memory_space<hbm>>
      %dma_start3A_39 = arith.constant 0 : i32
      %dma_start3A_40 = tpu.memref_slice %arg4[%mul3A_13, %dma_start3A_39] : memref<2560x128xi32, #tpu.memory_space<hbm>> -> memref<80x128xi32, #tpu.memory_space<hbm>>
      tpu.enqueue_dma source(%dma_start3A_40 : memref<80x128xi32, #tpu.memory_space<hbm>>) target(%arg7 : memref<80x128xi32, #tpu.memory_space<vmem>>) target_semaphore(%run_scoped3A : memref<!tpu.dma_semaphore, #tpu.memory_space<semaphore_mem>>)
      %dma_wait3A = arith.constant 0 : i32
      %dma_wait3A_41 = tpu.memref_slice %arg4[%mul3A_13, %dma_wait3A] : memref<2560x128xi32, #tpu.memory_space<hbm>> -> memref<80x128xi32, #tpu.memory_space<hbm>>
      %dma_wait3A_42 = arith.constant 0 : i32
      %dma_wait3A_43 = tpu.memref_slice %arg4[%mul3A_13, %dma_wait3A_42] : memref<2560x128xi32, #tpu.memory_space<hbm>> -> memref<80x128xi32, #tpu.memory_space<hbm>>
      tpu.wait_dma2 semaphore(%run_scoped3A : memref<!tpu.dma_semaphore, #tpu.memory_space<semaphore_mem>>) src(%dma_wait3A_43 : memref<80x128xi32, #tpu.memory_space<hbm>>) dst(%arg7 : memref<80x128xi32, #tpu.memory_space<vmem>>)
      tpu.yield
    }) : () -> ()
    %barrier3A = arith.constant 0 : index
    tpu.barrier barrier_id(%barrier3A)
    %dma_start3A = arith.constant 0 : i32
    %dma_start3A_14 = arith.constant 0 : i32
    %dma_start3A_15 = tpu.memref_slice %arg6[%dma_start3A, %dma_start3A_14] : memref<80x128xi32, #tpu.memory_space<vmem>> -> memref<1x128xi32, #tpu.memory_space<vmem>>
    %dma_start3A_16 = tpu.memref_squeeze %dma_start3A_15 : memref<1x128xi32, #tpu.memory_space<vmem>> -> memref<128xi32, #tpu.memory_space<vmem>>
    %dma_start3A_17 = arith.constant 0 : i32
    %dma_start3A_18 = arith.constant 0 : i32
    %dma_start3A_19 = tpu.memref_slice %arg2[%dma_start3A_17, %dma_start3A_18] : memref<20000x128xf32, #tpu.memory_space<hbm>> -> memref<20000x128xf32, #tpu.memory_space<hbm>>
    tpu.enqueue_indirect_dma source(%dma_start3A_19 : memref<20000x128xf32, #tpu.memory_space<hbm>>) target(%arg8 : memref<128x128xf32, #tpu.memory_space<vmem>>) offsets(%dma_start3A_16 : memref<128xi32, #tpu.memory_space<vmem>>) semaphore(%arg11 : memref<!tpu.dma_semaphore, #tpu.memory_space<semaphore_mem>>)
    %dma_start3A_20 = arith.constant 1 : i32
    %dma_start3A_21 = arith.constant 0 : i32
    %dma_start3A_22 = tpu.memref_slice %arg6[%dma_start3A_20, %dma_start3A_21] : memref<80x128xi32, #tpu.memory_space<vmem>> -> memref<1x128xi32, #tpu.memory_space<vmem>>
    %dma_start3A_23 = tpu.memref_squeeze %dma_start3A_22 : memref<1x128xi32, #tpu.memory_space<vmem>> -> memref<128xi32, #tpu.memory_space<vmem>>
    %dma_start3A_24 = arith.constant 0 : i32
    %dma_start3A_25 = arith.constant 0 : i32
    %dma_start3A_26 = tpu.memref_slice %arg2[%dma_start3A_24, %dma_start3A_25] : memref<20000x128xf32, #tpu.memory_space<hbm>> -> memref<20000x128xf32, #tpu.memory_space<hbm>>
    tpu.enqueue_indirect_dma source(%dma_start3A_26 : memref<20000x128xf32, #tpu.memory_space<hbm>>) target(%arg9 : memref<128x128xf32, #tpu.memory_space<vmem>>) offsets(%dma_start3A_23 : memref<128xi32, #tpu.memory_space<vmem>>) semaphore(%arg12 : memref<!tpu.dma_semaphore, #tpu.memory_space<semaphore_mem>>)
    %scan3A_27 = arith.constant 0 : i32
    %scan3A_28 = arith.constant 40 : i32
    %scan3A_29 = arith.addi %scan3A_27, %scan3A_28 : i32
    %scan3A_30 = arith.constant 1 : i32
    scf.for %scan3A_37 = %scan3A_27 to %scan3A_29 step %scan3A_30  : i32 {
      %mul3A_38 = arith.constant 2 : i32
      %mul3A_39 = arith.muli %scan3A_37, %mul3A_38 : i32
      %add3A_40 = arith.constant 0 : i32
      %add3A_41 = arith.addi %add3A_40, %mul3A_39 : i32
      %dma_wait3A = arith.constant 0 : i32
      %dma_wait3A_42 = arith.constant 0 : i32
      %dma_wait3A_43 = tpu.memref_slice %arg6[%dma_wait3A, %dma_wait3A_42] : memref<80x128xi32, #tpu.memory_space<vmem>> -> memref<1x128xi32, #tpu.memory_space<vmem>>
      %dma_wait3A_44 = tpu.memref_squeeze %dma_wait3A_43 : memref<1x128xi32, #tpu.memory_space<vmem>> -> memref<128xi32, #tpu.memory_space<vmem>>
      %dma_wait3A_45 = arith.constant 0 : i32
      %dma_wait3A_46 = arith.constant 0 : i32
      %dma_wait3A_47 = tpu.memref_slice %arg2[%dma_wait3A_45, %dma_wait3A_46] : memref<20000x128xf32, #tpu.memory_space<hbm>> -> memref<20000x128xf32, #tpu.memory_space<hbm>>
      tpu.wait_indirect_dma semaphore(%arg11 : memref<!tpu.dma_semaphore, #tpu.memory_space<semaphore_mem>>) src(%dma_wait3A_47 : memref<20000x128xf32, #tpu.memory_space<hbm>>) dst(%arg8 : memref<128x128xf32, #tpu.memory_space<vmem>>)
      "tpu.region"() ({
        %run_scoped3A = tpu.sem_alloc : memref<!tpu.dma_semaphore, #tpu.memory_space<semaphore_mem>>
        %dma_start3A_68 = arith.constant 0 : i32
        %dma_start3A_69 = tpu.memref_slice %arg7[%add3A_41, %dma_start3A_68] : memref<80x128xi32, #tpu.memory_space<vmem>> -> memref<1x128xi32, #tpu.memory_space<vmem>>
        %dma_start3A_70 = tpu.memref_squeeze %dma_start3A_69 : memref<1x128xi32, #tpu.memory_space<vmem>> -> memref<128xi32, #tpu.memory_space<vmem>>
        %dma_start3A_71 = arith.constant 0 : i32
        %dma_start3A_72 = arith.constant 0 : i32
        %dma_start3A_73 = tpu.memref_slice %arg10[%dma_start3A_71, %dma_start3A_72] : memref<6144x128xf32, #tpu.memory_space<vmem_shared>> -> memref<6144x128xf32, #tpu.memory_space<vmem_shared>>
        tpu.enqueue_indirect_dma source(%arg8 : memref<128x128xf32, #tpu.memory_space<vmem>>) target(%dma_start3A_73 : memref<6144x128xf32, #tpu.memory_space<vmem_shared>>) offsets(%dma_start3A_70 : memref<128xi32, #tpu.memory_space<vmem>>) semaphore(%run_scoped3A : memref<!tpu.dma_semaphore, #tpu.memory_space<semaphore_mem>>) {add = true}
        %dma_wait3A_74 = arith.constant 0 : i32
        %dma_wait3A_75 = tpu.memref_slice %arg7[%add3A_41, %dma_wait3A_74] : memref<80x128xi32, #tpu.memory_space<vmem>> -> memref<1x128xi32, #tpu.memory_space<vmem>>
        %dma_wait3A_76 = tpu.memref_squeeze %dma_wait3A_75 : memref<1x128xi32, #tpu.memory_space<vmem>> -> memref<128xi32, #tpu.memory_space<vmem>>
        %dma_wait3A_77 = arith.constant 0 : i32
        %dma_wait3A_78 = arith.constant 0 : i32
        %dma_wait3A_79 = tpu.memref_slice %arg10[%dma_wait3A_77, %dma_wait3A_78] : memref<6144x128xf32, #tpu.memory_space<vmem_shared>> -> memref<6144x128xf32, #tpu.memory_space<vmem_shared>>
        tpu.wait_indirect_dma semaphore(%run_scoped3A : memref<!tpu.dma_semaphore, #tpu.memory_space<semaphore_mem>>) src(%arg8 : memref<128x128xf32, #tpu.memory_space<vmem>>) dst(%dma_wait3A_79 : memref<6144x128xf32, #tpu.memory_space<vmem_shared>>)
        tpu.yield
      }) : () -> ()
      %add3A_48 = arith.constant 2 : i32
      %add3A_49 = arith.addi %add3A_41, %add3A_48 : i32
      %lt3A = arith.constant 80 : i32
      %lt3A_50 = arith.cmpi slt, %add3A_49, %lt3A : i32
      %convert_element_type3A = arith.extui %lt3A_50 : i1 to i32
      %cond3A = arith.constant 0 : i32
      %cond3A_51 = arith.cmpi ne, %convert_element_type3A, %cond3A : i32
      scf.if %cond3A_51 {
        %add3A_68 = arith.constant 2 : i32
        %add3A_69 = arith.addi %add3A_41, %add3A_68 : i32
        %dma_start3A_70 = arith.constant 0 : i32
        %dma_start3A_71 = tpu.memref_slice %arg6[%add3A_69, %dma_start3A_70] : memref<80x128xi32, #tpu.memory_space<vmem>> -> memref<1x128xi32, #tpu.memory_space<vmem>>
        %dma_start3A_72 = tpu.memref_squeeze %dma_start3A_71 : memref<1x128xi32, #tpu.memory_space<vmem>> -> memref<128xi32, #tpu.memory_space<vmem>>
        %dma_start3A_73 = arith.constant 0 : i32
        %dma_start3A_74 = arith.constant 0 : i32
        %dma_start3A_75 = tpu.memref_slice %arg2[%dma_start3A_73, %dma_start3A_74] : memref<20000x128xf32, #tpu.memory_space<hbm>> -> memref<20000x128xf32, #tpu.memory_space<hbm>>
        tpu.enqueue_indirect_dma source(%dma_start3A_75 : memref<20000x128xf32, #tpu.memory_space<hbm>>) target(%arg8 : memref<128x128xf32, #tpu.memory_space<vmem>>) offsets(%dma_start3A_72 : memref<128xi32, #tpu.memory_space<vmem>>) semaphore(%arg11 : memref<!tpu.dma_semaphore, #tpu.memory_space<semaphore_mem>>)
      } else {
      }
      %dma_wait3A_52 = arith.constant 1 : i32
      %dma_wait3A_53 = arith.constant 0 : i32
      %dma_wait3A_54 = tpu.memref_slice %arg6[%dma_wait3A_52, %dma_wait3A_53] : memref<80x128xi32, #tpu.memory_space<vmem>> -> memref<1x128xi32, #tpu.memory_space<vmem>>
      %dma_wait3A_55 = tpu.memref_squeeze %dma_wait3A_54 : memref<1x128xi32, #tpu.memory_space<vmem>> -> memref<128xi32, #tpu.memory_space<vmem>>
      %dma_wait3A_56 = arith.constant 0 : i32
      %dma_wait3A_57 = arith.constant 0 : i32
      %dma_wait3A_58 = tpu.memref_slice %arg2[%dma_wait3A_56, %dma_wait3A_57] : memref<20000x128xf32, #tpu.memory_space<hbm>> -> memref<20000x128xf32, #tpu.memory_space<hbm>>
      tpu.wait_indirect_dma semaphore(%arg12 : memref<!tpu.dma_semaphore, #tpu.memory_space<semaphore_mem>>) src(%dma_wait3A_58 : memref<20000x128xf32, #tpu.memory_space<hbm>>) dst(%arg9 : memref<128x128xf32, #tpu.memory_space<vmem>>)
      %add3A_59 = arith.constant 1 : i32
      %add3A_60 = arith.addi %add3A_41, %add3A_59 : i32
      "tpu.region"() ({
        %run_scoped3A = tpu.sem_alloc : memref<!tpu.dma_semaphore, #tpu.memory_space<semaphore_mem>>
        %dma_start3A_68 = arith.constant 0 : i32
        %dma_start3A_69 = tpu.memref_slice %arg7[%add3A_60, %dma_start3A_68] : memref<80x128xi32, #tpu.memory_space<vmem>> -> memref<1x128xi32, #tpu.memory_space<vmem>>
        %dma_start3A_70 = tpu.memref_squeeze %dma_start3A_69 : memref<1x128xi32, #tpu.memory_space<vmem>> -> memref<128xi32, #tpu.memory_space<vmem>>
        %dma_start3A_71 = arith.constant 0 : i32
        %dma_start3A_72 = arith.constant 0 : i32
        %dma_start3A_73 = tpu.memref_slice %arg10[%dma_start3A_71, %dma_start3A_72] : memref<6144x128xf32, #tpu.memory_space<vmem_shared>> -> memref<6144x128xf32, #tpu.memory_space<vmem_shared>>
        tpu.enqueue_indirect_dma source(%arg9 : memref<128x128xf32, #tpu.memory_space<vmem>>) target(%dma_start3A_73 : memref<6144x128xf32, #tpu.memory_space<vmem_shared>>) offsets(%dma_start3A_70 : memref<128xi32, #tpu.memory_space<vmem>>) semaphore(%run_scoped3A : memref<!tpu.dma_semaphore, #tpu.memory_space<semaphore_mem>>) {add = true}
        %dma_wait3A_74 = arith.constant 0 : i32
        %dma_wait3A_75 = tpu.memref_slice %arg7[%add3A_60, %dma_wait3A_74] : memref<80x128xi32, #tpu.memory_space<vmem>> -> memref<1x128xi32, #tpu.memory_space<vmem>>
        %dma_wait3A_76 = tpu.memref_squeeze %dma_wait3A_75 : memref<1x128xi32, #tpu.memory_space<vmem>> -> memref<128xi32, #tpu.memory_space<vmem>>
        %dma_wait3A_77 = arith.constant 0 : i32
        %dma_wait3A_78 = arith.constant 0 : i32
        %dma_wait3A_79 = tpu.memref_slice %arg10[%dma_wait3A_77, %dma_wait3A_78] : memref<6144x128xf32, #tpu.memory_space<vmem_shared>> -> memref<6144x128xf32, #tpu.memory_space<vmem_shared>>
        tpu.wait_indirect_dma semaphore(%run_scoped3A : memref<!tpu.dma_semaphore, #tpu.memory_space<semaphore_mem>>) src(%arg9 : memref<128x128xf32, #tpu.memory_space<vmem>>) dst(%dma_wait3A_79 : memref<6144x128xf32, #tpu.memory_space<vmem_shared>>)
        tpu.yield
      }) : () -> ()
      %add3A_61 = arith.constant 3 : i32
      %add3A_62 = arith.addi %add3A_41, %add3A_61 : i32
      %lt3A_63 = arith.constant 80 : i32
      %lt3A_64 = arith.cmpi slt, %add3A_62, %lt3A_63 : i32
      %convert_element_type3A_65 = arith.extui %lt3A_64 : i1 to i32
      %cond3A_66 = arith.constant 0 : i32
      %cond3A_67 = arith.cmpi ne, %convert_element_type3A_65, %cond3A_66 : i32
      scf.if %cond3A_67 {
        %add3A_68 = arith.constant 3 : i32
        %add3A_69 = arith.addi %add3A_41, %add3A_68 : i32
        %dma_start3A_70 = arith.constant 0 : i32
        %dma_start3A_71 = tpu.memref_slice %arg6[%add3A_69, %dma_start3A_70] : memref<80x128xi32, #tpu.memory_space<vmem>> -> memref<1x128xi32, #tpu.memory_space<vmem>>
        %dma_start3A_72 = tpu.memref_squeeze %dma_start3A_71 : memref<1x128xi32, #tpu.memory_space<vmem>> -> memref<128xi32, #tpu.memory_space<vmem>>
        %dma_start3A_73 = arith.constant 0 : i32
        %dma_start3A_74 = arith.constant 0 : i32
        %dma_start3A_75 = tpu.memref_slice %arg2[%dma_start3A_73, %dma_start3A_74] : memref<20000x128xf32, #tpu.memory_space<hbm>> -> memref<20000x128xf32, #tpu.memory_space<hbm>>
        tpu.enqueue_indirect_dma source(%dma_start3A_75 : memref<20000x128xf32, #tpu.memory_space<hbm>>) target(%arg9 : memref<128x128xf32, #tpu.memory_space<vmem>>) offsets(%dma_start3A_72 : memref<128xi32, #tpu.memory_space<vmem>>) semaphore(%arg12 : memref<!tpu.dma_semaphore, #tpu.memory_space<semaphore_mem>>)
      } else {
      }
    }
    %scan3A_31 = arith.constant 40 : i32
    %barrier3A_32 = arith.constant 0 : index
    tpu.barrier barrier_id(%barrier3A_32)
    %mul3A_33 = arith.constant 384 : i32
    %mul3A_34 = arith.muli %arg1, %mul3A_33 : i32
    %mul3A_35 = arith.constant 384 : i32
    %mul3A_36 = arith.muli %arg1, %mul3A_35 : i32
    "tpu.region"() ({
      %run_scoped3A = tpu.sem_alloc : memref<!tpu.dma_semaphore, #tpu.memory_space<semaphore_mem>>
      %dma_start3A_37 = arith.constant 0 : i32
      %dma_start3A_38 = tpu.memref_slice %arg5[%arg0, %mul3A_36, %dma_start3A_37] : memref<2x6144x128xf32, #tpu.memory_space<hbm>> -> memref<1x384x128xf32, #tpu.memory_space<hbm>>
      %dma_start3A_39 = tpu.memref_squeeze %dma_start3A_38 : memref<1x384x128xf32, #tpu.memory_space<hbm>> -> memref<384x128xf32, #tpu.memory_space<hbm>>
      %dma_start3A_40 = arith.constant 0 : i32
      %dma_start3A_41 = tpu.memref_slice %arg10[%mul3A_34, %dma_start3A_40] : memref<6144x128xf32, #tpu.memory_space<vmem_shared>> -> memref<384x128xf32, #tpu.memory_space<vmem_shared>>
      tpu.enqueue_dma source(%dma_start3A_41 : memref<384x128xf32, #tpu.memory_space<vmem_shared>>) target(%dma_start3A_39 : memref<384x128xf32, #tpu.memory_space<hbm>>) target_semaphore(%run_scoped3A : memref<!tpu.dma_semaphore, #tpu.memory_space<semaphore_mem>>)
      %dma_wait3A = arith.constant 0 : i32
      %dma_wait3A_42 = tpu.memref_slice %arg5[%arg0, %mul3A_36, %dma_wait3A] : memref<2x6144x128xf32, #tpu.memory_space<hbm>> -> memref<1x384x128xf32, #tpu.memory_space<hbm>>
      %dma_wait3A_43 = tpu.memref_squeeze %dma_wait3A_42 : memref<1x384x128xf32, #tpu.memory_space<hbm>> -> memref<384x128xf32, #tpu.memory_space<hbm>>
      %dma_wait3A_44 = arith.constant 0 : i32
      %dma_wait3A_45 = tpu.memref_slice %arg10[%mul3A_34, %dma_wait3A_44] : memref<6144x128xf32, #tpu.memory_space<vmem_shared>> -> memref<384x128xf32, #tpu.memory_space<vmem_shared>>
      tpu.wait_dma2 semaphore(%run_scoped3A : memref<!tpu.dma_semaphore, #tpu.memory_space<semaphore_mem>>) src(%dma_wait3A_45 : memref<384x128xf32, #tpu.memory_space<vmem_shared>>) dst(%dma_wait3A_43 : memref<384x128xf32, #tpu.memory_space<hbm>>)
      tpu.yield
    }) : () -> ()
    return
  }
}

#map = affine_map<(d0, d1) -> (0, 0)>
#map1 = affine_map<(d0, d1) -> (0, 0, 0)>
module attributes {stable_mosaic.version = 14 : i64} {
  func.func @k(%arg0: i32, %arg1: i32, %arg2: memref<20000x128xf32, #tpu.memory_space<hbm>>, %arg3: memref<2560x128xi32, #tpu.memory_space<hbm>>, %arg4: memref<2560x128xi32, #tpu.memory_space<hbm>>, %arg5: memref<2x6144x128xf32, #tpu.memory_space<hbm>>, %arg6: memref<80x128xi32, #tpu.memory_space<vmem>>, %arg7: memref<80x128xi32, #tpu.memory_space<vmem>>, %arg8: memref<128x128xf32, #tpu.memory_space<vmem>>, %arg9: memref<128x128xf32, #tpu.memory_space<vmem>>, %arg10: memref<6144x128xf32, #tpu.memory_space<vmem_shared>>, %arg11: memref<!tpu.dma_semaphore, #tpu.memory_space<semaphore_mem>>, %arg12: memref<!tpu.dma_semaphore, #tpu.memory_space<semaphore_mem>>) attributes {dimension_semantics = [#tpu.dimension_semantics<core_parallel>, #tpu.dimension_semantics<subcore_parallel>], iteration_bounds = array<i64: 2, 16>, scalar_prefetch = 0 : i64, scratch_operands = 7 : i64, tpu.core_type = #tpu.core_type<sc_vector_subcore>, window_params = [{transform_indices = #map}, {transform_indices = #map}, {transform_indices = #map}, {transform_indices = #map1}]} {
    %mul3A = arith.constant 16 : i32
    %mul3A_0 = arith.muli %arg0, %mul3A : i32
    %add3A = arith.addi %mul3A_0, %arg1 : i32
    %scan3A = arith.constant 0 : i32
    %scan3A_1 = arith.constant 128 : i32
    %scan3A_2 = arith.addi %scan3A, %scan3A_1 : i32
    %scan3A_3 = arith.constant 1 : i32
    scf.for %scan3A_37 = %scan3A to %scan3A_2 step %scan3A_3  : i32 {
      %mul3A_38 = arith.constant 1 : i32
      %mul3A_39 = arith.muli %scan3A_37, %mul3A_38 : i32
      %add3A_40 = arith.constant 0 : i32
      %add3A_41 = arith.addi %add3A_40, %mul3A_39 : i32
      %scan3A_42 = arith.constant 0 : i32
      %scan3A_43 = arith.constant 8 : i32
      %scan3A_44 = arith.addi %scan3A_42, %scan3A_43 : i32
      %scan3A_45 = arith.constant 1 : i32
      scf.for %scan3A_47 = %scan3A_42 to %scan3A_44 step %scan3A_45  : i32 {
        %mul3A_48 = arith.constant 16 : i32
        %mul3A_49 = arith.muli %scan3A_47, %mul3A_48 : i32
        %add3A_50 = arith.constant 0 : i32
        %add3A_51 = arith.addi %add3A_50, %mul3A_49 : i32
        %broadcast_in_dim3A = arith.constant 0.000000e+00 : f32
        %broadcast_in_dim3A_52 = vector.broadcast %broadcast_in_dim3A : f32 to vector<16xf32>
        %swap3A = arith.index_cast %add3A_41 : i32 to index
        %swap3A_53 = arith.index_cast %add3A_51 : i32 to index
        %swap3A_54 = tpu.vector_load %arg8[%swap3A, %swap3A_53] {strides = array<i32>} : memref<128x128xf32, #tpu.memory_space<vmem>>, vector<1x16xf32>,
        %swap3A_55 = vector.shape_cast %swap3A_54 : vector<1x16xf32> to vector<16xf32>
        %swap3A_56 = vector.shape_cast %broadcast_in_dim3A_52 : vector<16xf32> to vector<1x16xf32>
        tpu.vector_store %arg8[%swap3A, %swap3A_53], %swap3A_56 {strides = array<i32>} : memref<128x128xf32, #tpu.memory_space<vmem>>, vector<1x16xf32>,
      }
      %scan3A_46 = arith.constant 8 : i32
    }
    %scan3A_4 = arith.constant 128 : i32
    %scan3A_5 = arith.constant 0 : i32
    %scan3A_6 = arith.constant 3 : i32
    %scan3A_7 = arith.addi %scan3A_5, %scan3A_6 : i32
    %scan3A_8 = arith.constant 1 : i32
    scf.for %scan3A_37 = %scan3A_5 to %scan3A_7 step %scan3A_8  : i32 {
      %mul3A_38 = arith.constant 128 : i32
      %mul3A_39 = arith.muli %scan3A_37, %mul3A_38 : i32
      %add3A_40 = arith.constant 0 : i32
      %add3A_41 = arith.addi %add3A_40, %mul3A_39 : i32
      %mul3A_42 = arith.constant 384 : i32
      %mul3A_43 = arith.muli %arg1, %mul3A_42 : i32
      %add3A_44 = arith.addi %mul3A_43, %add3A_41 : i32
      "tpu.region"() ({
        %run_scoped3A = tpu.sem_alloc : memref<!tpu.dma_semaphore, #tpu.memory_space<semaphore_mem>>
        %dma_start3A_45 = arith.constant 0 : i32
        %dma_start3A_46 = tpu.memref_slice %arg10[%add3A_44, %dma_start3A_45] : memref<6144x128xf32, #tpu.memory_space<vmem_shared>> -> memref<128x128xf32, #tpu.memory_space<vmem_shared>>
        %dma_start3A_47 = arith.constant 0 : i32
        %dma_start3A_48 = tpu.memref_slice %arg10[%add3A_44, %dma_start3A_47] : memref<6144x128xf32, #tpu.memory_space<vmem_shared>> -> memref<128x128xf32, #tpu.memory_space<vmem_shared>>
        tpu.enqueue_dma source(%arg8 : memref<128x128xf32, #tpu.memory_space<vmem>>) target(%dma_start3A_48 : memref<128x128xf32, #tpu.memory_space<vmem_shared>>) target_semaphore(%run_scoped3A : memref<!tpu.dma_semaphore, #tpu.memory_space<semaphore_mem>>)
        %dma_wait3A = arith.constant 0 : i32
        %dma_wait3A_49 = tpu.memref_slice %arg10[%add3A_44, %dma_wait3A] : memref<6144x128xf32, #tpu.memory_space<vmem_shared>> -> memref<128x128xf32, #tpu.memory_space<vmem_shared>>
        %dma_wait3A_50 = arith.constant 0 : i32
        %dma_wait3A_51 = tpu.memref_slice %arg10[%add3A_44, %dma_wait3A_50] : memref<6144x128xf32, #tpu.memory_space<vmem_shared>> -> memref<128x128xf32, #tpu.memory_space<vmem_shared>>
        tpu.wait_dma2 semaphore(%run_scoped3A : memref<!tpu.dma_semaphore, #tpu.memory_space<semaphore_mem>>) src(%arg8 : memref<128x128xf32, #tpu.memory_space<vmem>>) dst(%dma_wait3A_51 : memref<128x128xf32, #tpu.memory_space<vmem_shared>>)
        tpu.yield
      }) : () -> ()
    }
    %scan3A_9 = arith.constant 3 : i32
    %mul3A_10 = arith.constant 80 : i32
    %mul3A_11 = arith.muli %add3A, %mul3A_10 : i32
    "tpu.region"() ({
      %run_scoped3A = tpu.sem_alloc : memref<!tpu.dma_semaphore, #tpu.memory_space<semaphore_mem>>
      %dma_start3A_37 = arith.constant 0 : i32
      %dma_start3A_38 = tpu.memref_slice %arg3[%mul3A_11, %dma_start3A_37] : memref<2560x128xi32, #tpu.memory_space<hbm>> -> memref<80x128xi32, #tpu.memory_space<hbm>>
      %dma_start3A_39 = arith.constant 0 : i32
      %dma_start3A_40 = tpu.memref_slice %arg3[%mul3A_11, %dma_start3A_39] : memref<2560x128xi32, #tpu.memory_space<hbm>> -> memref<80x128xi32, #tpu.memory_space<hbm>>
      tpu.enqueue_dma source(%dma_start3A_40 : memref<80x128xi32, #tpu.memory_space<hbm>>) target(%arg6 : memref<80x128xi32, #tpu.memory_space<vmem>>) target_semaphore(%run_scoped3A : memref<!tpu.dma_semaphore, #tpu.memory_space<semaphore_mem>>)
      %dma_wait3A = arith.constant 0 : i32
      %dma_wait3A_41 = tpu.memref_slice %arg3[%mul3A_11, %dma_wait3A] : memref<2560x128xi32, #tpu.memory_space<hbm>> -> memref<80x128xi32, #tpu.memory_space<hbm>>
      %dma_wait3A_42 = arith.constant 0 : i32
      %dma_wait3A_43 = tpu.memref_slice %arg3[%mul3A_11, %dma_wait3A_42] : memref<2560x128xi32, #tpu.memory_space<hbm>> -> memref<80x128xi32, #tpu.memory_space<hbm>>
      tpu.wait_dma2 semaphore(%run_scoped3A : memref<!tpu.dma_semaphore, #tpu.memory_space<semaphore_mem>>) src(%dma_wait3A_43 : memref<80x128xi32, #tpu.memory_space<hbm>>) dst(%arg6 : memref<80x128xi32, #tpu.memory_space<vmem>>)
      tpu.yield
    }) : () -> ()
    %mul3A_12 = arith.constant 80 : i32
    %mul3A_13 = arith.muli %add3A, %mul3A_12 : i32
    "tpu.region"() ({
      %run_scoped3A = tpu.sem_alloc : memref<!tpu.dma_semaphore, #tpu.memory_space<semaphore_mem>>
      %dma_start3A_37 = arith.constant 0 : i32
      %dma_start3A_38 = tpu.memref_slice %arg4[%mul3A_13, %dma_start3A_37] : memref<2560x128xi32, #tpu.memory_space<hbm>> -> memref<80x128xi32, #tpu.memory_space<hbm>>
      %dma_start3A_39 = arith.constant 0 : i32
      %dma_start3A_40 = tpu.memref_slice %arg4[%mul3A_13, %dma_start3A_39] : memref<2560x128xi32, #tpu.memory_space<hbm>> -> memref<80x128xi32, #tpu.memory_space<hbm>>
      tpu.enqueue_dma source(%dma_start3A_40 : memref<80x128xi32, #tpu.memory_space<hbm>>) target(%arg7 : memref<80x128xi32, #tpu.memory_space<vmem>>) target_semaphore(%run_scoped3A : memref<!tpu.dma_semaphore, #tpu.memory_space<semaphore_mem>>)
      %dma_wait3A = arith.constant 0 : i32
      %dma_wait3A_41 = tpu.memref_slice %arg4[%mul3A_13, %dma_wait3A] : memref<2560x128xi32, #tpu.memory_space<hbm>> -> memref<80x128xi32, #tpu.memory_space<hbm>>
      %dma_wait3A_42 = arith.constant 0 : i32
      %dma_wait3A_43 = tpu.memref_slice %arg4[%mul3A_13, %dma_wait3A_42] : memref<2560x128xi32, #tpu.memory_space<hbm>> -> memref<80x128xi32, #tpu.memory_space<hbm>>
      tpu.wait_dma2 semaphore(%run_scoped3A : memref<!tpu.dma_semaphore, #tpu.memory_space<semaphore_mem>>) src(%dma_wait3A_43 : memref<80x128xi32, #tpu.memory_space<hbm>>) dst(%arg7 : memref<80x128xi32, #tpu.memory_space<vmem>>)
      tpu.yield
    }) : () -> ()
    %barrier3A = arith.constant 0 : index
    tpu.barrier barrier_id(%barrier3A)
    %dma_start3A = arith.constant 0 : i32
    %dma_start3A_14 = arith.constant 0 : i32
    %dma_start3A_15 = tpu.memref_slice %arg6[%dma_start3A, %dma_start3A_14] : memref<80x128xi32, #tpu.memory_space<vmem>> -> memref<1x128xi32, #tpu.memory_space<vmem>>
    %dma_start3A_16 = tpu.memref_squeeze %dma_start3A_15 : memref<1x128xi32, #tpu.memory_space<vmem>> -> memref<128xi32, #tpu.memory_space<vmem>>
    %dma_start3A_17 = arith.constant 0 : i32
    %dma_start3A_18 = arith.constant 0 : i32
    %dma_start3A_19 = tpu.memref_slice %arg2[%dma_start3A_17, %dma_start3A_18] : memref<20000x128xf32, #tpu.memory_space<hbm>> -> memref<20000x128xf32, #tpu.memory_space<hbm>>
    tpu.enqueue_indirect_dma source(%dma_start3A_19 : memref<20000x128xf32, #tpu.memory_space<hbm>>) target(%arg8 : memref<128x128xf32, #tpu.memory_space<vmem>>) offsets(%dma_start3A_16 : memref<128xi32, #tpu.memory_space<vmem>>) semaphore(%arg11 : memref<!tpu.dma_semaphore, #tpu.memory_space<semaphore_mem>>)
    %dma_start3A_20 = arith.constant 1 : i32
    %dma_start3A_21 = arith.constant 0 : i32
    %dma_start3A_22 = tpu.memref_slice %arg6[%dma_start3A_20, %dma_start3A_21] : memref<80x128xi32, #tpu.memory_space<vmem>> -> memref<1x128xi32, #tpu.memory_space<vmem>>
    %dma_start3A_23 = tpu.memref_squeeze %dma_start3A_22 : memref<1x128xi32, #tpu.memory_space<vmem>> -> memref<128xi32, #tpu.memory_space<vmem>>
    %dma_start3A_24 = arith.constant 0 : i32
    %dma_start3A_25 = arith.constant 0 : i32
    %dma_start3A_26 = tpu.memref_slice %arg2[%dma_start3A_24, %dma_start3A_25] : memref<20000x128xf32, #tpu.memory_space<hbm>> -> memref<20000x128xf32, #tpu.memory_space<hbm>>
    tpu.enqueue_indirect_dma source(%dma_start3A_26 : memref<20000x128xf32, #tpu.memory_space<hbm>>) target(%arg9 : memref<128x128xf32, #tpu.memory_space<vmem>>) offsets(%dma_start3A_23 : memref<128xi32, #tpu.memory_space<vmem>>) semaphore(%arg12 : memref<!tpu.dma_semaphore, #tpu.memory_space<semaphore_mem>>)
    %scan3A_27 = arith.constant 0 : i32
    %scan3A_28 = arith.constant 40 : i32
    %scan3A_29 = arith.addi %scan3A_27, %scan3A_28 : i32
    %scan3A_30 = arith.constant 1 : i32
    scf.for %scan3A_37 = %scan3A_27 to %scan3A_29 step %scan3A_30  : i32 {
      %mul3A_38 = arith.constant 2 : i32
      %mul3A_39 = arith.muli %scan3A_37, %mul3A_38 : i32
      %add3A_40 = arith.constant 0 : i32
      %add3A_41 = arith.addi %add3A_40, %mul3A_39 : i32
      %dma_wait3A = arith.constant 0 : i32
      %dma_wait3A_42 = arith.constant 0 : i32
      %dma_wait3A_43 = tpu.memref_slice %arg6[%dma_wait3A, %dma_wait3A_42] : memref<80x128xi32, #tpu.memory_space<vmem>> -> memref<1x128xi32, #tpu.memory_space<vmem>>
      %dma_wait3A_44 = tpu.memref_squeeze %dma_wait3A_43 : memref<1x128xi32, #tpu.memory_space<vmem>> -> memref<128xi32, #tpu.memory_space<vmem>>
      %dma_wait3A_45 = arith.constant 0 : i32
      %dma_wait3A_46 = arith.constant 0 : i32
      %dma_wait3A_47 = tpu.memref_slice %arg2[%dma_wait3A_45, %dma_wait3A_46] : memref<20000x128xf32, #tpu.memory_space<hbm>> -> memref<20000x128xf32, #tpu.memory_space<hbm>>
      tpu.wait_indirect_dma semaphore(%arg11 : memref<!tpu.dma_semaphore, #tpu.memory_space<semaphore_mem>>) src(%dma_wait3A_47 : memref<20000x128xf32, #tpu.memory_space<hbm>>) dst(%arg8 : memref<128x128xf32, #tpu.memory_space<vmem>>)
      "tpu.region"() ({
        %run_scoped3A = tpu.sem_alloc : memref<!tpu.dma_semaphore, #tpu.memory_space<semaphore_mem>>
        %dma_start3A_68 = arith.constant 0 : i32
        %dma_start3A_69 = tpu.memref_slice %arg7[%add3A_41, %dma_start3A_68] : memref<80x128xi32, #tpu.memory_space<vmem>> -> memref<1x128xi32, #tpu.memory_space<vmem>>
        %dma_start3A_70 = tpu.memref_squeeze %dma_start3A_69 : memref<1x128xi32, #tpu.memory_space<vmem>> -> memref<128xi32, #tpu.memory_space<vmem>>
        %dma_start3A_71 = arith.constant 0 : i32
        %dma_start3A_72 = arith.constant 0 : i32
        %dma_start3A_73 = tpu.memref_slice %arg10[%dma_start3A_71, %dma_start3A_72] : memref<6144x128xf32, #tpu.memory_space<vmem_shared>> -> memref<6144x128xf32, #tpu.memory_space<vmem_shared>>
        tpu.enqueue_indirect_dma source(%arg8 : memref<128x128xf32, #tpu.memory_space<vmem>>) target(%dma_start3A_73 : memref<6144x128xf32, #tpu.memory_space<vmem_shared>>) offsets(%dma_start3A_70 : memref<128xi32, #tpu.memory_space<vmem>>) semaphore(%run_scoped3A : memref<!tpu.dma_semaphore, #tpu.memory_space<semaphore_mem>>) {add = true}
        %dma_wait3A_74 = arith.constant 0 : i32
        %dma_wait3A_75 = tpu.memref_slice %arg7[%add3A_41, %dma_wait3A_74] : memref<80x128xi32, #tpu.memory_space<vmem>> -> memref<1x128xi32, #tpu.memory_space<vmem>>
        %dma_wait3A_76 = tpu.memref_squeeze %dma_wait3A_75 : memref<1x128xi32, #tpu.memory_space<vmem>> -> memref<128xi32, #tpu.memory_space<vmem>>
        %dma_wait3A_77 = arith.constant 0 : i32
        %dma_wait3A_78 = arith.constant 0 : i32
        %dma_wait3A_79 = tpu.memref_slice %arg10[%dma_wait3A_77, %dma_wait3A_78] : memref<6144x128xf32, #tpu.memory_space<vmem_shared>> -> memref<6144x128xf32, #tpu.memory_space<vmem_shared>>
        tpu.wait_indirect_dma semaphore(%run_scoped3A : memref<!tpu.dma_semaphore, #tpu.memory_space<semaphore_mem>>) src(%arg8 : memref<128x128xf32, #tpu.memory_space<vmem>>) dst(%dma_wait3A_79 : memref<6144x128xf32, #tpu.memory_space<vmem_shared>>)
        tpu.yield
      }) : () -> ()
      %add3A_48 = arith.constant 2 : i32
      %add3A_49 = arith.addi %add3A_41, %add3A_48 : i32
      %lt3A = arith.constant 80 : i32
      %lt3A_50 = arith.cmpi slt, %add3A_49, %lt3A : i32
      %convert_element_type3A = arith.extui %lt3A_50 : i1 to i32
      %cond3A = arith.constant 0 : i32
      %cond3A_51 = arith.cmpi ne, %convert_element_type3A, %cond3A : i32
      scf.if %cond3A_51 {
        %add3A_68 = arith.constant 2 : i32
        %add3A_69 = arith.addi %add3A_41, %add3A_68 : i32
        %dma_start3A_70 = arith.constant 0 : i32
        %dma_start3A_71 = tpu.memref_slice %arg6[%add3A_69, %dma_start3A_70] : memref<80x128xi32, #tpu.memory_space<vmem>> -> memref<1x128xi32, #tpu.memory_space<vmem>>
        %dma_start3A_72 = tpu.memref_squeeze %dma_start3A_71 : memref<1x128xi32, #tpu.memory_space<vmem>> -> memref<128xi32, #tpu.memory_space<vmem>>
        %dma_start3A_73 = arith.constant 0 : i32
        %dma_start3A_74 = arith.constant 0 : i32
        %dma_start3A_75 = tpu.memref_slice %arg2[%dma_start3A_73, %dma_start3A_74] : memref<20000x128xf32, #tpu.memory_space<hbm>> -> memref<20000x128xf32, #tpu.memory_space<hbm>>
        tpu.enqueue_indirect_dma source(%dma_start3A_75 : memref<20000x128xf32, #tpu.memory_space<hbm>>) target(%arg8 : memref<128x128xf32, #tpu.memory_space<vmem>>) offsets(%dma_start3A_72 : memref<128xi32, #tpu.memory_space<vmem>>) semaphore(%arg11 : memref<!tpu.dma_semaphore, #tpu.memory_space<semaphore_mem>>)
      } else {
      }
      %dma_wait3A_52 = arith.constant 1 : i32
      %dma_wait3A_53 = arith.constant 0 : i32
      %dma_wait3A_54 = tpu.memref_slice %arg6[%dma_wait3A_52, %dma_wait3A_53] : memref<80x128xi32, #tpu.memory_space<vmem>> -> memref<1x128xi32, #tpu.memory_space<vmem>>
      %dma_wait3A_55 = tpu.memref_squeeze %dma_wait3A_54 : memref<1x128xi32, #tpu.memory_space<vmem>> -> memref<128xi32, #tpu.memory_space<vmem>>
      %dma_wait3A_56 = arith.constant 0 : i32
      %dma_wait3A_57 = arith.constant 0 : i32
      %dma_wait3A_58 = tpu.memref_slice %arg2[%dma_wait3A_56, %dma_wait3A_57] : memref<20000x128xf32, #tpu.memory_space<hbm>> -> memref<20000x128xf32, #tpu.memory_space<hbm>>
      tpu.wait_indirect_dma semaphore(%arg12 : memref<!tpu.dma_semaphore, #tpu.memory_space<semaphore_mem>>) src(%dma_wait3A_58 : memref<20000x128xf32, #tpu.memory_space<hbm>>) dst(%arg9 : memref<128x128xf32, #tpu.memory_space<vmem>>)
      %add3A_59 = arith.constant 1 : i32
      %add3A_60 = arith.addi %add3A_41, %add3A_59 : i32
      "tpu.region"() ({
        %run_scoped3A = tpu.sem_alloc : memref<!tpu.dma_semaphore, #tpu.memory_space<semaphore_mem>>
        %dma_start3A_68 = arith.constant 0 : i32
        %dma_start3A_69 = tpu.memref_slice %arg7[%add3A_60, %dma_start3A_68] : memref<80x128xi32, #tpu.memory_space<vmem>> -> memref<1x128xi32, #tpu.memory_space<vmem>>
        %dma_start3A_70 = tpu.memref_squeeze %dma_start3A_69 : memref<1x128xi32, #tpu.memory_space<vmem>> -> memref<128xi32, #tpu.memory_space<vmem>>
        %dma_start3A_71 = arith.constant 0 : i32
        %dma_start3A_72 = arith.constant 0 : i32
        %dma_start3A_73 = tpu.memref_slice %arg10[%dma_start3A_71, %dma_start3A_72] : memref<6144x128xf32, #tpu.memory_space<vmem_shared>> -> memref<6144x128xf32, #tpu.memory_space<vmem_shared>>
        tpu.enqueue_indirect_dma source(%arg9 : memref<128x128xf32, #tpu.memory_space<vmem>>) target(%dma_start3A_73 : memref<6144x128xf32, #tpu.memory_space<vmem_shared>>) offsets(%dma_start3A_70 : memref<128xi32, #tpu.memory_space<vmem>>) semaphore(%run_scoped3A : memref<!tpu.dma_semaphore, #tpu.memory_space<semaphore_mem>>) {add = true}
        %dma_wait3A_74 = arith.constant 0 : i32
        %dma_wait3A_75 = tpu.memref_slice %arg7[%add3A_60, %dma_wait3A_74] : memref<80x128xi32, #tpu.memory_space<vmem>> -> memref<1x128xi32, #tpu.memory_space<vmem>>
        %dma_wait3A_76 = tpu.memref_squeeze %dma_wait3A_75 : memref<1x128xi32, #tpu.memory_space<vmem>> -> memref<128xi32, #tpu.memory_space<vmem>>
        %dma_wait3A_77 = arith.constant 0 : i32
        %dma_wait3A_78 = arith.constant 0 : i32
        %dma_wait3A_79 = tpu.memref_slice %arg10[%dma_wait3A_77, %dma_wait3A_78] : memref<6144x128xf32, #tpu.memory_space<vmem_shared>> -> memref<6144x128xf32, #tpu.memory_space<vmem_shared>>
        tpu.wait_indirect_dma semaphore(%run_scoped3A : memref<!tpu.dma_semaphore, #tpu.memory_space<semaphore_mem>>) src(%arg9 : memref<128x128xf32, #tpu.memory_space<vmem>>) dst(%dma_wait3A_79 : memref<6144x128xf32, #tpu.memory_space<vmem_shared>>)
        tpu.yield
      }) : () -> ()
      %add3A_61 = arith.constant 3 : i32
      %add3A_62 = arith.addi %add3A_41, %add3A_61 : i32
      %lt3A_63 = arith.constant 80 : i32
      %lt3A_64 = arith.cmpi slt, %add3A_62, %lt3A_63 : i32
      %convert_element_type3A_65 = arith.extui %lt3A_64 : i1 to i32
      %cond3A_66 = arith.constant 0 : i32
      %cond3A_67 = arith.cmpi ne, %convert_element_type3A_65, %cond3A_66 : i32
      scf.if %cond3A_67 {
        %add3A_68 = arith.constant 3 : i32
        %add3A_69 = arith.addi %add3A_41, %add3A_68 : i32
        %dma_start3A_70 = arith.constant 0 : i32
        %dma_start3A_71 = tpu.memref_slice %arg6[%add3A_69, %dma_start3A_70] : memref<80x128xi32, #tpu.memory_space<vmem>> -> memref<1x128xi32, #tpu.memory_space<vmem>>
        %dma_start3A_72 = tpu.memref_squeeze %dma_start3A_71 : memref<1x128xi32, #tpu.memory_space<vmem>> -> memref<128xi32, #tpu.memory_space<vmem>>
        %dma_start3A_73 = arith.constant 0 : i32
        %dma_start3A_74 = arith.constant 0 : i32
        %dma_start3A_75 = tpu.memref_slice %arg2[%dma_start3A_73, %dma_start3A_74] : memref<20000x128xf32, #tpu.memory_space<hbm>> -> memref<20000x128xf32, #tpu.memory_space<hbm>>
        tpu.enqueue_indirect_dma source(%dma_start3A_75 : memref<20000x128xf32, #tpu.memory_space<hbm>>) target(%arg9 : memref<128x128xf32, #tpu.memory_space<vmem>>) offsets(%dma_start3A_72 : memref<128xi32, #tpu.memory_space<vmem>>) semaphore(%arg12 : memref<!tpu.dma_semaphore, #tpu.memory_space<semaphore_mem>>)
      } else {
      }
    }
    %scan3A_31 = arith.constant 40 : i32
    %barrier3A_32 = arith.constant 0 : index
    tpu.barrier barrier_id(%barrier3A_32)
    %mul3A_33 = arith.constant 384 : i32
    %mul3A_34 = arith.muli %arg1, %mul3A_33 : i32
    %mul3A_35 = arith.constant 384 : i32
    %mul3A_36 = arith.muli %arg1, %mul3A_35 : i32
    "tpu.region"() ({
      %run_scoped3A = tpu.sem_alloc : memref<!tpu.dma_semaphore, #tpu.memory_space<semaphore_mem>>
      %dma_start3A_37 = arith.constant 0 : i32
      %dma_start3A_38 = tpu.memref_slice %arg5[%arg0, %mul3A_36, %dma_start3A_37] : memref<2x6144x128xf32, #tpu.memory_space<hbm>> -> memref<1x384x128xf32, #tpu.memory_space<hbm>>
      %dma_start3A_39 = tpu.memref_squeeze %dma_start3A_38 : memref<1x384x128xf32, #tpu.memory_space<hbm>> -> memref<384x128xf32, #tpu.memory_space<hbm>>
      %dma_start3A_40 = arith.constant 0 : i32
      %dma_start3A_41 = tpu.memref_slice %arg10[%mul3A_34, %dma_start3A_40] : memref<6144x128xf32, #tpu.memory_space<vmem_shared>> -> memref<384x128xf32, #tpu.memory_space<vmem_shared>>
      tpu.enqueue_dma source(%dma_start3A_41 : memref<384x128xf32, #tpu.memory_space<vmem_shared>>) target(%dma_start3A_39 : memref<384x128xf32, #tpu.memory_space<hbm>>) target_semaphore(%run_scoped3A : memref<!tpu.dma_semaphore, #tpu.memory_space<semaphore_mem>>)
      %dma_wait3A = arith.constant 0 : i32
      %dma_wait3A_42 = tpu.memref_slice %arg5[%arg0, %mul3A_36, %dma_wait3A] : memref<2x6144x128xf32, #tpu.memory_space<hbm>> -> memref<1x384x128xf32, #tpu.memory_space<hbm>>
      %dma_wait3A_43 = tpu.memref_squeeze %dma_wait3A_42 : memref<1x384x128xf32, #tpu.memory_space<hbm>> -> memref<384x128xf32, #tpu.memory_space<hbm>>
      %dma_wait3A_44 = arith.constant 0 : i32
      %dma_wait3A_45 = tpu.memref_slice %arg10[%mul3A_34, %dma_wait3A_44] : memref<6144x128xf32, #tpu.memory_space<vmem_shared>> -> memref<384x128xf32, #tpu.memory_space<vmem_shared>>
      tpu.wait_dma2 semaphore(%run_scoped3A : memref<!tpu.dma_semaphore, #tpu.memory_space<semaphore_mem>>) src(%dma_wait3A_45 : memref<384x128xf32, #tpu.memory_space<vmem_shared>>) dst(%dma_wait3A_43 : memref<384x128xf32, #tpu.memory_space<hbm>>)
      tpu.yield
    }) : () -> ()
    return
  }
}

module attributes {stable_mosaic.version = 14 : i64} {
  func.func @body(%arg0: memref<2560x128xi32, #tpu.memory_space<vmem>>, %arg1: memref<2560x128xi32, #tpu.memory_space<vmem>>, %arg2: memref<2560x128xi32, #tpu.memory_space<vmem>>, %arg3: memref<2560x128xi32, #tpu.memory_space<vmem>>, %arg4: memref<2560x128xi32, #tpu.memory_space<vmem>>) attributes {dimension_semantics = [], scalar_prefetch = 0 : i64, scratch_operands = 0 : i64, tpu.core_type = #tpu.core_type<tc>} {
    %get3A = arith.constant 0 : index
    %get3A_0 = arith.constant 0 : index
    %get3A_1 = vector.load %arg0[%get3A, %get3A_0] : memref<2560x128xi32, #tpu.memory_space<vmem>>, vector<2560x128xi32>
    %get3A_2 = arith.constant 0 : index
    %get3A_3 = arith.constant 0 : index
    %get3A_4 = vector.load %arg1[%get3A_2, %get3A_3] : memref<2560x128xi32, #tpu.memory_space<vmem>>, vector<2560x128xi32>
    %ge3A = arith.constant 5120 : i32
    %ge3A_5 = vector.broadcast %ge3A : i32 to vector<2560x128xi32>
    %ge3A_6 = arith.cmpi sge, %get3A_4, %ge3A_5 : vector<2560x128xi32>
    %convert_element_type3A = arith.extui %ge3A_6 : vector<2560x128xi1> to vector<2560x128xi32>
    %mul3A = arith.constant 10000 : i32
    %mul3A_7 = vector.broadcast %mul3A : i32 to vector<2560x128xi32>
    %mul3A_8 = arith.muli %mul3A_7, %convert_element_type3A : vector<2560x128xi32>
    %add3A = arith.addi %get3A_1, %mul3A_8 : vector<2560x128xi32>
    %swap3A = arith.constant 0 : index
    %swap3A_9 = arith.constant 0 : index
    %swap3A_10 = vector.load %arg2[%swap3A, %swap3A_9] : memref<2560x128xi32, #tpu.memory_space<vmem>>, vector<2560x128xi32>
    tpu.vector_store %arg2[%swap3A, %swap3A_9], %add3A {strides = array<i32>} : memref<2560x128xi32, #tpu.memory_space<vmem>>, vector<2560x128xi32>,
    %mul3A_11 = arith.constant 5120 : i32
    %mul3A_12 = vector.broadcast %mul3A_11 : i32 to vector<2560x128xi32>
    %mul3A_13 = arith.muli %mul3A_12, %convert_element_type3A : vector<2560x128xi32>
    %sub3A = arith.subi %get3A_4, %mul3A_13 : vector<2560x128xi32>
    %swap3A_14 = arith.constant 0 : index
    %swap3A_15 = arith.constant 0 : index
    %swap3A_16 = vector.load %arg3[%swap3A_14, %swap3A_15] : memref<2560x128xi32, #tpu.memory_space<vmem>>, vector<2560x128xi32>
    tpu.vector_store %arg3[%swap3A_14, %swap3A_15], %sub3A {strides = array<i32>} : memref<2560x128xi32, #tpu.memory_space<vmem>>, vector<2560x128xi32>,
    %mul3A_17 = arith.constant 1024 : i32
    %mul3A_18 = vector.broadcast %mul3A_17 : i32 to vector<2560x128xi32>
    %mul3A_19 = arith.muli %convert_element_type3A, %mul3A_18 : vector<2560x128xi32>
    %and3A = arith.constant 1023 : i32
    %and3A_20 = vector.broadcast %and3A : i32 to vector<2560x128xi32>
    %and3A_21 = arith.andi %get3A_1, %and3A_20 : vector<2560x128xi32>
    %add3A_22 = arith.addi %mul3A_19, %and3A_21 : vector<2560x128xi32>
    %swap3A_23 = arith.constant 0 : index
    %swap3A_24 = arith.constant 0 : index
    %swap3A_25 = vector.load %arg4[%swap3A_23, %swap3A_24] : memref<2560x128xi32, #tpu.memory_space<vmem>>, vector<2560x128xi32>
    tpu.vector_store %arg4[%swap3A_23, %swap3A_24], %add3A_22 {strides = array<i32>} : memref<2560x128xi32, #tpu.memory_space<vmem>>, vector<2560x128xi32>,
    return
  }
}

module attributes {stable_mosaic.version = 14 : i64} {
  func.func @body(%arg0: memref<2x6144x128xf32, #tpu.memory_space<vmem>>, %arg1: memref<10000x128xf32, #tpu.memory_space<vmem>>, %arg2: memref<128x64xf32, #tpu.memory_space<vmem>>, %arg3: memref<10000x1xf32, #tpu.memory_space<vmem>>, %arg4: memref<20000x128xf32, #tpu.memory_space<vmem>>) attributes {dimension_semantics = [], scalar_prefetch = 0 : i64, scratch_operands = 0 : i64, tpu.core_type = #tpu.core_type<tc>} {
    %get3A = arith.constant 0 : index
    %get3A_0 = arith.constant 0 : index
    %get3A_1 = arith.constant 0 : index
    %get3A_2 = vector.load %arg0[%get3A, %get3A_0, %get3A_1] : memref<2x6144x128xf32, #tpu.memory_space<vmem>>, vector<1x5120x1xf32>
    %get3A_3 = vector.shape_cast %get3A_2 : vector<1x5120x1xf32> to vector<5120x1xf32>
    %get3A_4 = arith.constant 1 : index
    %get3A_5 = arith.constant 0 : index
    %get3A_6 = arith.constant 0 : index
    %get3A_7 = vector.load %arg0[%get3A_4, %get3A_5, %get3A_6] : memref<2x6144x128xf32, #tpu.memory_space<vmem>>, vector<1x5120x1xf32>
    %get3A_8 = vector.shape_cast %get3A_7 : vector<1x5120x1xf32> to vector<5120x1xf32>
    %add3A = arith.addf %get3A_3, %get3A_8 : vector<5120x1xf32>
    %get3A_9 = arith.constant 0 : index
    %get3A_10 = arith.constant 0 : index
    %get3A_11 = arith.constant 64 : index
    %get3A_12 = vector.load %arg0[%get3A_9, %get3A_10, %get3A_11] : memref<2x6144x128xf32, #tpu.memory_space<vmem>>, vector<1x4880x1xf32>
    %get3A_13 = vector.shape_cast %get3A_12 : vector<1x4880x1xf32> to vector<4880x1xf32>
    %get3A_14 = arith.constant 1 : index
    %get3A_15 = arith.constant 0 : index
    %get3A_16 = arith.constant 64 : index
    %get3A_17 = vector.load %arg0[%get3A_14, %get3A_15, %get3A_16] : memref<2x6144x128xf32, #tpu.memory_space<vmem>>, vector<1x4880x1xf32>
    %get3A_18 = vector.shape_cast %get3A_17 : vector<1x4880x1xf32> to vector<4880x1xf32>
    %add3A_19 = arith.addf %get3A_13, %get3A_18 : vector<4880x1xf32>
    %concatenate3A = tpu.concatenate %add3A, %add3A_19 in 0 : vector<5120x1xf32>, vector<4880x1xf32> -> vector<10000x1xf32>
    %add3A_20 = arith.constant 1.000000e+00 : f32
    %add3A_21 = vector.broadcast %add3A_20 : f32 to vector<10000x1xf32>
    %add3A_22 = arith.addf %concatenate3A, %add3A_21 : vector<10000x1xf32>
    %rsqrt3A = math.rsqrt %add3A_22 : vector<10000x1xf32>
    %get3A_23 = arith.constant 0 : index
    %get3A_24 = arith.constant 0 : index
    %get3A_25 = vector.load %arg1[%get3A_23, %get3A_24] : memref<10000x128xf32, #tpu.memory_space<vmem>>, vector<10000x128xf32>
    %get3A_26 = arith.constant 0 : index
    %get3A_27 = arith.constant 0 : index
    %get3A_28 = vector.load %arg2[%get3A_26, %get3A_27] : memref<128x64xf32, #tpu.memory_space<vmem>>, vector<128x64xf32>
    %dot_general3A = arith.constant dense<0.000000e+00> : vector<10000x64xf32>
    %dot_general3A_29 = tpu.matmul %get3A_25, %get3A_28, %dot_general3A {dimension_numbers = #tpu.dot_dimension_numbers<[1], [0], [0], [1], [0, 0, 1, 1], [], []>, transpose_lhs_hint = false} : vector<10000x128xf32>, vector<128x64xf32>, vector<10000x64xf32> -> vector<10000x64xf32>
    %mul3A = vector.broadcast %rsqrt3A : vector<10000x1xf32> to vector<10000x64xf32>
    %mul3A_30 = arith.mulf %dot_general3A_29, %mul3A : vector<10000x64xf32>
    %swap3A = arith.constant 0 : index
    %swap3A_31 = arith.constant 0 : index
    %swap3A_32 = vector.load %arg3[%swap3A, %swap3A_31] : memref<10000x1xf32, #tpu.memory_space<vmem>>, vector<10000x1xf32>
    tpu.vector_store %arg3[%swap3A, %swap3A_31], %rsqrt3A {strides = array<i32>} : memref<10000x1xf32, #tpu.memory_space<vmem>>, vector<10000x1xf32>,
    %broadcast_in_dim3A = arith.constant 0.000000e+00 : f32
    %broadcast_in_dim3A_33 = vector.broadcast %broadcast_in_dim3A : f32 to vector<10000x64xf32>
    %swap3A_34 = arith.constant 0 : index
    %swap3A_35 = arith.constant 0 : index
    %swap3A_36 = vector.load %arg4[%swap3A_34, %swap3A_35] : memref<20000x128xf32, #tpu.memory_space<vmem>>, vector<10000x64xf32>
    tpu.vector_store %arg4[%swap3A_34, %swap3A_35], %mul3A_30 {strides = array<i32>} : memref<20000x128xf32, #tpu.memory_space<vmem>>, vector<10000x64xf32>,
    %swap3A_37 = arith.constant 0 : index
    %swap3A_38 = arith.constant 64 : index
    %swap3A_39 = vector.load %arg4[%swap3A_37, %swap3A_38] : memref<20000x128xf32, #tpu.memory_space<vmem>>, vector<10000x64xf32>
    tpu.vector_store %arg4[%swap3A_37, %swap3A_38], %broadcast_in_dim3A_33 {strides = array<i32>} : memref<20000x128xf32, #tpu.memory_space<vmem>>, vector<10000x64xf32>,
    %swap3A_40 = arith.constant 10000 : index
    %swap3A_41 = arith.constant 0 : index
    %swap3A_42 = vector.load %arg4[%swap3A_40, %swap3A_41] : memref<20000x128xf32, #tpu.memory_space<vmem>>, vector<10000x64xf32>
    tpu.vector_store %arg4[%swap3A_40, %swap3A_41], %broadcast_in_dim3A_33 {strides = array<i32>} : memref<20000x128xf32, #tpu.memory_space<vmem>>, vector<10000x64xf32>,
    %swap3A_43 = arith.constant 10000 : index
    %swap3A_44 = arith.constant 64 : index
    %swap3A_45 = vector.load %arg4[%swap3A_43, %swap3A_44] : memref<20000x128xf32, #tpu.memory_space<vmem>>, vector<10000x64xf32>
    tpu.vector_store %arg4[%swap3A_43, %swap3A_44], %mul3A_30 {strides = array<i32>} : memref<20000x128xf32, #tpu.memory_space<vmem>>, vector<10000x64xf32>,
    return
  }
}

module attributes {stable_mosaic.version = 14 : i64} {
  func.func @body(%arg0: memref<2x6144x128xf32, #tpu.memory_space<vmem>>, %arg1: memref<20000x128xf32, #tpu.memory_space<vmem>>, %arg2: memref<10000x1xf32, #tpu.memory_space<vmem>>, %arg3: memref<1x64xf32, #tpu.memory_space<vmem>>, %arg4: memref<64x64xf32, #tpu.memory_space<vmem>>, %arg5: memref<20000x128xf32, #tpu.memory_space<vmem>>) attributes {dimension_semantics = [], scalar_prefetch = 0 : i64, scratch_operands = 0 : i64, tpu.core_type = #tpu.core_type<tc>} {
    %get3A = arith.constant 0 : index
    %get3A_0 = arith.constant 0 : index
    %get3A_1 = vector.load %arg2[%get3A, %get3A_0] : memref<10000x1xf32, #tpu.memory_space<vmem>>, vector<10000x1xf32>
    %get3A_2 = arith.constant 0 : index
    %get3A_3 = arith.constant 0 : index
    %get3A_4 = vector.load %arg1[%get3A_2, %get3A_3] : memref<20000x128xf32, #tpu.memory_space<vmem>>, vector<10000x64xf32>
    %get3A_5 = arith.constant 0 : index
    %get3A_6 = arith.constant 0 : index
    %get3A_7 = arith.constant 0 : index
    %get3A_8 = vector.load %arg0[%get3A_5, %get3A_6, %get3A_7] : memref<2x6144x128xf32, #tpu.memory_space<vmem>>, vector<1x6144x128xf32>
    %get3A_9 = vector.shape_cast %get3A_8 : vector<1x6144x128xf32> to vector<6144x128xf32>
    %get3A_10 = arith.constant 1 : index
    %get3A_11 = arith.constant 0 : index
    %get3A_12 = arith.constant 0 : index
    %get3A_13 = vector.load %arg0[%get3A_10, %get3A_11, %get3A_12] : memref<2x6144x128xf32, #tpu.memory_space<vmem>>, vector<1x6144x128xf32>
    %get3A_14 = vector.shape_cast %get3A_13 : vector<1x6144x128xf32> to vector<6144x128xf32>
    %add3A = arith.addf %get3A_9, %get3A_14 : vector<6144x128xf32>
    %slice3A = vector.extract_strided_slice %add3A {offsets = [0, 0], sizes = [5120, 64], strides = [1, 1]} : vector<6144x128xf32> to vector<5120x64xf32>
    %slice3A_15 = vector.extract_strided_slice %add3A {offsets = [0, 64], sizes = [4880, 64], strides = [1, 1]} : vector<6144x128xf32> to vector<4880x64xf32>
    %concatenate3A = tpu.concatenate %slice3A, %slice3A_15 in 0 : vector<5120x64xf32>, vector<4880x64xf32> -> vector<10000x64xf32>
    %add3A_16 = arith.addf %concatenate3A, %get3A_4 : vector<10000x64xf32>
    %mul3A = vector.broadcast %get3A_1 : vector<10000x1xf32> to vector<10000x64xf32>
    %mul3A_17 = arith.mulf %mul3A, %add3A_16 : vector<10000x64xf32>
    %get3A_18 = arith.constant 0 : index
    %get3A_19 = arith.constant 0 : index
    %get3A_20 = vector.load %arg3[%get3A_18, %get3A_19] : memref<1x64xf32, #tpu.memory_space<vmem>>, vector<1x64xf32>
    %add3A_21 = vector.broadcast %get3A_20 : vector<1x64xf32> to vector<10000x64xf32>
    %add3A_22 = arith.addf %mul3A_17, %add3A_21 : vector<10000x64xf32>
    %max3A = arith.constant 0.000000e+00 : f32
    %max3A_23 = vector.broadcast %max3A : f32 to vector<10000x64xf32>
    %max3A_24 = arith.maximumf %add3A_22, %max3A_23 : vector<10000x64xf32>
    %get3A_25 = arith.constant 0 : index
    %get3A_26 = arith.constant 0 : index
    %get3A_27 = vector.load %arg4[%get3A_25, %get3A_26] : memref<64x64xf32, #tpu.memory_space<vmem>>, vector<64x64xf32>
    %dot_general3A = arith.constant dense<0.000000e+00> : vector<10000x64xf32>
    %dot_general3A_28 = tpu.matmul %max3A_24, %get3A_27, %dot_general3A {dimension_numbers = #tpu.dot_dimension_numbers<[1], [0], [0], [1], [0, 0, 1, 1], [], []>, transpose_lhs_hint = false} : vector<10000x64xf32>, vector<64x64xf32>, vector<10000x64xf32> -> vector<10000x64xf32>
    %mul3A_29 = vector.broadcast %get3A_1 : vector<10000x1xf32> to vector<10000x64xf32>
    %mul3A_30 = arith.mulf %dot_general3A_28, %mul3A_29 : vector<10000x64xf32>
    %broadcast_in_dim3A = arith.constant 0.000000e+00 : f32
    %broadcast_in_dim3A_31 = vector.broadcast %broadcast_in_dim3A : f32 to vector<10000x64xf32>
    %swap3A = arith.constant 0 : index
    %swap3A_32 = arith.constant 0 : index
    %swap3A_33 = vector.load %arg5[%swap3A, %swap3A_32] : memref<20000x128xf32, #tpu.memory_space<vmem>>, vector<10000x64xf32>
    tpu.vector_store %arg5[%swap3A, %swap3A_32], %mul3A_30 {strides = array<i32>} : memref<20000x128xf32, #tpu.memory_space<vmem>>, vector<10000x64xf32>,
    %swap3A_34 = arith.constant 0 : index
    %swap3A_35 = arith.constant 64 : index
    %swap3A_36 = vector.load %arg5[%swap3A_34, %swap3A_35] : memref<20000x128xf32, #tpu.memory_space<vmem>>, vector<10000x64xf32>
    tpu.vector_store %arg5[%swap3A_34, %swap3A_35], %broadcast_in_dim3A_31 {strides = array<i32>} : memref<20000x128xf32, #tpu.memory_space<vmem>>, vector<10000x64xf32>,
    %swap3A_37 = arith.constant 10000 : index
    %swap3A_38 = arith.constant 0 : index
    %swap3A_39 = vector.load %arg5[%swap3A_37, %swap3A_38] : memref<20000x128xf32, #tpu.memory_space<vmem>>, vector<10000x64xf32>
    tpu.vector_store %arg5[%swap3A_37, %swap3A_38], %broadcast_in_dim3A_31 {strides = array<i32>} : memref<20000x128xf32, #tpu.memory_space<vmem>>, vector<10000x64xf32>,
    %swap3A_40 = arith.constant 10000 : index
    %swap3A_41 = arith.constant 64 : index
    %swap3A_42 = vector.load %arg5[%swap3A_40, %swap3A_41] : memref<20000x128xf32, #tpu.memory_space<vmem>>, vector<10000x64xf32>
    tpu.vector_store %arg5[%swap3A_40, %swap3A_41], %mul3A_30 {strides = array<i32>} : memref<20000x128xf32, #tpu.memory_space<vmem>>, vector<10000x64xf32>,
    return
  }
}

module attributes {stable_mosaic.version = 14 : i64} {
  func.func @body(%arg0: memref<2x6144x128xf32, #tpu.memory_space<vmem>>, %arg1: memref<20000x128xf32, #tpu.memory_space<vmem>>, %arg2: memref<10000x1xf32, #tpu.memory_space<vmem>>, %arg3: memref<1x64xf32, #tpu.memory_space<vmem>>, %arg4: memref<10000x1xi32, #tpu.memory_space<vmem>>, %arg5: memref<64x32xf32, #tpu.memory_space<vmem>>, %arg6: memref<1x32xf32, #tpu.memory_space<vmem>>, %arg7: memref<32x1xf32, #tpu.memory_space<vmem>>, %arg8: memref<1x1xf32, #tpu.memory_space<vmem>>, %arg9: memref<64x1xf32, #tpu.memory_space<vmem>>) attributes {dimension_semantics = [], scalar_prefetch = 0 : i64, scratch_operands = 0 : i64, tpu.core_type = #tpu.core_type<tc>} {
    %get3A = arith.constant 0 : index
    %get3A_0 = arith.constant 0 : index
    %get3A_1 = vector.load %arg2[%get3A, %get3A_0] : memref<10000x1xf32, #tpu.memory_space<vmem>>, vector<10000x1xf32>
    %get3A_2 = arith.constant 0 : index
    %get3A_3 = arith.constant 0 : index
    %get3A_4 = vector.load %arg1[%get3A_2, %get3A_3] : memref<20000x128xf32, #tpu.memory_space<vmem>>, vector<10000x64xf32>
    %get3A_5 = arith.constant 0 : index
    %get3A_6 = arith.constant 0 : index
    %get3A_7 = arith.constant 0 : index
    %get3A_8 = vector.load %arg0[%get3A_5, %get3A_6, %get3A_7] : memref<2x6144x128xf32, #tpu.memory_space<vmem>>, vector<1x6144x128xf32>
    %get3A_9 = vector.shape_cast %get3A_8 : vector<1x6144x128xf32> to vector<6144x128xf32>
    %get3A_10 = arith.constant 1 : index
    %get3A_11 = arith.constant 0 : index
    %get3A_12 = arith.constant 0 : index
    %get3A_13 = vector.load %arg0[%get3A_10, %get3A_11, %get3A_12] : memref<2x6144x128xf32, #tpu.memory_space<vmem>>, vector<1x6144x128xf32>
    %get3A_14 = vector.shape_cast %get3A_13 : vector<1x6144x128xf32> to vector<6144x128xf32>
    %add3A = arith.addf %get3A_9, %get3A_14 : vector<6144x128xf32>
    %slice3A = vector.extract_strided_slice %add3A {offsets = [0, 0], sizes = [5120, 64], strides = [1, 1]} : vector<6144x128xf32> to vector<5120x64xf32>
    %slice3A_15 = vector.extract_strided_slice %add3A {offsets = [0, 64], sizes = [4880, 64], strides = [1, 1]} : vector<6144x128xf32> to vector<4880x64xf32>
    %concatenate3A = tpu.concatenate %slice3A, %slice3A_15 in 0 : vector<5120x64xf32>, vector<4880x64xf32> -> vector<10000x64xf32>
    %add3A_16 = arith.addf %concatenate3A, %get3A_4 : vector<10000x64xf32>
    %mul3A = vector.broadcast %get3A_1 : vector<10000x1xf32> to vector<10000x64xf32>
    %mul3A_17 = arith.mulf %mul3A, %add3A_16 : vector<10000x64xf32>
    %get3A_18 = arith.constant 0 : index
    %get3A_19 = arith.constant 0 : index
    %get3A_20 = vector.load %arg3[%get3A_18, %get3A_19] : memref<1x64xf32, #tpu.memory_space<vmem>>, vector<1x64xf32>
    %add3A_21 = vector.broadcast %get3A_20 : vector<1x64xf32> to vector<10000x64xf32>
    %add3A_22 = arith.addf %mul3A_17, %add3A_21 : vector<10000x64xf32>
    %max3A = arith.constant 0.000000e+00 : f32
    %max3A_23 = vector.broadcast %max3A : f32 to vector<10000x64xf32>
    %max3A_24 = arith.maximumf %add3A_22, %max3A_23 : vector<10000x64xf32>
    %iota3A = tpu.iota {dimensions = array<i32: 1>} : vector<1x64xi32>
    %get3A_25 = arith.constant 0 : index
    %get3A_26 = arith.constant 0 : index
    %get3A_27 = vector.load %arg4[%get3A_25, %get3A_26] : memref<10000x1xi32, #tpu.memory_space<vmem>>, vector<10000x1xi32>
    %eq3A = vector.broadcast %get3A_27 : vector<10000x1xi32> to vector<10000x64xi32>
    %eq3A_28 = vector.broadcast %iota3A : vector<1x64xi32> to vector<10000x64xi32>
    %eq3A_29 = arith.cmpi eq, %eq3A, %eq3A_28 : vector<10000x64xi32>
    %convert_element_type3A = arith.extui %eq3A_29 : vector<10000x64xi1> to vector<10000x64xi32>
    %convert_element_type3A_30 = arith.sitofp %convert_element_type3A : vector<10000x64xi32> to vector<10000x64xf32>
    %dot_general3A = arith.constant dense<0.000000e+00> : vector<64x64xf32>
    %dot_general3A_31 = tpu.matmul %convert_element_type3A_30, %max3A_24, %dot_general3A {dimension_numbers = #tpu.dot_dimension_numbers<[0], [0], [1], [1], [0, 1, 1, 1], [], []>, transpose_lhs_hint = false} : vector<10000x64xf32>, vector<10000x64xf32>, vector<64x64xf32> -> vector<64x64xf32>
    %get3A_32 = arith.constant 0 : index
    %get3A_33 = arith.constant 0 : index
    %get3A_34 = vector.load %arg5[%get3A_32, %get3A_33] : memref<64x32xf32, #tpu.memory_space<vmem>>, vector<64x32xf32>
    %dot_general3A_35 = arith.constant dense<0.000000e+00> : vector<64x32xf32>
    %dot_general3A_36 = tpu.matmul %dot_general3A_31, %get3A_34, %dot_general3A_35 {dimension_numbers = #tpu.dot_dimension_numbers<[1], [0], [0], [1], [0, 0, 1, 1], [], []>, transpose_lhs_hint = false} : vector<64x64xf32>, vector<64x32xf32>, vector<64x32xf32> -> vector<64x32xf32>
    %get3A_37 = arith.constant 0 : index
    %get3A_38 = arith.constant 0 : index
    %get3A_39 = vector.load %arg6[%get3A_37, %get3A_38] : memref<1x32xf32, #tpu.memory_space<vmem>>, vector<1x32xf32>
    %add3A_40 = vector.broadcast %get3A_39 : vector<1x32xf32> to vector<64x32xf32>
    %add3A_41 = arith.addf %dot_general3A_36, %add3A_40 : vector<64x32xf32>
    %max3A_42 = arith.constant 0.000000e+00 : f32
    %max3A_43 = vector.broadcast %max3A_42 : f32 to vector<64x32xf32>
    %max3A_44 = arith.maximumf %add3A_41, %max3A_43 : vector<64x32xf32>
    %get3A_45 = arith.constant 0 : index
    %get3A_46 = arith.constant 0 : index
    %get3A_47 = vector.load %arg7[%get3A_45, %get3A_46] : memref<32x1xf32, #tpu.memory_space<vmem>>, vector<32x1xf32>
    %dot_general3A_48 = arith.constant dense<0.000000e+00> : vector<64x1xf32>
    %dot_general3A_49 = tpu.matmul %max3A_44, %get3A_47, %dot_general3A_48 {dimension_numbers = #tpu.dot_dimension_numbers<[1], [0], [0], [1], [0, 0, 1, 1], [], []>, transpose_lhs_hint = false} : vector<64x32xf32>, vector<32x1xf32>, vector<64x1xf32> -> vector<64x1xf32>
    %get3A_50 = arith.constant 0 : index
    %get3A_51 = arith.constant 0 : index
    %get3A_52 = vector.load %arg8[%get3A_50, %get3A_51] : memref<1x1xf32, #tpu.memory_space<vmem>>, vector<1x1xf32>
    %add3A_53 = vector.broadcast %get3A_52 : vector<1x1xf32> to vector<64x1xf32>
    %add3A_54 = arith.addf %dot_general3A_49, %add3A_53 : vector<64x1xf32>
    %swap3A = arith.constant 0 : index
    %swap3A_55 = arith.constant 0 : index
    %swap3A_56 = vector.load %arg9[%swap3A, %swap3A_55] : memref<64x1xf32, #tpu.memory_space<vmem>>, vector<64x1xf32>
    tpu.vector_store %arg9[%swap3A, %swap3A_55], %add3A_54 {strides = array<i32>} : memref<64x1xf32, #tpu.memory_space<vmem>>, vector<64x1xf32>,
    return
  }
}

</mosaic_0001>

<sc_bundles>
// kernel: kernel.15.cloned.1.call-start
scs
__scs_entry_jumppad:
0x0: {  	(pc) =	sbr.rel $0x88, $3  }
0x1: {  	(tag) =	ssettag $0x0;
	lr =	simm.s32 $0x1  }
0x2: {  	[smem:$0x3F90] =	sst lr;
	_ =	strace $0xD0000000  }
0x3: {  	_ = 	snop  }
0x4: {  	_ = 	snop  }
0x5: {  	_ = 	snop  }
0x6: {  	_ = 	snop  }
0x7: {  	_ = 	snop  }
__scs_overlays_trampoline_lowered:
0x8: {  	[smem:$0x3F9F] =	sst s0  }
0x9: {  	[smem:$0x3FA0] =	sst s1  }
0xa: {  	[smem:$0x3FA1] =	sst s2  }
0xb: {  	[smem:$0x3FA2] =	sst s3  }
0xc: {  	[smem:$0x3FA3] =	sst s4  }
0xd: {  	[smem:$0x3FA4] =	sst s5  }
0xe: {  	[smem:$0x3FA5] =	sst s6  }
0xf: {  	[smem:$0x3FA6] =	sst s7  }
0x10: {  	[smem:$0x3FA7] =	sst s8  }
0x11: {  	[smem:$0x3FA8] =	sst s9;
	s0 =	simm.s32 @!p0 $0x0  }
0x12: {  	s1 =	sld [smem:$0x3F8E];
	s0 =	simm.s32 @p0 $0x1  }
0x13: {  	[smem:$0x3FA9] =	sst s0;
	s0 =	simm.s32 @!p1 $0x0  }
0x14: {  	s2 =	sld [smem:$0x3F8D];
	s0 =	simm.s32 @p1 $0x1  }
0x15: {  	[smem:$0x3FAA] =	sst s0;
	s0 =	simm.s32 @!p2 $0x0  }
0x16: {  	s3 =	sld [smem:$0x3FDB];
	s0 =	simm.s32 @p2 $0x1  }
0x17: {  	s4 =	simm.s32 $0x1BF5;
	[smem:$0x3FAC] =	sst s0  }
0x18: {  	s0 =	sld [smem:$0x3F8F];
	_ =	swait.ge [sflag:s4], $0x0  }
0x19: {  	s7 =	sld [smem:$0x3F90]  }
0x1a: {  	s8 =	sadd.s32 $0xFFFFE003, lr  }
0x1b: {  	s9 =	sadd.s32 $0xFFFFFEF7, lr;
	s5 =	simm.s32 $0xFFFFFFFF;
	p2 =	slt.u32 s8, $0xFFFFF086  }
0x1c: {  	p1 =	slt.u32 s9, $0xF7A;
	s5 =	simm.s32 @!p2 $0x0  }
0x1d: {  	s5 =	simm.s32 @p1 $0x1;
	p0 =	seq.s32 s7, s2  }
0x1e: {  	s7 =	smul.u32 @!p0 $0xF7A, s2;
	p2 =	seq.s32 @!p0 s5, $0x0  }
0x1f: {  	s9 =	smul.u32 $0xF7A, s1;
	s8 =	simm.s32 @!p0 $0x1BF5;
	p2 =	por !p2, p0  }
0x20: {  	[sflag:s8] =	ssyncset.s32 @!p0 $0xFFFFF086;
	s6 =	sadd.s32 @!p0 s3, s7;
	s7 =	simm.s32 @!p0 $0x108  }
0x21: {  	s3 =	sadd.s32 s3, s9;
	s6 =	sadd.s32 @!p0 $0x88, s6;
	s7 =	simm.s32 @p2 $0x1082  }
0x22: {  	[simem:s7], [sflag:s8] =	dma.local @!p0 [hbm:s6], $0xF7A  }
0x23: {  	s9 =	sor.u32 $0xD0000000, s2;
	s6 =	simm.s32 $0x108;
	_ =	swait.ge @!p0 [sflag:s8], $0x0  }
0x24: {  	s3 =	sadd.s32 $0x88, s3;
	s6 =	simm.s32 @!p1 $0x1082;
	[sflag:s4] =	ssyncset.s32 $0xFFFFF086  }
0x25: {  	[simem:s6], [sflag:s4] =	dma.local [hbm:s3], $0xF7A  }
0x26: {  	[smem:$0x3F90] =	sst s1;
	(tag) =	ssettag s2;
	_ =	strace s9  }
0x27: {  	s1 =	sld [smem:$0x3FA0]  }
0x28: {  	s2 =	sld [smem:$0x3FA1]  }
0x29: {  	s4 =	sld [smem:$0x3FA3]  }
0x2a: {  	p0 =	seq.s32 s5, $0x0;
	s5 =	sld [smem:$0x3FA4]  }
0x2b: {  	s6 =	sld [smem:$0x3FA5]  }
0x2c: {  	s7 =	sld [smem:$0x3FA6]  }
0x2d: {  	s3 =	simm.s32 $0x108;
	s8 =	sld [smem:$0x3FA7]  }
0x2e: {  	s3 =	simm.s32 @!p0 $0x1082;
	s9 =	sld [smem:$0x3FA8]  }
0x2f: {  	lr =	sadd.s32 s0, s3;
	s0 =	sld [smem:$0x3F9F]  }
0x30: {  	s3 =	sld [smem:$0x3FA2]  }
0x31: {  	[smem:$0x3FAB] =	sst s10  }
0x32: {  	s10 =	sld [smem:$0x3FA9];
	_ =	sdelay $0x3  }
0x33: {  	p0 =	seq.s32 s10, $0x1;
	s10 =	sld [smem:$0x3FAB];
	_ =	sdelay $0x3  }
0x34: {  	[smem:$0x3FAB] =	sst s10  }
0x35: {  	s10 =	sld [smem:$0x3FAA];
	_ =	sdelay $0x3  }
0x36: {  	p1 =	seq.s32 s10, $0x1;
	s10 =	sld [smem:$0x3FAB];
	_ =	sdelay $0x3  }
0x37: {  	[smem:$0x3FAB] =	sst s10  }
0x38: {  	s10 =	sld [smem:$0x3FAC]  }
0x39: {  	_ = 	snop;
	(pc) =	sbr.ind lr, $3  }
0x3a: {  	_ = 	snop  }
0x3b: {  	_ = 	snop  }
0x3c: {  	p2 =	seq.s32 s10, $0x1;
	s10 =	sld [smem:$0x3FAB]  }
0x3d: {  	_ =	shalt  }
0x3e: {  	_ =	shalt  }
0x3f: {  	_ =	shalt  }
0x40: {  	_ =	shalt  }
0x41: {  	_ =	shalt  }
0x42: {  	_ =	shalt  }
0x43: {  	_ =	shalt  }
0x44: {  	_ =	shalt  }
0x45: {  	_ =	shalt  }
0x46: {  	_ =	shalt  }
0x47: {  	_ =	shalt  }
0x48: {  	_ =	shalt  }
0x49: {  	_ =	shalt  }
0x4a: {  	_ =	shalt  }
0x4b: {  	_ =	shalt  }
0x4c: {  	_ =	shalt  }
0x4d: {  	_ =	shalt  }
0x4e: {  	_ =	shalt  }
0x4f: {  	_ =	shalt  }
0x50: {  	_ =	shalt  }
0x51: {  	_ =	shalt  }
0x52: {  	_ =	shalt  }
0x53: {  	_ =	shalt  }
0x54: {  	_ =	shalt  }
0x55: {  	_ =	shalt  }
0x56: {  	_ =	shalt  }
0x57: {  	_ =	shalt  }
0x58: {  	_ =	shalt  }
0x59: {  	_ =	shalt  }
0x5a: {  	_ =	shalt  }
0x5b: {  	_ =	shalt  }
0x5c: {  	_ =	shalt  }
0x5d: {  	_ =	shalt  }
0x5e: {  	_ =	shalt  }
0x5f: {  	_ =	shalt  }
0x60: {  	_ =	shalt  }
0x61: {  	_ =	shalt  }
0x62: {  	_ =	shalt  }
0x63: {  	_ =	shalt  }
0x64: {  	_ =	shalt  }
0x65: {  	_ =	shalt  }
0x66: {  	_ =	shalt  }
0x67: {  	_ =	shalt  }
0x68: {  	_ =	shalt  }
0x69: {  	_ =	shalt  }
0x6a: {  	_ =	shalt  }
0x6b: {  	_ =	shalt  }
0x6c: {  	_ =	shalt  }
0x6d: {  	_ =	shalt  }
0x6e: {  	_ =	shalt  }
0x6f: {  	_ =	shalt  }
0x70: {  	_ =	shalt  }
0x71: {  	_ =	shalt  }
0x72: {  	_ =	shalt  }
0x73: {  	_ =	shalt  }
0x74: {  	_ =	shalt  }
0x75: {  	_ =	shalt  }
0x76: {  	_ =	shalt  }
0x77: {  	_ =	shalt  }
0x78: {  	_ =	shalt  }
0x79: {  	_ =	shalt  }
0x7a: {  	_ =	shalt  }
0x7b: {  	_ =	shalt  }
0x7c: {  	_ =	shalt  }
0x7d: {  	_ =	shalt  }
0x7e: {  	_ =	shalt  }
0x7f: {  	_ =	shalt  }
0x80: {  	_ =	shalt  }
0x81: {  	_ =	shalt  }
0x82: {  	_ =	shalt  }
0x83: {  	_ =	shalt  }
0x84: {  	_ =	shalt  }
0x85: {  	_ =	shalt  }
0x86: {  	_ =	shalt  }
0x87: {  	_ =	shalt  }
.Lfunc_end0:
.L_simem_size_0:
called_computation_lowered:
.L_overlay_start_0:
0x88: {  	s2 =	sld [smem:$0x3FD9]  }
0x89: {  	s3 =	sld [smem:$0x3FFE];
	_ =	sdelay $0x1  }
0x8a: {  	s1 =	srdreg.scid  }
0x8b: {  	s0 =	sand.u32 $0x1, s1  }
0x8c: {  	s16 =	sshll.u32 s0, $0xA;
	s2 =	sadd.s32 s3, s2  }
0x8d: {  	s2 =	sadd.s32 s2, s16  }
0x8e: {  	[smem:$0x3FB7] =	sst s2  }
0x8f: {  	_ = 	snop  }
0x90: {  	(tm) =	ssettm $0x1  }
0x91: {  	s17 =	sld [smem:$0x3FFB];
	_ =	sdelay $0x3  }
0x92: {  	_ =	strace s17  }
0x93: {  	s2 =	sld [smem:$0x3FFC];
	_ =	sdelay $0x3  }
0x94: {  	_ =	strace s2  }
0x95: {  	s2 =	sld [smem:$0x3FFD];
	_ =	sdelay $0x3  }
0x96: {  	_ =	strace s2  }
0x97: {  	_ =	strace $0x8FFFFFFF  }
0x98: {  	s18 =	sld [smem:$0x3FDB];
	_ =	sdelay $0x1  }
0x99: {  	s19 =	simm.s32 $_scs_section_size  }
0x9a: {  	s4 =	simm.s32 $_size__tile_overlayer_lowered;
	s5 =	simm.s32 $_tile_overlayer_lowered  }
0x9b: {  	s22 =	simm.s32 $0x1BFF;
	s21 =	sshll.u32 s5, $0x1;
	s2 =	sadd.s32 s19, s18  }
0x9c: {  	s6 =	simm.s32 $0x0;
	s20 =	sshll.u32 s4, $0x1;
	s4 =	sadd.s32 s21, s2  }
0x9d: {  	[timem:s6], [sflag:s22] =	dma.local [hbm:s4], s20  }
0x9e: {  	_ =	swait.ge [sflag:s22], s20  }
0x9f: {  	s3 =	ssub.s32 $0x0, s20;
	[sflag:s22] =	ssyncset.done $0x0  }
0xa0: {  	[sflag:s22] =	ssyncadd.s32 s3;
	_ =	sdelay $0x1  }
0xa1: {  	s23 =	simm.s32 $0x1B8B  }
0xa2: {  	_ =	swait.ge [sflag:s23], $0x1  }
0xa3: {  	[sflag:s23] =	ssyncset.done $0x0  }
0xa4: {  	s25 =	simm.s32 $0x1B8E;
	s24 =	sld [smem:$0x3FFE];
	[sflag:s23] =	ssyncadd.s32 $0xFFFFFFFF  }
0xa5: {  	s26 =	simm.s32 $execute0_lowered;
	[smem:$0x3FD2] =	sst s25  }
0xa6: {  	s4 =	sshll.u32 s26, $0x1;
	_ =	strace $0x80000046;
	[dreg:$0x1] =	wrdreg $0xFFFFFFFF  }
0xa7: {  	s28 =	simm.s32 $_size_execute0_lowered;
	s2 =	sadd.s32 s2, s4;
	[dreg:$0x0] =	wrdreg $0x0  }
0xa8: {  	s4 =	sshll.u32 s28, $0x1;
	[dreg:$0x2] =	wrdreg s2  }
0xa9: {  	[dreg:$0x3] =	wrdreg s4  }
0xaa: {  	[dreg:$0x4] =	wrdreg $0xC0  }
0xab: {  	_ =	task [dreg:s6], $0x5FFFF  }
0xac: {  	[dreg:$0x1] =	wrdreg $0xFFFFFFFF  }
0xad: {  	[dreg:$0x0] =	wrdreg $0x60  }
0xae: {  	[dreg:$0x2] =	wrdreg s24  }
0xaf: {  	[dreg:$0x3] =	wrdreg $0xD0000  }
0xb0: {  	[dreg:$0x4] =	wrdreg $0x9  }
0xb1: {  	_ =	task.clear_ibuf [dreg:s6], $0x5FFFF;
	_ =	strace $0x90000046  }
0xb2: {  	s29 =	simm.s32 $0x9;
	_ =	strace $0x80000048  }
0xb3: {  	_ =	swait.ge [sflag:s29], $0x1  }
0xb4: {  	[sflag:s29] =	ssyncadd.s32 $0xFFFFFFFF  }
0xb5: {  	_ =	strace $0x90000048  }
0xb6: {  	_ =	sfence  }
0xb7: {  	s30 =	sld [smem:$0x0];
	_ =	sdelay $0x2  }
0xb8: {  	s31 =	sshll.u32 s1, $0xD;
	s1 =	sshrl.u32 s1, $0x2  }
0xb9: {  	s3 =	sand.u32 $0x4000, s31;
	s1 =	sadd.s32 s1, s30  }
0xba: {  	s0 =	sor.u32 s3, s0;
	s1 =	sshll.u32 s1, $0x11  }
0xbb: {  	s0 =	sor.u32 s1, s0  }
0xbc: {  	s0 =	sadd.s32 $0x8F2B, s0  }
0xbd: {  	[sflag:s0] =	ssyncadd.remote.s32 $0x1  }
0xbe: {  	_ =	sfence.sel $0xFFFF  }
0xbf: {  	[dreg:$0x0] =	wrdreg $0xFFFFFFFF;
	(pc) =	sbr.abs _section_cstart, $3  }
0xc0: {  	[dreg:$0x1] =	wrdreg $0xFFFFFFFF  }
0xc1: {  	_ =	task.clear_ibuf [dreg:s6], $0x2FFFF;
	_ =	strace $0x9FFFFFFF  }
0xc2: {  	(tm) =	ssettm $0x7FFFFFFF  }
0xc3: {  	_ =	shalt  }
tec
execute0_lowered:
.L_overlay_start_1:
0x0: {  	(tag) =	ssettag $0x1  }
0x1: {  	s5 =	rddreg [dreg:$0x0]  }
0x2: {  	s1 =	rddreg [dreg:$0x1];
	s2 =	srdreg.scid  }
0x3: {  	s0 =	rddreg [dreg:$0x2];
	s3 =	simm.s32 $0x0;
	s12 =	simm.s32 $0x5000  }
0x4: {  	s13 =	simm.s32 $0x3;
	s14 =	simm.s32 $0x2800;
	s15 =	simm.s32 $0x80  }
0x5: {  	s16 =	simm.s32 $0x9000;
	s17 =	simm.s32 $0x1;
	s18 =	simm.s32 $0x2  }
0x6: {  	s19 =	simm.s32 $0x4F00;
	s6 =	sand.u32 $0x1, s2;
	s2 =	stileid.u32  }
0x7: {  	s20 =	simm.s32 $0x4F80;
	[smem:$0x7FF] =	sst s3;
	s7 =	smul.u32 $0xC0000, s6  }
0x8: {  	s4 =	sshll.u32 s6, $0x4;
	s9 =	smul.u32 $0xC000, s2;
	_ =	strace $0x80000047  }
0x9: {  	s6 =	ssub.s32 $0x2, s6;
	s30 =	smul.u32 $0x30000, s2;
	s21 =	sshll.u32 s2, $0x6  }
0xa: {  	s8 =	sor.u32 s2, s4;
	s4 =	sadd.s32 $0x23800, s5;
	s10 =	sshrl.u32 s6, $0x1  }
0xb: {  	s21 =	sor.u32 $0x1C03, s21;
	s8 =	smul.u32 $0x500, s8;
	s7 =	sadd.s32 s9, s7  }
0xc: {  	s10 =	ssub.s32 s6, s10;
	s31 =	sshrl.u32 s30, $0x2;
	s7 =	sshrl.u32 s7, $0x3  }
0xd: {  	s9 =	smax.u32 s10, $0x1;
	s8 =	sadd.s32 s8, s5;
	s11 =	sadd.s32 s7, s5  }
0xe: {  	s5 =	sadd.s32 s31, s1;
	s6 =	sadd.s32 $0x5800, s8;
	s7 =	sadd.s32 $0xF800, s8  }
0xf: {  	v0 =	vimm.f32 $0.0e+00;
	s8 =	sadd.s32 $0x2B800, s11;
	s10 =	sadd.s32 $0x4000, s5;
	s11 =	sadd.s32 $0x8000, s5  }
.LBB2_1:
0x10: {  	s22 =	simm.s32 $0x0;
	s23 =	simm.s32 $0x200  }
.LBB2_2:
0x11: {  	p0 =	sne.s32 s23, $0xFE00;
	[tilespmem:s22+$0x5070] =	vst v0  }
0x12: {  	[tilespmem:s22+$0x5000] =	vst v0  }
0x13: {  	[tilespmem:s22+$0x5010] =	vst v0  }
.Ltmp0:
0x14: {  	[tilespmem:s22+$0x5020] =	vst v0;
	(pc) =	sbr.rel @p0 .LBB2_2-.Ltmp0, $4  }
0x15: {  	[tilespmem:s22+$0x5030] =	vst v0  }
0x16: {  	[tilespmem:s22+$0x5040] =	vst v0  }
0x17: {  	[tilespmem:s22+$0x5050] =	vst v0  }
0x18: {  	[tilespmem:s22+$0x5060] =	vst v0;
	s22 =	sshra.s32 s23, $0x2;
	s23 =	sadd.s32 $0x200, s23  }
0x19: {  	[tilespmem:s22+$0x5070] =	vst v0  }
0x1a: {  	[tilespmem:s22+$0x5000] =	vst v0  }
0x1b: {  	[tilespmem:s22+$0x5010] =	vst v0  }
0x1c: {  	[tilespmem:s22+$0x5020] =	vst v0  }
0x1d: {  	[tilespmem:s22+$0x5030] =	vst v0  }
0x1e: {  	[tilespmem:s22+$0x5040] =	vst v0  }
0x1f: {  	[tilespmem:s22+$0x5050] =	vst v0  }
0x20: {  	[tilespmem:s22+$0x5060] =	vst v0  }
0x21: {  	[spmem:s5] =	stream.linear.scatter [tilespmem:s12], [sflag:$0x3], $0x4000, $0x38;
	[tilespmem:$0x19000] =	vst v63  }
0x22: {  	_ =	swait.ge [sflag:s13], $0x4000  }
0x23: {  	[sflag:s13] =	ssyncset.done $0x0  }
0x24: {  	[sflag:s13] =	ssyncadd.s32 $0xFFFFC000  }
0x25: {  	[spmem:s10] =	stream.linear.scatter [tilespmem:s12], [sflag:$0x3], $0x4000, $0x38;
	[tilespmem:$0x19000] =	vst v63  }
0x26: {  	_ =	swait.ge [sflag:s13], $0x4000  }
0x27: {  	[sflag:s13] =	ssyncset.done $0x0  }
0x28: {  	[sflag:s13] =	ssyncadd.s32 $0xFFFFC000  }
0x29: {  	[spmem:s11] =	stream.linear.scatter [tilespmem:s12], [sflag:$0x3], $0x4000, $0x38;
	[tilespmem:$0x19000] =	vst v63  }
0x2a: {  	_ =	swait.ge [sflag:s13], $0x4000  }
0x2b: {  	[sflag:s13] =	ssyncset.done $0x0  }
0x2c: {  	s28 =	simm.s32 $0x0;
	[sflag:s13] =	ssyncadd.s32 $0xFFFFC000  }
0x2d: {  	[tilespmem:s28], [sflag:$0x3] =	stream.linear.gather [hbm4b:s6+s28], $0x2800, $0x38;
	[tilespmem:$0x19000] =	vst v63  }
0x2e: {  	_ =	swait.ge [sflag:s13], $0x2800  }
0x2f: {  	[sflag:s13] =	ssyncset.done $0x0  }
0x30: {  	[sflag:s13] =	ssyncadd.s32 $0xFFFFD800  }
0x31: {  	[tilespmem:s14], [sflag:$0x3] =	stream.linear.gather [hbm4b:s7+s28], $0x2800, $0x38;
	[tilespmem:$0x19000] =	vst v63  }
0x32: {  	_ =	swait.ge [sflag:s13], $0x2800  }
0x33: {  	[sflag:s13] =	ssyncset.done $0x0  }
0x34: {  	[sflag:s13] =	ssyncadd.s32 $0xFFFFD800  }
0x35: {  	[bflag:$0x0] =	sbarrier.arrive $0xFFFF  }
0x36: {  	[tilespmem:s12], [sflag:$0x1] =	stream.indirect.gather [hbm4b:s4+s15], $0x80, s28, s15, $0xb8;
	[tilespmem:$0x19000] =	vst v63  }
0x37: {  	_ = 	snop  }
0x38: {  	[tilespmem:s16], [sflag:$0x2] =	stream.indirect.gather [hbm4b:s4+s15], $0x80, s15, s15, $0xb8;
	[tilespmem:$0x19000] =	vst v63  }
0x39: {  	_ =	swait.ge [sflag:s17], $0x4000  }
0x3a: {  	[sflag:s17] =	ssyncset.done $0x0  }
0x3b: {  	s29 =	simm.s32 $0x2800;
	[sflag:s17] =	ssyncadd.s32 $0xFFFFC000  }
0x3c: {  	[spmem:s1] =	stream.indirect.scatter.add.f32 [tilespmem:s12], [sflag:$0x3], $0x80, s29, s15, $0xb8;
	[tilespmem:$0x19000] =	vst v63  }
0x3d: {  	_ =	swait.ge [sflag:s13], $0x4000  }
0x3e: {  	[sflag:s13] =	ssyncset.done $0x0  }
0x3f: {  	s30 =	simm.s32 $0x100;
	[sflag:s13] =	ssyncadd.s32 $0xFFFFC000  }
0x40: {  	[tilespmem:s12], [sflag:$0x1] =	stream.indirect.gather [hbm4b:s4+s15], $0x80, s30, s15, $0xb8;
	[tilespmem:$0x19000] =	vst v63  }
0x41: {  	_ =	swait.ge [sflag:s18], $0x4000  }
0x42: {  	[sflag:s18] =	ssyncset.done $0x0  }
0x43: {  	s31 =	simm.s32 $0x2880;
	[sflag:s18] =	ssyncadd.s32 $0xFFFFC000  }
0x44: {  	[spmem:s1] =	stream.indirect.scatter.add.f32 [tilespmem:s16], [sflag:$0x3], $0x80, s31, s15, $0xb8;
	[tilespmem:$0x19000] =	vst v63  }
0x45: {  	_ =	swait.ge [sflag:s13], $0x4000  }
0x46: {  	[sflag:s13] =	ssyncset.done $0x0  }
0x47: {  	s22 =	simm.s32 $0x400;
	s23 =	simm.s32 $0x180;
	[sflag:s13] =	ssyncadd.s32 $0xFFFFC000  }
.LBB2_4:
0x48: {  	[tilespmem:s16], [sflag:$0x2] =	stream.indirect.gather [hbm4b:s4+s15], $0x80, s23, s15, $0xb8;
	[tilespmem:$0x19000] =	vst v63  }
0x49: {  	s23 =	smov.u32 s22  }
0x4a: {  	p0 =	sne.s32 s22, $0x9800;
	s22 =	sadd.s32 $0x400, s22;
	_ =	swait.ge [sflag:s17], $0x4000  }
0x4b: {  	s23 =	sshra.s32 s23, $0x2;
	[sflag:s17] =	ssyncset.done $0x0  }
0x4c: {  	s24 =	sadd.s32 $0x2800, s23;
	[sflag:s17] =	ssyncadd.s32 $0xFFFFC000  }
0x4d: {  	[spmem:s1] =	stream.indirect.scatter.add.f32 [tilespmem:s12], [sflag:$0x3], $0x80, s24, s15, $0xb8;
	[tilespmem:$0x19000] =	vst v63  }
0x4e: {  	_ =	swait.ge [sflag:s13], $0x4000  }
0x4f: {  	[sflag:s13] =	ssyncset.done $0x0  }
0x50: {  	s24 =	sadd.s32 $0x100, s23;
	[sflag:s13] =	ssyncadd.s32 $0xFFFFC000  }
0x51: {  	[tilespmem:s12], [sflag:$0x1] =	stream.indirect.gather [hbm4b:s4+s15], $0x80, s24, s15, $0xb8;
	[tilespmem:$0x19000] =	vst v63  }
0x52: {  	_ =	swait.ge [sflag:s18], $0x4000  }
0x53: {  	[sflag:s18] =	ssyncset.done $0x0  }
.Ltmp1:
0x54: {  	s24 =	sadd.s32 $0x2880, s23;
	[sflag:s18] =	ssyncadd.s32 $0xFFFFC000;
	(pc) =	sbr.rel @p0 .LBB2_4-.Ltmp1, $4  }
0x55: {  	[spmem:s1] =	stream.indirect.scatter.add.f32 [tilespmem:s16], [sflag:$0x3], $0x80, s24, s15, $0xb8;
	[tilespmem:$0x19000] =	vst v63  }
0x56: {  	_ =	swait.ge [sflag:s13], $0x4000  }
0x57: {  	[sflag:s13] =	ssyncset.done $0x0  }
0x58: {  	s23 =	sadd.s32 $0x180, s23;
	[sflag:s13] =	ssyncadd.s32 $0xFFFFC000  }
0x59: {  	[tilespmem:s16], [sflag:$0x2] =	stream.indirect.gather [hbm4b:s4+s15], $0x80, s23, s15, $0xb8;
	[tilespmem:$0x19000] =	vst v63  }
0x5a: {  	_ =	swait.ge [sflag:s17], $0x4000  }
0x5b: {  	[sflag:s17] =	ssyncset.done $0x0  }
0x5c: {  	[sflag:s17] =	ssyncadd.s32 $0xFFFFC000  }
0x5d: {  	[spmem:s1] =	stream.indirect.scatter.add.f32 [tilespmem:s12], [sflag:$0x3], $0x80, s19, s15, $0xb8;
	[tilespmem:$0x19000] =	vst v63  }
0x5e: {  	_ =	swait.ge [sflag:s13], $0x4000  }
0x5f: {  	[sflag:s13] =	ssyncset.done $0x0  }
0x60: {  	[sflag:s13] =	ssyncadd.s32 $0xFFFFC000  }
0x61: {  	_ =	swait.ge [sflag:s18], $0x4000  }
0x62: {  	[sflag:s18] =	ssyncset.done $0x0  }
0x63: {  	[sflag:s18] =	ssyncadd.s32 $0xFFFFC000  }
0x64: {  	[spmem:s1] =	stream.indirect.scatter.add.f32 [tilespmem:s16], [sflag:$0x3], $0x80, s20, s15, $0xb8;
	[tilespmem:$0x19000] =	vst v63  }
0x65: {  	_ =	swait.ge [sflag:s13], $0x4000  }
0x66: {  	s3 =	sadd.s32 $0x1, s3;
	[sflag:s13] =	ssyncset.done $0x0  }
0x67: {  	p0 =	sne.s32 s3, s9;
	[sflag:s13] =	ssyncadd.s32 $0xFFFFC000  }
.Ltmp2:
0x68: {  	s22 =	sshrl.u32 s5, $0x3;
	[bflag:$0x0] =	sbarrier.arrive $0xFFFF;
	(pc) =	sbr.rel @p0 .LBB2_1-.Ltmp2, $4  }
0x69: {  	[hbm:s8], [sflag:s21] =	dma.local [spmem:s22], $0x1800  }
0x6a: {  	_ =	swait.ge [sflag:s13], $0x1800  }
0x6b: {  	[sflag:s13] =	ssyncset.done $0x0  }
0x6c: {  	[sflag:s13] =	ssyncadd.s32 $0xFFFFE800  }
0x6d: {  	_ =	sfence.sel $0x180000  }
0x6e: {  	[bflag:$0x0] =	sbarrier.arrive $0xFFFF  }
0x6f: {  	p0 =	sne.s32 s2, $0x0;
	_ =	strace $0x90000047  }
0x70: {  	s0 =	sadd.s32 @!p0 $0x100000, s0;
	[bflag:$0x2] =	sbarrier.arrive $0xFFFF  }
0x71: {  	[sflag:s0] =	ssyncadd.tile.s32 @!p0 $0x1;
	_ =	shalt  }
.Lfunc_end2:
_tile_overlayer_lowered:
.L_overlay_start_2:
0x72: {  	(tag) =	ssettag $0x2  }
0x73: {  	s0 =	rddreg [dreg:$0x0];
	s2 =	stileid.u32  }
0x74: {  	s1 =	rddreg [dreg:$0x1];
	p0 =	sne.s32 s2, $0x0  }
0x75: {  	s3 =	rddreg [dreg:$0x2];
	[bflag:$0x3] =	sbarrier.arrive $0xFFFF;
	s2 =	simm.s32 @!p0 $0x1C03  }
0x76: {  	[timem:s3], [sflag:s2] =	dma.local @!p0 [hbm:s0], s1  }
0x77: {  	s0 =	simm.s32 @!p0 $0x3  }
0x78: {  	_ =	swait.ge @!p0 [sflag:s0], s1  }
0x79: {  	s1 =	ssub.s32 @!p0 $0x0, s1;
	[sflag:s0] =	ssyncset.done @!p0 $0x0  }
0x7a: {  	[sflag:s0] =	ssyncadd.s32 @!p0 s1  }
0x7b: {  	[bflag:$0x3] =	sbarrier.arrive $0xFFFF  }
0x7c: {  	_ =	shalt  }

// kernel: kernel.18.cloned.1.call-start
scs
__scs_entry_jumppad:
0x0: {  	(pc) =	sbr.rel $0x88, $3  }
0x1: {  	(tag) =	ssettag $0x0;
	lr =	simm.s32 $0x1  }
0x2: {  	[smem:$0x3F90] =	sst lr;
	_ =	strace $0xD0000000  }
0x3: {  	_ = 	snop  }
0x4: {  	_ = 	snop  }
0x5: {  	_ = 	snop  }
0x6: {  	_ = 	snop  }
0x7: {  	_ = 	snop  }
__scs_overlays_trampoline_lowered:
0x8: {  	[smem:$0x3F9F] =	sst s0  }
0x9: {  	[smem:$0x3FA0] =	sst s1  }
0xa: {  	[smem:$0x3FA1] =	sst s2  }
0xb: {  	[smem:$0x3FA2] =	sst s3  }
0xc: {  	[smem:$0x3FA3] =	sst s4  }
0xd: {  	[smem:$0x3FA4] =	sst s5  }
0xe: {  	[smem:$0x3FA5] =	sst s6  }
0xf: {  	[smem:$0x3FA6] =	sst s7  }
0x10: {  	[smem:$0x3FA7] =	sst s8  }
0x11: {  	[smem:$0x3FA8] =	sst s9;
	s0 =	simm.s32 @!p0 $0x0  }
0x12: {  	s1 =	sld [smem:$0x3F8E];
	s0 =	simm.s32 @p0 $0x1  }
0x13: {  	[smem:$0x3FA9] =	sst s0;
	s0 =	simm.s32 @!p1 $0x0  }
0x14: {  	s2 =	sld [smem:$0x3F8D];
	s0 =	simm.s32 @p1 $0x1  }
0x15: {  	[smem:$0x3FAA] =	sst s0;
	s0 =	simm.s32 @!p2 $0x0  }
0x16: {  	s3 =	sld [smem:$0x3FDB];
	s0 =	simm.s32 @p2 $0x1  }
0x17: {  	s4 =	simm.s32 $0x1BF5;
	[smem:$0x3FAC] =	sst s0  }
0x18: {  	s0 =	sld [smem:$0x3F8F];
	_ =	swait.ge [sflag:s4], $0x0  }
0x19: {  	s7 =	sld [smem:$0x3F90]  }
0x1a: {  	s8 =	sadd.s32 $0xFFFFE003, lr  }
0x1b: {  	s9 =	sadd.s32 $0xFFFFFEF7, lr;
	s5 =	simm.s32 $0xFFFFFFFF;
	p2 =	slt.u32 s8, $0xFFFFF086  }
0x1c: {  	p1 =	slt.u32 s9, $0xF7A;
	s5 =	simm.s32 @!p2 $0x0  }
0x1d: {  	s5 =	simm.s32 @p1 $0x1;
	p0 =	seq.s32 s7, s2  }
0x1e: {  	s7 =	smul.u32 @!p0 $0xF7A, s2;
	p2 =	seq.s32 @!p0 s5, $0x0  }
0x1f: {  	s9 =	smul.u32 $0xF7A, s1;
	s8 =	simm.s32 @!p0 $0x1BF5;
	p2 =	por !p2, p0  }
0x20: {  	[sflag:s8] =	ssyncset.s32 @!p0 $0xFFFFF086;
	s6 =	sadd.s32 @!p0 s3, s7;
	s7 =	simm.s32 @!p0 $0x108  }
0x21: {  	s3 =	sadd.s32 s3, s9;
	s6 =	sadd.s32 @!p0 $0x88, s6;
	s7 =	simm.s32 @p2 $0x1082  }
0x22: {  	[simem:s7], [sflag:s8] =	dma.local @!p0 [hbm:s6], $0xF7A  }
0x23: {  	s9 =	sor.u32 $0xD0000000, s2;
	s6 =	simm.s32 $0x108;
	_ =	swait.ge @!p0 [sflag:s8], $0x0  }
0x24: {  	s3 =	sadd.s32 $0x88, s3;
	s6 =	simm.s32 @!p1 $0x1082;
	[sflag:s4] =	ssyncset.s32 $0xFFFFF086  }
0x25: {  	[simem:s6], [sflag:s4] =	dma.local [hbm:s3], $0xF7A  }
0x26: {  	[smem:$0x3F90] =	sst s1;
	(tag) =	ssettag s2;
	_ =	strace s9  }
0x27: {  	s1 =	sld [smem:$0x3FA0]  }
0x28: {  	s2 =	sld [smem:$0x3FA1]  }
0x29: {  	s4 =	sld [smem:$0x3FA3]  }
0x2a: {  	p0 =	seq.s32 s5, $0x0;
	s5 =	sld [smem:$0x3FA4]  }
0x2b: {  	s6 =	sld [smem:$0x3FA5]  }
0x2c: {  	s7 =	sld [smem:$0x3FA6]  }
0x2d: {  	s3 =	simm.s32 $0x108;
	s8 =	sld [smem:$0x3FA7]  }
0x2e: {  	s3 =	simm.s32 @!p0 $0x1082;
	s9 =	sld [smem:$0x3FA8]  }
0x2f: {  	lr =	sadd.s32 s0, s3;
	s0 =	sld [smem:$0x3F9F]  }
0x30: {  	s3 =	sld [smem:$0x3FA2]  }
0x31: {  	[smem:$0x3FAB] =	sst s10  }
0x32: {  	s10 =	sld [smem:$0x3FA9];
	_ =	sdelay $0x3  }
0x33: {  	p0 =	seq.s32 s10, $0x1;
	s10 =	sld [smem:$0x3FAB];
	_ =	sdelay $0x3  }
0x34: {  	[smem:$0x3FAB] =	sst s10  }
0x35: {  	s10 =	sld [smem:$0x3FAA];
	_ =	sdelay $0x3  }
0x36: {  	p1 =	seq.s32 s10, $0x1;
	s10 =	sld [smem:$0x3FAB];
	_ =	sdelay $0x3  }
0x37: {  	[smem:$0x3FAB] =	sst s10  }
0x38: {  	s10 =	sld [smem:$0x3FAC]  }
0x39: {  	_ = 	snop;
	(pc) =	sbr.ind lr, $3  }
0x3a: {  	_ = 	snop  }
0x3b: {  	_ = 	snop  }
0x3c: {  	p2 =	seq.s32 s10, $0x1;
	s10 =	sld [smem:$0x3FAB]  }
0x3d: {  	_ =	shalt  }
0x3e: {  	_ =	shalt  }
0x3f: {  	_ =	shalt  }
0x40: {  	_ =	shalt  }
0x41: {  	_ =	shalt  }
0x42: {  	_ =	shalt  }
0x43: {  	_ =	shalt  }
0x44: {  	_ =	shalt  }
0x45: {  	_ =	shalt  }
0x46: {  	_ =	shalt  }
0x47: {  	_ =	shalt  }
0x48: {  	_ =	shalt  }
0x49: {  	_ =	shalt  }
0x4a: {  	_ =	shalt  }
0x4b: {  	_ =	shalt  }
0x4c: {  	_ =	shalt  }
0x4d: {  	_ =	shalt  }
0x4e: {  	_ =	shalt  }
0x4f: {  	_ =	shalt  }
0x50: {  	_ =	shalt  }
0x51: {  	_ =	shalt  }
0x52: {  	_ =	shalt  }
0x53: {  	_ =	shalt  }
0x54: {  	_ =	shalt  }
0x55: {  	_ =	shalt  }
0x56: {  	_ =	shalt  }
0x57: {  	_ =	shalt  }
0x58: {  	_ =	shalt  }
0x59: {  	_ =	shalt  }
0x5a: {  	_ =	shalt  }
0x5b: {  	_ =	shalt  }
0x5c: {  	_ =	shalt  }
0x5d: {  	_ =	shalt  }
0x5e: {  	_ =	shalt  }
0x5f: {  	_ =	shalt  }
0x60: {  	_ =	shalt  }
0x61: {  	_ =	shalt  }
0x62: {  	_ =	shalt  }
0x63: {  	_ =	shalt  }
0x64: {  	_ =	shalt  }
0x65: {  	_ =	shalt  }
0x66: {  	_ =	shalt  }
0x67: {  	_ =	shalt  }
0x68: {  	_ =	shalt  }
0x69: {  	_ =	shalt  }
0x6a: {  	_ =	shalt  }
0x6b: {  	_ =	shalt  }
0x6c: {  	_ =	shalt  }
0x6d: {  	_ =	shalt  }
0x6e: {  	_ =	shalt  }
0x6f: {  	_ =	shalt  }
0x70: {  	_ =	shalt  }
0x71: {  	_ =	shalt  }
0x72: {  	_ =	shalt  }
0x73: {  	_ =	shalt  }
0x74: {  	_ =	shalt  }
0x75: {  	_ =	shalt  }
0x76: {  	_ =	shalt  }
0x77: {  	_ =	shalt  }
0x78: {  	_ =	shalt  }
0x79: {  	_ =	shalt  }
0x7a: {  	_ =	shalt  }
0x7b: {  	_ =	shalt  }
0x7c: {  	_ =	shalt  }
0x7d: {  	_ =	shalt  }
0x7e: {  	_ =	shalt  }
0x7f: {  	_ =	shalt  }
0x80: {  	_ =	shalt  }
0x81: {  	_ =	shalt  }
0x82: {  	_ =	shalt  }
0x83: {  	_ =	shalt  }
0x84: {  	_ =	shalt  }
0x85: {  	_ =	shalt  }
0x86: {  	_ =	shalt  }
0x87: {  	_ =	shalt  }
.Lfunc_end0:
.L_simem_size_0:
called_computation.1_lowered:
.L_overlay_start_0:
0x88: {  	s2 =	sld [smem:$0x3FD9]  }
0x89: {  	s3 =	sld [smem:$0x3FFE];
	_ =	sdelay $0x1  }
0x8a: {  	s1 =	srdreg.scid  }
0x8b: {  	s0 =	sand.u32 $0x1, s1  }
0x8c: {  	s16 =	sshll.u32 s0, $0xA;
	s2 =	sadd.s32 s3, s2  }
0x8d: {  	s2 =	sadd.s32 s2, s16  }
0x8e: {  	[smem:$0x3FB7] =	sst s2  }
0x8f: {  	_ = 	snop  }
0x90: {  	(tm) =	ssettm $0x1  }
0x91: {  	s17 =	sld [smem:$0x3FFB];
	_ =	sdelay $0x3  }
0x92: {  	_ =	strace s17  }
0x93: {  	s2 =	sld [smem:$0x3FFC];
	_ =	sdelay $0x3  }
0x94: {  	_ =	strace s2  }
0x95: {  	s2 =	sld [smem:$0x3FFD];
	_ =	sdelay $0x3  }
0x96: {  	_ =	strace s2  }
0x97: {  	_ =	strace $0x8FFFFFFF  }
0x98: {  	s18 =	sld [smem:$0x3FDB];
	_ =	sdelay $0x1  }
0x99: {  	s19 =	simm.s32 $_scs_section_size  }
0x9a: {  	s4 =	simm.s32 $_size__tile_overlayer_lowered;
	s5 =	simm.s32 $_tile_overlayer_lowered  }
0x9b: {  	s22 =	simm.s32 $0x1BFF;
	s21 =	sshll.u32 s5, $0x1;
	s2 =	sadd.s32 s19, s18  }
0x9c: {  	s6 =	simm.s32 $0x0;
	s20 =	sshll.u32 s4, $0x1;
	s4 =	sadd.s32 s21, s2  }
0x9d: {  	[timem:s6], [sflag:s22] =	dma.local [hbm:s4], s20  }
0x9e: {  	_ =	swait.ge [sflag:s22], s20  }
0x9f: {  	s3 =	ssub.s32 $0x0, s20;
	[sflag:s22] =	ssyncset.done $0x0  }
0xa0: {  	[sflag:s22] =	ssyncadd.s32 s3;
	_ =	sdelay $0x1  }
0xa1: {  	s23 =	simm.s32 $0x1B8B  }
0xa2: {  	_ =	swait.ge [sflag:s23], $0x1  }
0xa3: {  	[sflag:s23] =	ssyncset.done $0x0  }
0xa4: {  	s25 =	simm.s32 $0x1B8E;
	s24 =	sld [smem:$0x3FFE];
	[sflag:s23] =	ssyncadd.s32 $0xFFFFFFFF  }
0xa5: {  	s26 =	simm.s32 $execute0_lowered;
	[smem:$0x3FD2] =	sst s25  }
0xa6: {  	s4 =	sshll.u32 s26, $0x1;
	_ =	strace $0x80000049;
	[dreg:$0x1] =	wrdreg $0xFFFFFFFF  }
0xa7: {  	s28 =	simm.s32 $_size_execute0_lowered;
	s2 =	sadd.s32 s2, s4;
	[dreg:$0x0] =	wrdreg $0x0  }
0xa8: {  	s4 =	sshll.u32 s28, $0x1;
	[dreg:$0x2] =	wrdreg s2  }
0xa9: {  	[dreg:$0x3] =	wrdreg s4  }
0xaa: {  	[dreg:$0x4] =	wrdreg $0xC0  }
0xab: {  	_ =	task [dreg:s6], $0x5FFFF  }
0xac: {  	[dreg:$0x1] =	wrdreg $0xFFFFFFFF  }
0xad: {  	[dreg:$0x0] =	wrdreg $0x60  }
0xae: {  	[dreg:$0x2] =	wrdreg s24  }
0xaf: {  	[dreg:$0x3] =	wrdreg $0xD0000  }
0xb0: {  	[dreg:$0x4] =	wrdreg $0x9  }
0xb1: {  	_ =	task.clear_ibuf [dreg:s6], $0x5FFFF;
	_ =	strace $0x90000049  }
0xb2: {  	s29 =	simm.s32 $0x9;
	_ =	strace $0x8000004B  }
0xb3: {  	_ =	swait.ge [sflag:s29], $0x1  }
0xb4: {  	[sflag:s29] =	ssyncadd.s32 $0xFFFFFFFF  }
0xb5: {  	_ =	strace $0x9000004B  }
0xb6: {  	_ =	sfence  }
0xb7: {  	s30 =	sld [smem:$0x0];
	_ =	sdelay $0x2  }
0xb8: {  	s31 =	sshll.u32 s1, $0xD;
	s1 =	sshrl.u32 s1, $0x2  }
0xb9: {  	s3 =	sand.u32 $0x4000, s31;
	s1 =	sadd.s32 s1, s30  }
0xba: {  	s0 =	sor.u32 s3, s0;
	s1 =	sshll.u32 s1, $0x11  }
0xbb: {  	s0 =	sor.u32 s1, s0  }
0xbc: {  	s0 =	sadd.s32 $0x8F2B, s0  }
0xbd: {  	[sflag:s0] =	ssyncadd.remote.s32 $0x1  }
0xbe: {  	_ =	sfence.sel $0xFFFF  }
0xbf: {  	[dreg:$0x0] =	wrdreg $0xFFFFFFFF;
	(pc) =	sbr.abs _section_cstart, $3  }
0xc0: {  	[dreg:$0x1] =	wrdreg $0xFFFFFFFF  }
0xc1: {  	_ =	task.clear_ibuf [dreg:s6], $0x2FFFF;
	_ =	strace $0x9FFFFFFF  }
0xc2: {  	(tm) =	ssettm $0x7FFFFFFF  }
0xc3: {  	_ =	shalt  }
tec
execute0_lowered:
.L_overlay_start_1:
0x0: {  	(tag) =	ssettag $0x1  }
0x1: {  	s5 =	rddreg [dreg:$0x0]  }
0x2: {  	s1 =	rddreg [dreg:$0x1];
	s2 =	srdreg.scid  }
0x3: {  	s0 =	rddreg [dreg:$0x2];
	s3 =	simm.s32 $0x0;
	s12 =	simm.s32 $0x5000  }
0x4: {  	s13 =	simm.s32 $0x3;
	s14 =	simm.s32 $0x2800;
	s15 =	simm.s32 $0x80  }
0x5: {  	s16 =	simm.s32 $0x9000;
	s17 =	simm.s32 $0x1;
	s18 =	simm.s32 $0x2  }
0x6: {  	s19 =	simm.s32 $0x4F00;
	s6 =	sand.u32 $0x1, s2;
	s2 =	stileid.u32  }
0x7: {  	s20 =	simm.s32 $0x4F80;
	[smem:$0x7FF] =	sst s3;
	s7 =	smul.u32 $0xC0000, s6  }
0x8: {  	s4 =	sshll.u32 s6, $0x4;
	s9 =	smul.u32 $0xC000, s2;
	_ =	strace $0x8000004A  }
0x9: {  	s6 =	ssub.s32 $0x2, s6;
	s30 =	smul.u32 $0x30000, s2;
	s21 =	sshll.u32 s2, $0x6  }
0xa: {  	s8 =	sor.u32 s2, s4;
	s4 =	sadd.s32 $0x23800, s5;
	s10 =	sshrl.u32 s6, $0x1  }
0xb: {  	s21 =	sor.u32 $0x1C03, s21;
	s8 =	smul.u32 $0x500, s8;
	s7 =	sadd.s32 s9, s7  }
0xc: {  	s10 =	ssub.s32 s6, s10;
	s31 =	sshrl.u32 s30, $0x2;
	s7 =	sshrl.u32 s7, $0x3  }
0xd: {  	s9 =	smax.u32 s10, $0x1;
	s8 =	sadd.s32 s8, s5;
	s11 =	sadd.s32 s7, s5  }
0xe: {  	s5 =	sadd.s32 s31, s1;
	s6 =	sadd.s32 $0x19800, s8;
	s7 =	sadd.s32 $0xF800, s8  }
0xf: {  	v0 =	vimm.f32 $0.0e+00;
	s8 =	sadd.s32 $0x71A00, s11;
	s10 =	sadd.s32 $0x4000, s5;
	s11 =	sadd.s32 $0x8000, s5  }
.LBB2_1:
0x10: {  	s22 =	simm.s32 $0x0;
	s23 =	simm.s32 $0x200  }
.LBB2_2:
0x11: {  	p0 =	sne.s32 s23, $0xFE00;
	[tilespmem:s22+$0x5070] =	vst v0  }
0x12: {  	[tilespmem:s22+$0x5000] =	vst v0  }
0x13: {  	[tilespmem:s22+$0x5010] =	vst v0  }
.Ltmp0:
0x14: {  	[tilespmem:s22+$0x5020] =	vst v0;
	(pc) =	sbr.rel @p0 .LBB2_2-.Ltmp0, $4  }
0x15: {  	[tilespmem:s22+$0x5030] =	vst v0  }
0x16: {  	[tilespmem:s22+$0x5040] =	vst v0  }
0x17: {  	[tilespmem:s22+$0x5050] =	vst v0  }
0x18: {  	[tilespmem:s22+$0x5060] =	vst v0;
	s22 =	sshra.s32 s23, $0x2;
	s23 =	sadd.s32 $0x200, s23  }
0x19: {  	[tilespmem:s22+$0x5070] =	vst v0  }
0x1a: {  	[tilespmem:s22+$0x5000] =	vst v0  }
0x1b: {  	[tilespmem:s22+$0x5010] =	vst v0  }
0x1c: {  	[tilespmem:s22+$0x5020] =	vst v0  }
0x1d: {  	[tilespmem:s22+$0x5030] =	vst v0  }
0x1e: {  	[tilespmem:s22+$0x5040] =	vst v0  }
0x1f: {  	[tilespmem:s22+$0x5050] =	vst v0  }
0x20: {  	[tilespmem:s22+$0x5060] =	vst v0  }
0x21: {  	[spmem:s5] =	stream.linear.scatter [tilespmem:s12], [sflag:$0x3], $0x4000, $0x38;
	[tilespmem:$0x19000] =	vst v63  }
0x22: {  	_ =	swait.ge [sflag:s13], $0x4000  }
0x23: {  	[sflag:s13] =	ssyncset.done $0x0  }
0x24: {  	[sflag:s13] =	ssyncadd.s32 $0xFFFFC000  }
0x25: {  	[spmem:s10] =	stream.linear.scatter [tilespmem:s12], [sflag:$0x3], $0x4000, $0x38;
	[tilespmem:$0x19000] =	vst v63  }
0x26: {  	_ =	swait.ge [sflag:s13], $0x4000  }
0x27: {  	[sflag:s13] =	ssyncset.done $0x0  }
0x28: {  	[sflag:s13] =	ssyncadd.s32 $0xFFFFC000  }
0x29: {  	[spmem:s11] =	stream.linear.scatter [tilespmem:s12], [sflag:$0x3], $0x4000, $0x38;
	[tilespmem:$0x19000] =	vst v63  }
0x2a: {  	_ =	swait.ge [sflag:s13], $0x4000  }
0x2b: {  	[sflag:s13] =	ssyncset.done $0x0  }
0x2c: {  	s28 =	simm.s32 $0x0;
	[sflag:s13] =	ssyncadd.s32 $0xFFFFC000  }
0x2d: {  	[tilespmem:s28], [sflag:$0x3] =	stream.linear.gather [hbm4b:s6+s28], $0x2800, $0x38;
	[tilespmem:$0x19000] =	vst v63  }
0x2e: {  	_ =	swait.ge [sflag:s13], $0x2800  }
0x2f: {  	[sflag:s13] =	ssyncset.done $0x0  }
0x30: {  	[sflag:s13] =	ssyncadd.s32 $0xFFFFD800  }
0x31: {  	[tilespmem:s14], [sflag:$0x3] =	stream.linear.gather [hbm4b:s7+s28], $0x2800, $0x38;
	[tilespmem:$0x19000] =	vst v63  }
0x32: {  	_ =	swait.ge [sflag:s13], $0x2800  }
0x33: {  	[sflag:s13] =	ssyncset.done $0x0  }
0x34: {  	[sflag:s13] =	ssyncadd.s32 $0xFFFFD800  }
0x35: {  	[bflag:$0x0] =	sbarrier.arrive $0xFFFF  }
0x36: {  	[tilespmem:s12], [sflag:$0x1] =	stream.indirect.gather [hbm4b:s4+s15], $0x80, s28, s15, $0xb8;
	[tilespmem:$0x19000] =	vst v63  }
0x37: {  	_ = 	snop  }
0x38: {  	[tilespmem:s16], [sflag:$0x2] =	stream.indirect.gather [hbm4b:s4+s15], $0x80, s15, s15, $0xb8;
	[tilespmem:$0x19000] =	vst v63  }
0x39: {  	_ =	swait.ge [sflag:s17], $0x4000  }
0x3a: {  	[sflag:s17] =	ssyncset.done $0x0  }
0x3b: {  	s29 =	simm.s32 $0x2800;
	[sflag:s17] =	ssyncadd.s32 $0xFFFFC000  }
0x3c: {  	[spmem:s1] =	stream.indirect.scatter.add.f32 [tilespmem:s12], [sflag:$0x3], $0x80, s29, s15, $0xb8;
	[tilespmem:$0x19000] =	vst v63  }
0x3d: {  	_ =	swait.ge [sflag:s13], $0x4000  }
0x3e: {  	[sflag:s13] =	ssyncset.done $0x0  }
0x3f: {  	s30 =	simm.s32 $0x100;
	[sflag:s13] =	ssyncadd.s32 $0xFFFFC000  }
0x40: {  	[tilespmem:s12], [sflag:$0x1] =	stream.indirect.gather [hbm4b:s4+s15], $0x80, s30, s15, $0xb8;
	[tilespmem:$0x19000] =	vst v63  }
0x41: {  	_ =	swait.ge [sflag:s18], $0x4000  }
0x42: {  	[sflag:s18] =	ssyncset.done $0x0  }
0x43: {  	s31 =	simm.s32 $0x2880;
	[sflag:s18] =	ssyncadd.s32 $0xFFFFC000  }
0x44: {  	[spmem:s1] =	stream.indirect.scatter.add.f32 [tilespmem:s16], [sflag:$0x3], $0x80, s31, s15, $0xb8;
	[tilespmem:$0x19000] =	vst v63  }
0x45: {  	_ =	swait.ge [sflag:s13], $0x4000  }
0x46: {  	[sflag:s13] =	ssyncset.done $0x0  }
0x47: {  	s22 =	simm.s32 $0x400;
	s23 =	simm.s32 $0x180;
	[sflag:s13] =	ssyncadd.s32 $0xFFFFC000  }
.LBB2_4:
0x48: {  	[tilespmem:s16], [sflag:$0x2] =	stream.indirect.gather [hbm4b:s4+s15], $0x80, s23, s15, $0xb8;
	[tilespmem:$0x19000] =	vst v63  }
0x49: {  	s23 =	smov.u32 s22  }
0x4a: {  	p0 =	sne.s32 s22, $0x9800;
	s22 =	sadd.s32 $0x400, s22;
	_ =	swait.ge [sflag:s17], $0x4000  }
0x4b: {  	s23 =	sshra.s32 s23, $0x2;
	[sflag:s17] =	ssyncset.done $0x0  }
0x4c: {  	s24 =	sadd.s32 $0x2800, s23;
	[sflag:s17] =	ssyncadd.s32 $0xFFFFC000  }
0x4d: {  	[spmem:s1] =	stream.indirect.scatter.add.f32 [tilespmem:s12], [sflag:$0x3], $0x80, s24, s15, $0xb8;
	[tilespmem:$0x19000] =	vst v63  }
0x4e: {  	_ =	swait.ge [sflag:s13], $0x4000  }
0x4f: {  	[sflag:s13] =	ssyncset.done $0x0  }
0x50: {  	s24 =	sadd.s32 $0x100, s23;
	[sflag:s13] =	ssyncadd.s32 $0xFFFFC000  }
0x51: {  	[tilespmem:s12], [sflag:$0x1] =	stream.indirect.gather [hbm4b:s4+s15], $0x80, s24, s15, $0xb8;
	[tilespmem:$0x19000] =	vst v63  }
0x52: {  	_ =	swait.ge [sflag:s18], $0x4000  }
0x53: {  	[sflag:s18] =	ssyncset.done $0x0  }
.Ltmp1:
0x54: {  	s24 =	sadd.s32 $0x2880, s23;
	[sflag:s18] =	ssyncadd.s32 $0xFFFFC000;
	(pc) =	sbr.rel @p0 .LBB2_4-.Ltmp1, $4  }
0x55: {  	[spmem:s1] =	stream.indirect.scatter.add.f32 [tilespmem:s16], [sflag:$0x3], $0x80, s24, s15, $0xb8;
	[tilespmem:$0x19000] =	vst v63  }
0x56: {  	_ =	swait.ge [sflag:s13], $0x4000  }
0x57: {  	[sflag:s13] =	ssyncset.done $0x0  }
0x58: {  	s23 =	sadd.s32 $0x180, s23;
	[sflag:s13] =	ssyncadd.s32 $0xFFFFC000  }
0x59: {  	[tilespmem:s16], [sflag:$0x2] =	stream.indirect.gather [hbm4b:s4+s15], $0x80, s23, s15, $0xb8;
	[tilespmem:$0x19000] =	vst v63  }
0x5a: {  	_ =	swait.ge [sflag:s17], $0x4000  }
0x5b: {  	[sflag:s17] =	ssyncset.done $0x0  }
0x5c: {  	[sflag:s17] =	ssyncadd.s32 $0xFFFFC000  }
0x5d: {  	[spmem:s1] =	stream.indirect.scatter.add.f32 [tilespmem:s12], [sflag:$0x3], $0x80, s19, s15, $0xb8;
	[tilespmem:$0x19000] =	vst v63  }
0x5e: {  	_ =	swait.ge [sflag:s13], $0x4000  }
0x5f: {  	[sflag:s13] =	ssyncset.done $0x0  }
0x60: {  	[sflag:s13] =	ssyncadd.s32 $0xFFFFC000  }
0x61: {  	_ =	swait.ge [sflag:s18], $0x4000  }
0x62: {  	[sflag:s18] =	ssyncset.done $0x0  }
0x63: {  	[sflag:s18] =	ssyncadd.s32 $0xFFFFC000  }
0x64: {  	[spmem:s1] =	stream.indirect.scatter.add.f32 [tilespmem:s16], [sflag:$0x3], $0x80, s20, s15, $0xb8;
	[tilespmem:$0x19000] =	vst v63  }
0x65: {  	_ =	swait.ge [sflag:s13], $0x4000  }
0x66: {  	s3 =	sadd.s32 $0x1, s3;
	[sflag:s13] =	ssyncset.done $0x0  }
0x67: {  	p0 =	sne.s32 s3, s9;
	[sflag:s13] =	ssyncadd.s32 $0xFFFFC000  }
.Ltmp2:
0x68: {  	s22 =	sshrl.u32 s5, $0x3;
	[bflag:$0x0] =	sbarrier.arrive $0xFFFF;
	(pc) =	sbr.rel @p0 .LBB2_1-.Ltmp2, $4  }
0x69: {  	[hbm:s8], [sflag:s21] =	dma.local [spmem:s22], $0x1800  }
0x6a: {  	_ =	swait.ge [sflag:s13], $0x1800  }
0x6b: {  	[sflag:s13] =	ssyncset.done $0x0  }
0x6c: {  	[sflag:s13] =	ssyncadd.s32 $0xFFFFE800  }
0x6d: {  	_ =	sfence.sel $0x180000  }
0x6e: {  	[bflag:$0x0] =	sbarrier.arrive $0xFFFF  }
0x6f: {  	p0 =	sne.s32 s2, $0x0;
	_ =	strace $0x9000004A  }
0x70: {  	s0 =	sadd.s32 @!p0 $0x100000, s0;
	[bflag:$0x2] =	sbarrier.arrive $0xFFFF  }
0x71: {  	[sflag:s0] =	ssyncadd.tile.s32 @!p0 $0x1;
	_ =	shalt  }
.Lfunc_end2:
_tile_overlayer_lowered:
.L_overlay_start_2:
0x72: {  	(tag) =	ssettag $0x2  }
0x73: {  	s0 =	rddreg [dreg:$0x0];
	s2 =	stileid.u32  }
0x74: {  	s1 =	rddreg [dreg:$0x1];
	p0 =	sne.s32 s2, $0x0  }
0x75: {  	s3 =	rddreg [dreg:$0x2];
	[bflag:$0x3] =	sbarrier.arrive $0xFFFF;
	s2 =	simm.s32 @!p0 $0x1C03  }
0x76: {  	[timem:s3], [sflag:s2] =	dma.local @!p0 [hbm:s0], s1  }
0x77: {  	s0 =	simm.s32 @!p0 $0x3  }
0x78: {  	_ =	swait.ge @!p0 [sflag:s0], s1  }
0x79: {  	s1 =	ssub.s32 @!p0 $0x0, s1;
	[sflag:s0] =	ssyncset.done @!p0 $0x0  }
0x7a: {  	[sflag:s0] =	ssyncadd.s32 @!p0 s1  }
0x7b: {  	[bflag:$0x3] =	sbarrier.arrive $0xFFFF  }
0x7c: {  	_ =	shalt  }

// kernel: kernel.21.cloned.1.call-start
scs
__scs_entry_jumppad:
0x0: {  	(pc) =	sbr.rel $0x88, $3  }
0x1: {  	(tag) =	ssettag $0x0;
	lr =	simm.s32 $0x1  }
0x2: {  	[smem:$0x3F90] =	sst lr;
	_ =	strace $0xD0000000  }
0x3: {  	_ = 	snop  }
0x4: {  	_ = 	snop  }
0x5: {  	_ = 	snop  }
0x6: {  	_ = 	snop  }
0x7: {  	_ = 	snop  }
__scs_overlays_trampoline_lowered:
0x8: {  	[smem:$0x3F9F] =	sst s0  }
0x9: {  	[smem:$0x3FA0] =	sst s1  }
0xa: {  	[smem:$0x3FA1] =	sst s2  }
0xb: {  	[smem:$0x3FA2] =	sst s3  }
0xc: {  	[smem:$0x3FA3] =	sst s4  }
0xd: {  	[smem:$0x3FA4] =	sst s5  }
0xe: {  	[smem:$0x3FA5] =	sst s6  }
0xf: {  	[smem:$0x3FA6] =	sst s7  }
0x10: {  	[smem:$0x3FA7] =	sst s8  }
0x11: {  	[smem:$0x3FA8] =	sst s9;
	s0 =	simm.s32 @!p0 $0x0  }
0x12: {  	s1 =	sld [smem:$0x3F8E];
	s0 =	simm.s32 @p0 $0x1  }
0x13: {  	[smem:$0x3FA9] =	sst s0;
	s0 =	simm.s32 @!p1 $0x0  }
0x14: {  	s2 =	sld [smem:$0x3F8D];
	s0 =	simm.s32 @p1 $0x1  }
0x15: {  	[smem:$0x3FAA] =	sst s0;
	s0 =	simm.s32 @!p2 $0x0  }
0x16: {  	s3 =	sld [smem:$0x3FDB];
	s0 =	simm.s32 @p2 $0x1  }
0x17: {  	s4 =	simm.s32 $0x1BF5;
	[smem:$0x3FAC] =	sst s0  }
0x18: {  	s0 =	sld [smem:$0x3F8F];
	_ =	swait.ge [sflag:s4], $0x0  }
0x19: {  	s7 =	sld [smem:$0x3F90]  }
0x1a: {  	s8 =	sadd.s32 $0xFFFFE003, lr  }
0x1b: {  	s9 =	sadd.s32 $0xFFFFFEF7, lr;
	s5 =	simm.s32 $0xFFFFFFFF;
	p2 =	slt.u32 s8, $0xFFFFF086  }
0x1c: {  	p1 =	slt.u32 s9, $0xF7A;
	s5 =	simm.s32 @!p2 $0x0  }
0x1d: {  	s5 =	simm.s32 @p1 $0x1;
	p0 =	seq.s32 s7, s2  }
0x1e: {  	s7 =	smul.u32 @!p0 $0xF7A, s2;
	p2 =	seq.s32 @!p0 s5, $0x0  }
0x1f: {  	s9 =	smul.u32 $0xF7A, s1;
	s8 =	simm.s32 @!p0 $0x1BF5;
	p2 =	por !p2, p0  }
0x20: {  	[sflag:s8] =	ssyncset.s32 @!p0 $0xFFFFF086;
	s6 =	sadd.s32 @!p0 s3, s7;
	s7 =	simm.s32 @!p0 $0x108  }
0x21: {  	s3 =	sadd.s32 s3, s9;
	s6 =	sadd.s32 @!p0 $0x88, s6;
	s7 =	simm.s32 @p2 $0x1082  }
0x22: {  	[simem:s7], [sflag:s8] =	dma.local @!p0 [hbm:s6], $0xF7A  }
0x23: {  	s9 =	sor.u32 $0xD0000000, s2;
	s6 =	simm.s32 $0x108;
	_ =	swait.ge @!p0 [sflag:s8], $0x0  }
0x24: {  	s3 =	sadd.s32 $0x88, s3;
	s6 =	simm.s32 @!p1 $0x1082;
	[sflag:s4] =	ssyncset.s32 $0xFFFFF086  }
0x25: {  	[simem:s6], [sflag:s4] =	dma.local [hbm:s3], $0xF7A  }
0x26: {  	[smem:$0x3F90] =	sst s1;
	(tag) =	ssettag s2;
	_ =	strace s9  }
0x27: {  	s1 =	sld [smem:$0x3FA0]  }
0x28: {  	s2 =	sld [smem:$0x3FA1]  }
0x29: {  	s4 =	sld [smem:$0x3FA3]  }
0x2a: {  	p0 =	seq.s32 s5, $0x0;
	s5 =	sld [smem:$0x3FA4]  }
0x2b: {  	s6 =	sld [smem:$0x3FA5]  }
0x2c: {  	s7 =	sld [smem:$0x3FA6]  }
0x2d: {  	s3 =	simm.s32 $0x108;
	s8 =	sld [smem:$0x3FA7]  }
0x2e: {  	s3 =	simm.s32 @!p0 $0x1082;
	s9 =	sld [smem:$0x3FA8]  }
0x2f: {  	lr =	sadd.s32 s0, s3;
	s0 =	sld [smem:$0x3F9F]  }
0x30: {  	s3 =	sld [smem:$0x3FA2]  }
0x31: {  	[smem:$0x3FAB] =	sst s10  }
0x32: {  	s10 =	sld [smem:$0x3FA9];
	_ =	sdelay $0x3  }
0x33: {  	p0 =	seq.s32 s10, $0x1;
	s10 =	sld [smem:$0x3FAB];
	_ =	sdelay $0x3  }
0x34: {  	[smem:$0x3FAB] =	sst s10  }
0x35: {  	s10 =	sld [smem:$0x3FAA];
	_ =	sdelay $0x3  }
0x36: {  	p1 =	seq.s32 s10, $0x1;
	s10 =	sld [smem:$0x3FAB];
	_ =	sdelay $0x3  }
0x37: {  	[smem:$0x3FAB] =	sst s10  }
0x38: {  	s10 =	sld [smem:$0x3FAC]  }
0x39: {  	_ = 	snop;
	(pc) =	sbr.ind lr, $3  }
0x3a: {  	_ = 	snop  }
0x3b: {  	_ = 	snop  }
0x3c: {  	p2 =	seq.s32 s10, $0x1;
	s10 =	sld [smem:$0x3FAB]  }
0x3d: {  	_ =	shalt  }
0x3e: {  	_ =	shalt  }
0x3f: {  	_ =	shalt  }
0x40: {  	_ =	shalt  }
0x41: {  	_ =	shalt  }
0x42: {  	_ =	shalt  }
0x43: {  	_ =	shalt  }
0x44: {  	_ =	shalt  }
0x45: {  	_ =	shalt  }
0x46: {  	_ =	shalt  }
0x47: {  	_ =	shalt  }
0x48: {  	_ =	shalt  }
0x49: {  	_ =	shalt  }
0x4a: {  	_ =	shalt  }
0x4b: {  	_ =	shalt  }
0x4c: {  	_ =	shalt  }
0x4d: {  	_ =	shalt  }
0x4e: {  	_ =	shalt  }
0x4f: {  	_ =	shalt  }
0x50: {  	_ =	shalt  }
0x51: {  	_ =	shalt  }
0x52: {  	_ =	shalt  }
0x53: {  	_ =	shalt  }
0x54: {  	_ =	shalt  }
0x55: {  	_ =	shalt  }
0x56: {  	_ =	shalt  }
0x57: {  	_ =	shalt  }
0x58: {  	_ =	shalt  }
0x59: {  	_ =	shalt  }
0x5a: {  	_ =	shalt  }
0x5b: {  	_ =	shalt  }
0x5c: {  	_ =	shalt  }
0x5d: {  	_ =	shalt  }
0x5e: {  	_ =	shalt  }
0x5f: {  	_ =	shalt  }
0x60: {  	_ =	shalt  }
0x61: {  	_ =	shalt  }
0x62: {  	_ =	shalt  }
0x63: {  	_ =	shalt  }
0x64: {  	_ =	shalt  }
0x65: {  	_ =	shalt  }
0x66: {  	_ =	shalt  }
0x67: {  	_ =	shalt  }
0x68: {  	_ =	shalt  }
0x69: {  	_ =	shalt  }
0x6a: {  	_ =	shalt  }
0x6b: {  	_ =	shalt  }
0x6c: {  	_ =	shalt  }
0x6d: {  	_ =	shalt  }
0x6e: {  	_ =	shalt  }
0x6f: {  	_ =	shalt  }
0x70: {  	_ =	shalt  }
0x71: {  	_ =	shalt  }
0x72: {  	_ =	shalt  }
0x73: {  	_ =	shalt  }
0x74: {  	_ =	shalt  }
0x75: {  	_ =	shalt  }
0x76: {  	_ =	shalt  }
0x77: {  	_ =	shalt  }
0x78: {  	_ =	shalt  }
0x79: {  	_ =	shalt  }
0x7a: {  	_ =	shalt  }
0x7b: {  	_ =	shalt  }
0x7c: {  	_ =	shalt  }
0x7d: {  	_ =	shalt  }
0x7e: {  	_ =	shalt  }
0x7f: {  	_ =	shalt  }
0x80: {  	_ =	shalt  }
0x81: {  	_ =	shalt  }
0x82: {  	_ =	shalt  }
0x83: {  	_ =	shalt  }
0x84: {  	_ =	shalt  }
0x85: {  	_ =	shalt  }
0x86: {  	_ =	shalt  }
0x87: {  	_ =	shalt  }
.Lfunc_end0:
.L_simem_size_0:
called_computation.2_lowered:
.L_overlay_start_0:
0x88: {  	s2 =	sld [smem:$0x3FD9]  }
0x89: {  	s3 =	sld [smem:$0x3FFE];
	_ =	sdelay $0x1  }
0x8a: {  	s1 =	srdreg.scid  }
0x8b: {  	s0 =	sand.u32 $0x1, s1  }
0x8c: {  	s16 =	sshll.u32 s0, $0xA;
	s2 =	sadd.s32 s3, s2  }
0x8d: {  	s2 =	sadd.s32 s2, s16  }
0x8e: {  	[smem:$0x3FB7] =	sst s2  }
0x8f: {  	_ = 	snop  }
0x90: {  	(tm) =	ssettm $0x1  }
0x91: {  	s17 =	sld [smem:$0x3FFB];
	_ =	sdelay $0x3  }
0x92: {  	_ =	strace s17  }
0x93: {  	s2 =	sld [smem:$0x3FFC];
	_ =	sdelay $0x3  }
0x94: {  	_ =	strace s2  }
0x95: {  	s2 =	sld [smem:$0x3FFD];
	_ =	sdelay $0x3  }
0x96: {  	_ =	strace s2  }
0x97: {  	_ =	strace $0x8FFFFFFF  }
0x98: {  	s18 =	sld [smem:$0x3FDB];
	_ =	sdelay $0x1  }
0x99: {  	s19 =	simm.s32 $_scs_section_size  }
0x9a: {  	s4 =	simm.s32 $_size__tile_overlayer_lowered;
	s5 =	simm.s32 $_tile_overlayer_lowered  }
0x9b: {  	s22 =	simm.s32 $0x1BFF;
	s21 =	sshll.u32 s5, $0x1;
	s2 =	sadd.s32 s19, s18  }
0x9c: {  	s6 =	simm.s32 $0x0;
	s20 =	sshll.u32 s4, $0x1;
	s4 =	sadd.s32 s21, s2  }
0x9d: {  	[timem:s6], [sflag:s22] =	dma.local [hbm:s4], s20  }
0x9e: {  	_ =	swait.ge [sflag:s22], s20  }
0x9f: {  	s3 =	ssub.s32 $0x0, s20;
	[sflag:s22] =	ssyncset.done $0x0  }
0xa0: {  	[sflag:s22] =	ssyncadd.s32 s3;
	_ =	sdelay $0x1  }
0xa1: {  	s23 =	simm.s32 $0x1B8B  }
0xa2: {  	_ =	swait.ge [sflag:s23], $0x1  }
0xa3: {  	[sflag:s23] =	ssyncset.done $0x0  }
0xa4: {  	s25 =	simm.s32 $0x1B8E;
	s24 =	sld [smem:$0x3FFE];
	[sflag:s23] =	ssyncadd.s32 $0xFFFFFFFF  }
0xa5: {  	s26 =	simm.s32 $execute0_lowered;
	[smem:$0x3FD2] =	sst s25  }
0xa6: {  	s4 =	sshll.u32 s26, $0x1;
	_ =	strace $0x8000004C;
	[dreg:$0x1] =	wrdreg $0xFFFFFFFF  }
0xa7: {  	s28 =	simm.s32 $_size_execute0_lowered;
	s2 =	sadd.s32 s2, s4;
	[dreg:$0x0] =	wrdreg $0x0  }
0xa8: {  	s4 =	sshll.u32 s28, $0x1;
	[dreg:$0x2] =	wrdreg s2  }
0xa9: {  	[dreg:$0x3] =	wrdreg s4  }
0xaa: {  	[dreg:$0x4] =	wrdreg $0xC0  }
0xab: {  	_ =	task [dreg:s6], $0x5FFFF  }
0xac: {  	[dreg:$0x1] =	wrdreg $0xFFFFFFFF  }
0xad: {  	[dreg:$0x0] =	wrdreg $0x60  }
0xae: {  	[dreg:$0x2] =	wrdreg s24  }
0xaf: {  	[dreg:$0x3] =	wrdreg $0xD0000  }
0xb0: {  	[dreg:$0x4] =	wrdreg $0x9  }
0xb1: {  	_ =	task.clear_ibuf [dreg:s6], $0x5FFFF;
	_ =	strace $0x9000004C  }
0xb2: {  	s29 =	simm.s32 $0x9;
	_ =	strace $0x8000004E  }
0xb3: {  	_ =	swait.ge [sflag:s29], $0x1  }
0xb4: {  	[sflag:s29] =	ssyncadd.s32 $0xFFFFFFFF  }
0xb5: {  	_ =	strace $0x9000004E  }
0xb6: {  	_ =	sfence  }
0xb7: {  	s30 =	sld [smem:$0x0];
	_ =	sdelay $0x2  }
0xb8: {  	s31 =	sshll.u32 s1, $0xD;
	s1 =	sshrl.u32 s1, $0x2  }
0xb9: {  	s3 =	sand.u32 $0x4000, s31;
	s1 =	sadd.s32 s1, s30  }
0xba: {  	s0 =	sor.u32 s3, s0;
	s1 =	sshll.u32 s1, $0x11  }
0xbb: {  	s0 =	sor.u32 s1, s0  }
0xbc: {  	s0 =	sadd.s32 $0x8F2B, s0  }
0xbd: {  	[sflag:s0] =	ssyncadd.remote.s32 $0x1  }
0xbe: {  	_ =	sfence.sel $0xFFFF  }
0xbf: {  	[dreg:$0x0] =	wrdreg $0xFFFFFFFF;
	(pc) =	sbr.abs _section_cstart, $3  }
0xc0: {  	[dreg:$0x1] =	wrdreg $0xFFFFFFFF  }
0xc1: {  	_ =	task.clear_ibuf [dreg:s6], $0x2FFFF;
	_ =	strace $0x9FFFFFFF  }
0xc2: {  	(tm) =	ssettm $0x7FFFFFFF  }
0xc3: {  	_ =	shalt  }
tec
execute0_lowered:
.L_overlay_start_1:
0x0: {  	(tag) =	ssettag $0x1  }
0x1: {  	s5 =	rddreg [dreg:$0x0]  }
0x2: {  	s1 =	rddreg [dreg:$0x1];
	s2 =	srdreg.scid  }
0x3: {  	s0 =	rddreg [dreg:$0x2];
	s3 =	simm.s32 $0x0;
	s12 =	simm.s32 $0x5000  }
0x4: {  	s13 =	simm.s32 $0x3;
	s14 =	simm.s32 $0x2800;
	s15 =	simm.s32 $0x80  }
0x5: {  	s16 =	simm.s32 $0x9000;
	s17 =	simm.s32 $0x1;
	s18 =	simm.s32 $0x2  }
0x6: {  	s19 =	simm.s32 $0x4F00;
	s6 =	sand.u32 $0x1, s2;
	s2 =	stileid.u32  }
0x7: {  	s20 =	simm.s32 $0x4F80;
	[smem:$0x7FF] =	sst s3;
	s7 =	smul.u32 $0xC0000, s6  }
0x8: {  	s4 =	sshll.u32 s6, $0x4;
	s9 =	smul.u32 $0xC000, s2;
	_ =	strace $0x8000004D  }
0x9: {  	s6 =	ssub.s32 $0x2, s6;
	s30 =	smul.u32 $0x30000, s2;
	s21 =	sshll.u32 s2, $0x6  }
0xa: {  	s8 =	sor.u32 s2, s4;
	s4 =	sadd.s32 $0x23800, s5;
	s10 =	sshrl.u32 s6, $0x1  }
0xb: {  	s21 =	sor.u32 $0x1C03, s21;
	s8 =	smul.u32 $0x500, s8;
	s7 =	sadd.s32 s9, s7  }
0xc: {  	s10 =	ssub.s32 s6, s10;
	s31 =	sshrl.u32 s30, $0x2;
	s7 =	sshrl.u32 s7, $0x3  }
0xd: {  	s9 =	smax.u32 s10, $0x1;
	s8 =	sadd.s32 s8, s5;
	s11 =	sadd.s32 s7, s5  }
0xe: {  	s5 =	sadd.s32 s31, s1;
	s6 =	sadd.s32 $0x19800, s8;
	s7 =	sadd.s32 $0xF800, s8  }
0xf: {  	v0 =	vimm.f32 $0.0e+00;
	s8 =	sadd.s32 $0x71A00, s11;
	s10 =	sadd.s32 $0x4000, s5;
	s11 =	sadd.s32 $0x8000, s5  }
.LBB2_1:
0x10: {  	s22 =	simm.s32 $0x0;
	s23 =	simm.s32 $0x200  }
.LBB2_2:
0x11: {  	p0 =	sne.s32 s23, $0xFE00;
	[tilespmem:s22+$0x5070] =	vst v0  }
0x12: {  	[tilespmem:s22+$0x5000] =	vst v0  }
0x13: {  	[tilespmem:s22+$0x5010] =	vst v0  }
.Ltmp0:
0x14: {  	[tilespmem:s22+$0x5020] =	vst v0;
	(pc) =	sbr.rel @p0 .LBB2_2-.Ltmp0, $4  }
0x15: {  	[tilespmem:s22+$0x5030] =	vst v0  }
0x16: {  	[tilespmem:s22+$0x5040] =	vst v0  }
0x17: {  	[tilespmem:s22+$0x5050] =	vst v0  }
0x18: {  	[tilespmem:s22+$0x5060] =	vst v0;
	s22 =	sshra.s32 s23, $0x2;
	s23 =	sadd.s32 $0x200, s23  }
0x19: {  	[tilespmem:s22+$0x5070] =	vst v0  }
0x1a: {  	[tilespmem:s22+$0x5000] =	vst v0  }
0x1b: {  	[tilespmem:s22+$0x5010] =	vst v0  }
0x1c: {  	[tilespmem:s22+$0x5020] =	vst v0  }
0x1d: {  	[tilespmem:s22+$0x5030] =	vst v0  }
0x1e: {  	[tilespmem:s22+$0x5040] =	vst v0  }
0x1f: {  	[tilespmem:s22+$0x5050] =	vst v0  }
0x20: {  	[tilespmem:s22+$0x5060] =	vst v0  }
0x21: {  	[spmem:s5] =	stream.linear.scatter [tilespmem:s12], [sflag:$0x3], $0x4000, $0x38;
	[tilespmem:$0x19000] =	vst v63  }
0x22: {  	_ =	swait.ge [sflag:s13], $0x4000  }
0x23: {  	[sflag:s13] =	ssyncset.done $0x0  }
0x24: {  	[sflag:s13] =	ssyncadd.s32 $0xFFFFC000  }
0x25: {  	[spmem:s10] =	stream.linear.scatter [tilespmem:s12], [sflag:$0x3], $0x4000, $0x38;
	[tilespmem:$0x19000] =	vst v63  }
0x26: {  	_ =	swait.ge [sflag:s13], $0x4000  }
0x27: {  	[sflag:s13] =	ssyncset.done $0x0  }
0x28: {  	[sflag:s13] =	ssyncadd.s32 $0xFFFFC000  }
0x29: {  	[spmem:s11] =	stream.linear.scatter [tilespmem:s12], [sflag:$0x3], $0x4000, $0x38;
	[tilespmem:$0x19000] =	vst v63  }
0x2a: {  	_ =	swait.ge [sflag:s13], $0x4000  }
0x2b: {  	[sflag:s13] =	ssyncset.done $0x0  }
0x2c: {  	s28 =	simm.s32 $0x0;
	[sflag:s13] =	ssyncadd.s32 $0xFFFFC000  }
0x2d: {  	[tilespmem:s28], [sflag:$0x3] =	stream.linear.gather [hbm4b:s6+s28], $0x2800, $0x38;
	[tilespmem:$0x19000] =	vst v63  }
0x2e: {  	_ =	swait.ge [sflag:s13], $0x2800  }
0x2f: {  	[sflag:s13] =	ssyncset.done $0x0  }
0x30: {  	[sflag:s13] =	ssyncadd.s32 $0xFFFFD800  }
0x31: {  	[tilespmem:s14], [sflag:$0x3] =	stream.linear.gather [hbm4b:s7+s28], $0x2800, $0x38;
	[tilespmem:$0x19000] =	vst v63  }
0x32: {  	_ =	swait.ge [sflag:s13], $0x2800  }
0x33: {  	[sflag:s13] =	ssyncset.done $0x0  }
0x34: {  	[sflag:s13] =	ssyncadd.s32 $0xFFFFD800  }
0x35: {  	[bflag:$0x0] =	sbarrier.arrive $0xFFFF  }
0x36: {  	[tilespmem:s12], [sflag:$0x1] =	stream.indirect.gather [hbm4b:s4+s15], $0x80, s28, s15, $0xb8;
	[tilespmem:$0x19000] =	vst v63  }
0x37: {  	_ = 	snop  }
0x38: {  	[tilespmem:s16], [sflag:$0x2] =	stream.indirect.gather [hbm4b:s4+s15], $0x80, s15, s15, $0xb8;
	[tilespmem:$0x19000] =	vst v63  }
0x39: {  	_ =	swait.ge [sflag:s17], $0x4000  }
0x3a: {  	[sflag:s17] =	ssyncset.done $0x0  }
0x3b: {  	s29 =	simm.s32 $0x2800;
	[sflag:s17] =	ssyncadd.s32 $0xFFFFC000  }
0x3c: {  	[spmem:s1] =	stream.indirect.scatter.add.f32 [tilespmem:s12], [sflag:$0x3], $0x80, s29, s15, $0xb8;
	[tilespmem:$0x19000] =	vst v63  }
0x3d: {  	_ =	swait.ge [sflag:s13], $0x4000  }
0x3e: {  	[sflag:s13] =	ssyncset.done $0x0  }
0x3f: {  	s30 =	simm.s32 $0x100;
	[sflag:s13] =	ssyncadd.s32 $0xFFFFC000  }
0x40: {  	[tilespmem:s12], [sflag:$0x1] =	stream.indirect.gather [hbm4b:s4+s15], $0x80, s30, s15, $0xb8;
	[tilespmem:$0x19000] =	vst v63  }
0x41: {  	_ =	swait.ge [sflag:s18], $0x4000  }
0x42: {  	[sflag:s18] =	ssyncset.done $0x0  }
0x43: {  	s31 =	simm.s32 $0x2880;
	[sflag:s18] =	ssyncadd.s32 $0xFFFFC000  }
0x44: {  	[spmem:s1] =	stream.indirect.scatter.add.f32 [tilespmem:s16], [sflag:$0x3], $0x80, s31, s15, $0xb8;
	[tilespmem:$0x19000] =	vst v63  }
0x45: {  	_ =	swait.ge [sflag:s13], $0x4000  }
0x46: {  	[sflag:s13] =	ssyncset.done $0x0  }
0x47: {  	s22 =	simm.s32 $0x400;
	s23 =	simm.s32 $0x180;
	[sflag:s13] =	ssyncadd.s32 $0xFFFFC000  }
.LBB2_4:
0x48: {  	[tilespmem:s16], [sflag:$0x2] =	stream.indirect.gather [hbm4b:s4+s15], $0x80, s23, s15, $0xb8;
	[tilespmem:$0x19000] =	vst v63  }
0x49: {  	s23 =	smov.u32 s22  }
0x4a: {  	p0 =	sne.s32 s22, $0x9800;
	s22 =	sadd.s32 $0x400, s22;
	_ =	swait.ge [sflag:s17], $0x4000  }
0x4b: {  	s23 =	sshra.s32 s23, $0x2;
	[sflag:s17] =	ssyncset.done $0x0  }
0x4c: {  	s24 =	sadd.s32 $0x2800, s23;
	[sflag:s17] =	ssyncadd.s32 $0xFFFFC000  }
0x4d: {  	[spmem:s1] =	stream.indirect.scatter.add.f32 [tilespmem:s12], [sflag:$0x3], $0x80, s24, s15, $0xb8;
	[tilespmem:$0x19000] =	vst v63  }
0x4e: {  	_ =	swait.ge [sflag:s13], $0x4000  }
0x4f: {  	[sflag:s13] =	ssyncset.done $0x0  }
0x50: {  	s24 =	sadd.s32 $0x100, s23;
	[sflag:s13] =	ssyncadd.s32 $0xFFFFC000  }
0x51: {  	[tilespmem:s12], [sflag:$0x1] =	stream.indirect.gather [hbm4b:s4+s15], $0x80, s24, s15, $0xb8;
	[tilespmem:$0x19000] =	vst v63  }
0x52: {  	_ =	swait.ge [sflag:s18], $0x4000  }
0x53: {  	[sflag:s18] =	ssyncset.done $0x0  }
.Ltmp1:
0x54: {  	s24 =	sadd.s32 $0x2880, s23;
	[sflag:s18] =	ssyncadd.s32 $0xFFFFC000;
	(pc) =	sbr.rel @p0 .LBB2_4-.Ltmp1, $4  }
0x55: {  	[spmem:s1] =	stream.indirect.scatter.add.f32 [tilespmem:s16], [sflag:$0x3], $0x80, s24, s15, $0xb8;
	[tilespmem:$0x19000] =	vst v63  }
0x56: {  	_ =	swait.ge [sflag:s13], $0x4000  }
0x57: {  	[sflag:s13] =	ssyncset.done $0x0  }
0x58: {  	s23 =	sadd.s32 $0x180, s23;
	[sflag:s13] =	ssyncadd.s32 $0xFFFFC000  }
0x59: {  	[tilespmem:s16], [sflag:$0x2] =	stream.indirect.gather [hbm4b:s4+s15], $0x80, s23, s15, $0xb8;
	[tilespmem:$0x19000] =	vst v63  }
0x5a: {  	_ =	swait.ge [sflag:s17], $0x4000  }
0x5b: {  	[sflag:s17] =	ssyncset.done $0x0  }
0x5c: {  	[sflag:s17] =	ssyncadd.s32 $0xFFFFC000  }
0x5d: {  	[spmem:s1] =	stream.indirect.scatter.add.f32 [tilespmem:s12], [sflag:$0x3], $0x80, s19, s15, $0xb8;
	[tilespmem:$0x19000] =	vst v63  }
0x5e: {  	_ =	swait.ge [sflag:s13], $0x4000  }
0x5f: {  	[sflag:s13] =	ssyncset.done $0x0  }
0x60: {  	[sflag:s13] =	ssyncadd.s32 $0xFFFFC000  }
0x61: {  	_ =	swait.ge [sflag:s18], $0x4000  }
0x62: {  	[sflag:s18] =	ssyncset.done $0x0  }
0x63: {  	[sflag:s18] =	ssyncadd.s32 $0xFFFFC000  }
0x64: {  	[spmem:s1] =	stream.indirect.scatter.add.f32 [tilespmem:s16], [sflag:$0x3], $0x80, s20, s15, $0xb8;
	[tilespmem:$0x19000] =	vst v63  }
0x65: {  	_ =	swait.ge [sflag:s13], $0x4000  }
0x66: {  	s3 =	sadd.s32 $0x1, s3;
	[sflag:s13] =	ssyncset.done $0x0  }
0x67: {  	p0 =	sne.s32 s3, s9;
	[sflag:s13] =	ssyncadd.s32 $0xFFFFC000  }
.Ltmp2:
0x68: {  	s22 =	sshrl.u32 s5, $0x3;
	[bflag:$0x0] =	sbarrier.arrive $0xFFFF;
	(pc) =	sbr.rel @p0 .LBB2_1-.Ltmp2, $4  }
0x69: {  	[hbm:s8], [sflag:s21] =	dma.local [spmem:s22], $0x1800  }
0x6a: {  	_ =	swait.ge [sflag:s13], $0x1800  }
0x6b: {  	[sflag:s13] =	ssyncset.done $0x0  }
0x6c: {  	[sflag:s13] =	ssyncadd.s32 $0xFFFFE800  }
0x6d: {  	_ =	sfence.sel $0x180000  }
0x6e: {  	[bflag:$0x0] =	sbarrier.arrive $0xFFFF  }
0x6f: {  	p0 =	sne.s32 s2, $0x0;
	_ =	strace $0x9000004D  }
0x70: {  	s0 =	sadd.s32 @!p0 $0x100000, s0;
	[bflag:$0x2] =	sbarrier.arrive $0xFFFF  }
0x71: {  	[sflag:s0] =	ssyncadd.tile.s32 @!p0 $0x1;
	_ =	shalt  }
.Lfunc_end2:
_tile_overlayer_lowered:
.L_overlay_start_2:
0x72: {  	(tag) =	ssettag $0x2  }
0x73: {  	s0 =	rddreg [dreg:$0x0];
	s2 =	stileid.u32  }
0x74: {  	s1 =	rddreg [dreg:$0x1];
	p0 =	sne.s32 s2, $0x0  }
0x75: {  	s3 =	rddreg [dreg:$0x2];
	[bflag:$0x3] =	sbarrier.arrive $0xFFFF;
	s2 =	simm.s32 @!p0 $0x1C03  }
0x76: {  	[timem:s3], [sflag:s2] =	dma.local @!p0 [hbm:s0], s1  }
0x77: {  	s0 =	simm.s32 @!p0 $0x3  }
0x78: {  	_ =	swait.ge @!p0 [sflag:s0], s1  }
0x79: {  	s1 =	ssub.s32 @!p0 $0x0, s1;
	[sflag:s0] =	ssyncset.done @!p0 $0x0  }
0x7a: {  	[sflag:s0] =	ssyncadd.s32 @!p0 s1  }
0x7b: {  	[bflag:$0x3] =	sbarrier.arrive $0xFFFF  }
0x7c: {  	_ =	shalt  }

// kernel: kernel.24.cloned.1.call-start
scs
__scs_entry_jumppad:
0x0: {  	(pc) =	sbr.rel $0x88, $3  }
0x1: {  	(tag) =	ssettag $0x0;
	lr =	simm.s32 $0x1  }
0x2: {  	[smem:$0x3F90] =	sst lr;
	_ =	strace $0xD0000000  }
0x3: {  	_ = 	snop  }
0x4: {  	_ = 	snop  }
0x5: {  	_ = 	snop  }
0x6: {  	_ = 	snop  }
0x7: {  	_ = 	snop  }
__scs_overlays_trampoline_lowered:
0x8: {  	[smem:$0x3F9F] =	sst s0  }
0x9: {  	[smem:$0x3FA0] =	sst s1  }
0xa: {  	[smem:$0x3FA1] =	sst s2  }
0xb: {  	[smem:$0x3FA2] =	sst s3  }
0xc: {  	[smem:$0x3FA3] =	sst s4  }
0xd: {  	[smem:$0x3FA4] =	sst s5  }
0xe: {  	[smem:$0x3FA5] =	sst s6  }
0xf: {  	[smem:$0x3FA6] =	sst s7  }
0x10: {  	[smem:$0x3FA7] =	sst s8  }
0x11: {  	[smem:$0x3FA8] =	sst s9;
	s0 =	simm.s32 @!p0 $0x0  }
0x12: {  	s1 =	sld [smem:$0x3F8E];
	s0 =	simm.s32 @p0 $0x1  }
0x13: {  	[smem:$0x3FA9] =	sst s0;
	s0 =	simm.s32 @!p1 $0x0  }
0x14: {  	s2 =	sld [smem:$0x3F8D];
	s0 =	simm.s32 @p1 $0x1  }
0x15: {  	[smem:$0x3FAA] =	sst s0;
	s0 =	simm.s32 @!p2 $0x0  }
0x16: {  	s3 =	sld [smem:$0x3FDB];
	s0 =	simm.s32 @p2 $0x1  }
0x17: {  	s4 =	simm.s32 $0x1BF5;
	[smem:$0x3FAC] =	sst s0  }
0x18: {  	s0 =	sld [smem:$0x3F8F];
	_ =	swait.ge [sflag:s4], $0x0  }
0x19: {  	s7 =	sld [smem:$0x3F90]  }
0x1a: {  	s8 =	sadd.s32 $0xFFFFE003, lr  }
0x1b: {  	s9 =	sadd.s32 $0xFFFFFEF7, lr;
	s5 =	simm.s32 $0xFFFFFFFF;
	p2 =	slt.u32 s8, $0xFFFFF086  }
0x1c: {  	p1 =	slt.u32 s9, $0xF7A;
	s5 =	simm.s32 @!p2 $0x0  }
0x1d: {  	s5 =	simm.s32 @p1 $0x1;
	p0 =	seq.s32 s7, s2  }
0x1e: {  	s7 =	smul.u32 @!p0 $0xF7A, s2;
	p2 =	seq.s32 @!p0 s5, $0x0  }
0x1f: {  	s9 =	smul.u32 $0xF7A, s1;
	s8 =	simm.s32 @!p0 $0x1BF5;
	p2 =	por !p2, p0  }
0x20: {  	[sflag:s8] =	ssyncset.s32 @!p0 $0xFFFFF086;
	s6 =	sadd.s32 @!p0 s3, s7;
	s7 =	simm.s32 @!p0 $0x108  }
0x21: {  	s3 =	sadd.s32 s3, s9;
	s6 =	sadd.s32 @!p0 $0x88, s6;
	s7 =	simm.s32 @p2 $0x1082  }
0x22: {  	[simem:s7], [sflag:s8] =	dma.local @!p0 [hbm:s6], $0xF7A  }
0x23: {  	s9 =	sor.u32 $0xD0000000, s2;
	s6 =	simm.s32 $0x108;
	_ =	swait.ge @!p0 [sflag:s8], $0x0  }
0x24: {  	s3 =	sadd.s32 $0x88, s3;
	s6 =	simm.s32 @!p1 $0x1082;
	[sflag:s4] =	ssyncset.s32 $0xFFFFF086  }
0x25: {  	[simem:s6], [sflag:s4] =	dma.local [hbm:s3], $0xF7A  }
0x26: {  	[smem:$0x3F90] =	sst s1;
	(tag) =	ssettag s2;
	_ =	strace s9  }
0x27: {  	s1 =	sld [smem:$0x3FA0]  }
0x28: {  	s2 =	sld [smem:$0x3FA1]  }
0x29: {  	s4 =	sld [smem:$0x3FA3]  }
0x2a: {  	p0 =	seq.s32 s5, $0x0;
	s5 =	sld [smem:$0x3FA4]  }
0x2b: {  	s6 =	sld [smem:$0x3FA5]  }
0x2c: {  	s7 =	sld [smem:$0x3FA6]  }
0x2d: {  	s3 =	simm.s32 $0x108;
	s8 =	sld [smem:$0x3FA7]  }
0x2e: {  	s3 =	simm.s32 @!p0 $0x1082;
	s9 =	sld [smem:$0x3FA8]  }
0x2f: {  	lr =	sadd.s32 s0, s3;
	s0 =	sld [smem:$0x3F9F]  }
0x30: {  	s3 =	sld [smem:$0x3FA2]  }
0x31: {  	[smem:$0x3FAB] =	sst s10  }
0x32: {  	s10 =	sld [smem:$0x3FA9];
	_ =	sdelay $0x3  }
0x33: {  	p0 =	seq.s32 s10, $0x1;
	s10 =	sld [smem:$0x3FAB];
	_ =	sdelay $0x3  }
0x34: {  	[smem:$0x3FAB] =	sst s10  }
0x35: {  	s10 =	sld [smem:$0x3FAA];
	_ =	sdelay $0x3  }
0x36: {  	p1 =	seq.s32 s10, $0x1;
	s10 =	sld [smem:$0x3FAB];
	_ =	sdelay $0x3  }
0x37: {  	[smem:$0x3FAB] =	sst s10  }
0x38: {  	s10 =	sld [smem:$0x3FAC]  }
0x39: {  	_ = 	snop;
	(pc) =	sbr.ind lr, $3  }
0x3a: {  	_ = 	snop  }
0x3b: {  	_ = 	snop  }
0x3c: {  	p2 =	seq.s32 s10, $0x1;
	s10 =	sld [smem:$0x3FAB]  }
0x3d: {  	_ =	shalt  }
0x3e: {  	_ =	shalt  }
0x3f: {  	_ =	shalt  }
0x40: {  	_ =	shalt  }
0x41: {  	_ =	shalt  }
0x42: {  	_ =	shalt  }
0x43: {  	_ =	shalt  }
0x44: {  	_ =	shalt  }
0x45: {  	_ =	shalt  }
0x46: {  	_ =	shalt  }
0x47: {  	_ =	shalt  }
0x48: {  	_ =	shalt  }
0x49: {  	_ =	shalt  }
0x4a: {  	_ =	shalt  }
0x4b: {  	_ =	shalt  }
0x4c: {  	_ =	shalt  }
0x4d: {  	_ =	shalt  }
0x4e: {  	_ =	shalt  }
0x4f: {  	_ =	shalt  }
0x50: {  	_ =	shalt  }
0x51: {  	_ =	shalt  }
0x52: {  	_ =	shalt  }
0x53: {  	_ =	shalt  }
0x54: {  	_ =	shalt  }
0x55: {  	_ =	shalt  }
0x56: {  	_ =	shalt  }
0x57: {  	_ =	shalt  }
0x58: {  	_ =	shalt  }
0x59: {  	_ =	shalt  }
0x5a: {  	_ =	shalt  }
0x5b: {  	_ =	shalt  }
0x5c: {  	_ =	shalt  }
0x5d: {  	_ =	shalt  }
0x5e: {  	_ =	shalt  }
0x5f: {  	_ =	shalt  }
0x60: {  	_ =	shalt  }
0x61: {  	_ =	shalt  }
0x62: {  	_ =	shalt  }
0x63: {  	_ =	shalt  }
0x64: {  	_ =	shalt  }
0x65: {  	_ =	shalt  }
0x66: {  	_ =	shalt  }
0x67: {  	_ =	shalt  }
0x68: {  	_ =	shalt  }
0x69: {  	_ =	shalt  }
0x6a: {  	_ =	shalt  }
0x6b: {  	_ =	shalt  }
0x6c: {  	_ =	shalt  }
0x6d: {  	_ =	shalt  }
0x6e: {  	_ =	shalt  }
0x6f: {  	_ =	shalt  }
0x70: {  	_ =	shalt  }
0x71: {  	_ =	shalt  }
0x72: {  	_ =	shalt  }
0x73: {  	_ =	shalt  }
0x74: {  	_ =	shalt  }
0x75: {  	_ =	shalt  }
0x76: {  	_ =	shalt  }
0x77: {  	_ =	shalt  }
0x78: {  	_ =	shalt  }
0x79: {  	_ =	shalt  }
0x7a: {  	_ =	shalt  }
0x7b: {  	_ =	shalt  }
0x7c: {  	_ =	shalt  }
0x7d: {  	_ =	shalt  }
0x7e: {  	_ =	shalt  }
0x7f: {  	_ =	shalt  }
0x80: {  	_ =	shalt  }
0x81: {  	_ =	shalt  }
0x82: {  	_ =	shalt  }
0x83: {  	_ =	shalt  }
0x84: {  	_ =	shalt  }
0x85: {  	_ =	shalt  }
0x86: {  	_ =	shalt  }
0x87: {  	_ =	shalt  }
.Lfunc_end0:
.L_simem_size_0:
called_computation.3_lowered:
.L_overlay_start_0:
0x88: {  	s2 =	sld [smem:$0x3FD9]  }
0x89: {  	s3 =	sld [smem:$0x3FFE];
	_ =	sdelay $0x1  }
0x8a: {  	s1 =	srdreg.scid  }
0x8b: {  	s0 =	sand.u32 $0x1, s1  }
0x8c: {  	s16 =	sshll.u32 s0, $0xA;
	s2 =	sadd.s32 s3, s2  }
0x8d: {  	s2 =	sadd.s32 s2, s16  }
0x8e: {  	[smem:$0x3FB7] =	sst s2  }
0x8f: {  	_ = 	snop  }
0x90: {  	(tm) =	ssettm $0x1  }
0x91: {  	s17 =	sld [smem:$0x3FFB];
	_ =	sdelay $0x3  }
0x92: {  	_ =	strace s17  }
0x93: {  	s2 =	sld [smem:$0x3FFC];
	_ =	sdelay $0x3  }
0x94: {  	_ =	strace s2  }
0x95: {  	s2 =	sld [smem:$0x3FFD];
	_ =	sdelay $0x3  }
0x96: {  	_ =	strace s2  }
0x97: {  	_ =	strace $0x8FFFFFFF  }
0x98: {  	s18 =	sld [smem:$0x3FDB];
	_ =	sdelay $0x1  }
0x99: {  	s19 =	simm.s32 $_scs_section_size  }
0x9a: {  	s4 =	simm.s32 $_size__tile_overlayer_lowered;
	s5 =	simm.s32 $_tile_overlayer_lowered  }
0x9b: {  	s22 =	simm.s32 $0x1BFF;
	s21 =	sshll.u32 s5, $0x1;
	s2 =	sadd.s32 s19, s18  }
0x9c: {  	s6 =	simm.s32 $0x0;
	s20 =	sshll.u32 s4, $0x1;
	s4 =	sadd.s32 s21, s2  }
0x9d: {  	[timem:s6], [sflag:s22] =	dma.local [hbm:s4], s20  }
0x9e: {  	_ =	swait.ge [sflag:s22], s20  }
0x9f: {  	s3 =	ssub.s32 $0x0, s20;
	[sflag:s22] =	ssyncset.done $0x0  }
0xa0: {  	[sflag:s22] =	ssyncadd.s32 s3;
	_ =	sdelay $0x1  }
0xa1: {  	s23 =	simm.s32 $0x1B8B  }
0xa2: {  	_ =	swait.ge [sflag:s23], $0x1  }
0xa3: {  	[sflag:s23] =	ssyncset.done $0x0  }
0xa4: {  	s25 =	simm.s32 $0x1B8E;
	s24 =	sld [smem:$0x3FFE];
	[sflag:s23] =	ssyncadd.s32 $0xFFFFFFFF  }
0xa5: {  	s26 =	simm.s32 $execute0_lowered;
	[smem:$0x3FD2] =	sst s25  }
0xa6: {  	s4 =	sshll.u32 s26, $0x1;
	_ =	strace $0x8000004F;
	[dreg:$0x1] =	wrdreg $0xFFFFFFFF  }
0xa7: {  	s28 =	simm.s32 $_size_execute0_lowered;
	s2 =	sadd.s32 s2, s4;
	[dreg:$0x0] =	wrdreg $0x0  }
0xa8: {  	s4 =	sshll.u32 s28, $0x1;
	[dreg:$0x2] =	wrdreg s2  }
0xa9: {  	[dreg:$0x3] =	wrdreg s4  }
0xaa: {  	[dreg:$0x4] =	wrdreg $0xC0  }
0xab: {  	_ =	task [dreg:s6], $0x5FFFF  }
0xac: {  	[dreg:$0x1] =	wrdreg $0xFFFFFFFF  }
0xad: {  	[dreg:$0x0] =	wrdreg $0x60  }
0xae: {  	[dreg:$0x2] =	wrdreg s24  }
0xaf: {  	[dreg:$0x3] =	wrdreg $0xD0000  }
0xb0: {  	[dreg:$0x4] =	wrdreg $0x9  }
0xb1: {  	_ =	task.clear_ibuf [dreg:s6], $0x5FFFF;
	_ =	strace $0x9000004F  }
0xb2: {  	s29 =	simm.s32 $0x9;
	_ =	strace $0x80000051  }
0xb3: {  	_ =	swait.ge [sflag:s29], $0x1  }
0xb4: {  	[sflag:s29] =	ssyncadd.s32 $0xFFFFFFFF  }
0xb5: {  	_ =	strace $0x90000051  }
0xb6: {  	_ =	sfence  }
0xb7: {  	s30 =	sld [smem:$0x0];
	_ =	sdelay $0x2  }
0xb8: {  	s31 =	sshll.u32 s1, $0xD;
	s1 =	sshrl.u32 s1, $0x2  }
0xb9: {  	s3 =	sand.u32 $0x4000, s31;
	s1 =	sadd.s32 s1, s30  }
0xba: {  	s0 =	sor.u32 s3, s0;
	s1 =	sshll.u32 s1, $0x11  }
0xbb: {  	s0 =	sor.u32 s1, s0  }
0xbc: {  	s0 =	sadd.s32 $0x8F2B, s0  }
0xbd: {  	[sflag:s0] =	ssyncadd.remote.s32 $0x1  }
0xbe: {  	_ =	sfence.sel $0xFFFF  }
0xbf: {  	[dreg:$0x0] =	wrdreg $0xFFFFFFFF;
	(pc) =	sbr.abs _section_cstart, $3  }
0xc0: {  	[dreg:$0x1] =	wrdreg $0xFFFFFFFF  }
0xc1: {  	_ =	task.clear_ibuf [dreg:s6], $0x2FFFF;
	_ =	strace $0x9FFFFFFF  }
0xc2: {  	(tm) =	ssettm $0x7FFFFFFF  }
0xc3: {  	_ =	shalt  }
tec
execute0_lowered:
.L_overlay_start_1:
0x0: {  	(tag) =	ssettag $0x1  }
0x1: {  	s5 =	rddreg [dreg:$0x0]  }
0x2: {  	s1 =	rddreg [dreg:$0x1];
	s2 =	srdreg.scid  }
0x3: {  	s0 =	rddreg [dreg:$0x2];
	s3 =	simm.s32 $0x0;
	s12 =	simm.s32 $0x5000  }
0x4: {  	s13 =	simm.s32 $0x3;
	s14 =	simm.s32 $0x2800;
	s15 =	simm.s32 $0x80  }
0x5: {  	s16 =	simm.s32 $0x9000;
	s17 =	simm.s32 $0x1;
	s18 =	simm.s32 $0x2  }
0x6: {  	s19 =	simm.s32 $0x4F00;
	s6 =	sand.u32 $0x1, s2;
	s2 =	stileid.u32  }
0x7: {  	s20 =	simm.s32 $0x4F80;
	[smem:$0x7FF] =	sst s3;
	s7 =	smul.u32 $0xC0000, s6  }
0x8: {  	s4 =	sshll.u32 s6, $0x4;
	s9 =	smul.u32 $0xC000, s2;
	_ =	strace $0x80000050  }
0x9: {  	s6 =	ssub.s32 $0x2, s6;
	s30 =	smul.u32 $0x30000, s2;
	s21 =	sshll.u32 s2, $0x6  }
0xa: {  	s8 =	sor.u32 s2, s4;
	s4 =	sadd.s32 $0x23800, s5;
	s10 =	sshrl.u32 s6, $0x1  }
0xb: {  	s21 =	sor.u32 $0x1C03, s21;
	s8 =	smul.u32 $0x500, s8;
	s7 =	sadd.s32 s9, s7  }
0xc: {  	s10 =	ssub.s32 s6, s10;
	s31 =	sshrl.u32 s30, $0x2;
	s7 =	sshrl.u32 s7, $0x3  }
0xd: {  	s9 =	smax.u32 s10, $0x1;
	s8 =	sadd.s32 s8, s5;
	s11 =	sadd.s32 s7, s5  }
0xe: {  	s5 =	sadd.s32 s31, s1;
	s6 =	sadd.s32 $0x19800, s8;
	s7 =	sadd.s32 $0xF800, s8  }
0xf: {  	v0 =	vimm.f32 $0.0e+00;
	s8 =	sadd.s32 $0x71A00, s11;
	s10 =	sadd.s32 $0x4000, s5;
	s11 =	sadd.s32 $0x8000, s5  }
.LBB2_1:
0x10: {  	s22 =	simm.s32 $0x0;
	s23 =	simm.s32 $0x200  }
.LBB2_2:
0x11: {  	p0 =	sne.s32 s23, $0xFE00;
	[tilespmem:s22+$0x5070] =	vst v0  }
0x12: {  	[tilespmem:s22+$0x5000] =	vst v0  }
0x13: {  	[tilespmem:s22+$0x5010] =	vst v0  }
.Ltmp0:
0x14: {  	[tilespmem:s22+$0x5020] =	vst v0;
	(pc) =	sbr.rel @p0 .LBB2_2-.Ltmp0, $4  }
0x15: {  	[tilespmem:s22+$0x5030] =	vst v0  }
0x16: {  	[tilespmem:s22+$0x5040] =	vst v0  }
0x17: {  	[tilespmem:s22+$0x5050] =	vst v0  }
0x18: {  	[tilespmem:s22+$0x5060] =	vst v0;
	s22 =	sshra.s32 s23, $0x2;
	s23 =	sadd.s32 $0x200, s23  }
0x19: {  	[tilespmem:s22+$0x5070] =	vst v0  }
0x1a: {  	[tilespmem:s22+$0x5000] =	vst v0  }
0x1b: {  	[tilespmem:s22+$0x5010] =	vst v0  }
0x1c: {  	[tilespmem:s22+$0x5020] =	vst v0  }
0x1d: {  	[tilespmem:s22+$0x5030] =	vst v0  }
0x1e: {  	[tilespmem:s22+$0x5040] =	vst v0  }
0x1f: {  	[tilespmem:s22+$0x5050] =	vst v0  }
0x20: {  	[tilespmem:s22+$0x5060] =	vst v0  }
0x21: {  	[spmem:s5] =	stream.linear.scatter [tilespmem:s12], [sflag:$0x3], $0x4000, $0x38;
	[tilespmem:$0x19000] =	vst v63  }
0x22: {  	_ =	swait.ge [sflag:s13], $0x4000  }
0x23: {  	[sflag:s13] =	ssyncset.done $0x0  }
0x24: {  	[sflag:s13] =	ssyncadd.s32 $0xFFFFC000  }
0x25: {  	[spmem:s10] =	stream.linear.scatter [tilespmem:s12], [sflag:$0x3], $0x4000, $0x38;
	[tilespmem:$0x19000] =	vst v63  }
0x26: {  	_ =	swait.ge [sflag:s13], $0x4000  }
0x27: {  	[sflag:s13] =	ssyncset.done $0x0  }
0x28: {  	[sflag:s13] =	ssyncadd.s32 $0xFFFFC000  }
0x29: {  	[spmem:s11] =	stream.linear.scatter [tilespmem:s12], [sflag:$0x3], $0x4000, $0x38;
	[tilespmem:$0x19000] =	vst v63  }
0x2a: {  	_ =	swait.ge [sflag:s13], $0x4000  }
0x2b: {  	[sflag:s13] =	ssyncset.done $0x0  }
0x2c: {  	s28 =	simm.s32 $0x0;
	[sflag:s13] =	ssyncadd.s32 $0xFFFFC000  }
0x2d: {  	[tilespmem:s28], [sflag:$0x3] =	stream.linear.gather [hbm4b:s6+s28], $0x2800, $0x38;
	[tilespmem:$0x19000] =	vst v63  }
0x2e: {  	_ =	swait.ge [sflag:s13], $0x2800  }
0x2f: {  	[sflag:s13] =	ssyncset.done $0x0  }
0x30: {  	[sflag:s13] =	ssyncadd.s32 $0xFFFFD800  }
0x31: {  	[tilespmem:s14], [sflag:$0x3] =	stream.linear.gather [hbm4b:s7+s28], $0x2800, $0x38;
	[tilespmem:$0x19000] =	vst v63  }
0x32: {  	_ =	swait.ge [sflag:s13], $0x2800  }
0x33: {  	[sflag:s13] =	ssyncset.done $0x0  }
0x34: {  	[sflag:s13] =	ssyncadd.s32 $0xFFFFD800  }
0x35: {  	[bflag:$0x0] =	sbarrier.arrive $0xFFFF  }
0x36: {  	[tilespmem:s12], [sflag:$0x1] =	stream.indirect.gather [hbm4b:s4+s15], $0x80, s28, s15, $0xb8;
	[tilespmem:$0x19000] =	vst v63  }
0x37: {  	_ = 	snop  }
0x38: {  	[tilespmem:s16], [sflag:$0x2] =	stream.indirect.gather [hbm4b:s4+s15], $0x80, s15, s15, $0xb8;
	[tilespmem:$0x19000] =	vst v63  }
0x39: {  	_ =	swait.ge [sflag:s17], $0x4000  }
0x3a: {  	[sflag:s17] =	ssyncset.done $0x0  }
0x3b: {  	s29 =	simm.s32 $0x2800;
	[sflag:s17] =	ssyncadd.s32 $0xFFFFC000  }
0x3c: {  	[spmem:s1] =	stream.indirect.scatter.add.f32 [tilespmem:s12], [sflag:$0x3], $0x80, s29, s15, $0xb8;
	[tilespmem:$0x19000] =	vst v63  }
0x3d: {  	_ =	swait.ge [sflag:s13], $0x4000  }
0x3e: {  	[sflag:s13] =	ssyncset.done $0x0  }
0x3f: {  	s30 =	simm.s32 $0x100;
	[sflag:s13] =	ssyncadd.s32 $0xFFFFC000  }
0x40: {  	[tilespmem:s12], [sflag:$0x1] =	stream.indirect.gather [hbm4b:s4+s15], $0x80, s30, s15, $0xb8;
	[tilespmem:$0x19000] =	vst v63  }
0x41: {  	_ =	swait.ge [sflag:s18], $0x4000  }
0x42: {  	[sflag:s18] =	ssyncset.done $0x0  }
0x43: {  	s31 =	simm.s32 $0x2880;
	[sflag:s18] =	ssyncadd.s32 $0xFFFFC000  }
0x44: {  	[spmem:s1] =	stream.indirect.scatter.add.f32 [tilespmem:s16], [sflag:$0x3], $0x80, s31, s15, $0xb8;
	[tilespmem:$0x19000] =	vst v63  }
0x45: {  	_ =	swait.ge [sflag:s13], $0x4000  }
0x46: {  	[sflag:s13] =	ssyncset.done $0x0  }
0x47: {  	s22 =	simm.s32 $0x400;
	s23 =	simm.s32 $0x180;
	[sflag:s13] =	ssyncadd.s32 $0xFFFFC000  }
.LBB2_4:
0x48: {  	[tilespmem:s16], [sflag:$0x2] =	stream.indirect.gather [hbm4b:s4+s15], $0x80, s23, s15, $0xb8;
	[tilespmem:$0x19000] =	vst v63  }
0x49: {  	s23 =	smov.u32 s22  }
0x4a: {  	p0 =	sne.s32 s22, $0x9800;
	s22 =	sadd.s32 $0x400, s22;
	_ =	swait.ge [sflag:s17], $0x4000  }
0x4b: {  	s23 =	sshra.s32 s23, $0x2;
	[sflag:s17] =	ssyncset.done $0x0  }
0x4c: {  	s24 =	sadd.s32 $0x2800, s23;
	[sflag:s17] =	ssyncadd.s32 $0xFFFFC000  }
0x4d: {  	[spmem:s1] =	stream.indirect.scatter.add.f32 [tilespmem:s12], [sflag:$0x3], $0x80, s24, s15, $0xb8;
	[tilespmem:$0x19000] =	vst v63  }
0x4e: {  	_ =	swait.ge [sflag:s13], $0x4000  }
0x4f: {  	[sflag:s13] =	ssyncset.done $0x0  }
0x50: {  	s24 =	sadd.s32 $0x100, s23;
	[sflag:s13] =	ssyncadd.s32 $0xFFFFC000  }
0x51: {  	[tilespmem:s12], [sflag:$0x1] =	stream.indirect.gather [hbm4b:s4+s15], $0x80, s24, s15, $0xb8;
	[tilespmem:$0x19000] =	vst v63  }
0x52: {  	_ =	swait.ge [sflag:s18], $0x4000  }
0x53: {  	[sflag:s18] =	ssyncset.done $0x0  }
.Ltmp1:
0x54: {  	s24 =	sadd.s32 $0x2880, s23;
	[sflag:s18] =	ssyncadd.s32 $0xFFFFC000;
	(pc) =	sbr.rel @p0 .LBB2_4-.Ltmp1, $4  }
0x55: {  	[spmem:s1] =	stream.indirect.scatter.add.f32 [tilespmem:s16], [sflag:$0x3], $0x80, s24, s15, $0xb8;
	[tilespmem:$0x19000] =	vst v63  }
0x56: {  	_ =	swait.ge [sflag:s13], $0x4000  }
0x57: {  	[sflag:s13] =	ssyncset.done $0x0  }
0x58: {  	s23 =	sadd.s32 $0x180, s23;
	[sflag:s13] =	ssyncadd.s32 $0xFFFFC000  }
0x59: {  	[tilespmem:s16], [sflag:$0x2] =	stream.indirect.gather [hbm4b:s4+s15], $0x80, s23, s15, $0xb8;
	[tilespmem:$0x19000] =	vst v63  }
0x5a: {  	_ =	swait.ge [sflag:s17], $0x4000  }
0x5b: {  	[sflag:s17] =	ssyncset.done $0x0  }
0x5c: {  	[sflag:s17] =	ssyncadd.s32 $0xFFFFC000  }
0x5d: {  	[spmem:s1] =	stream.indirect.scatter.add.f32 [tilespmem:s12], [sflag:$0x3], $0x80, s19, s15, $0xb8;
	[tilespmem:$0x19000] =	vst v63  }
0x5e: {  	_ =	swait.ge [sflag:s13], $0x4000  }
0x5f: {  	[sflag:s13] =	ssyncset.done $0x0  }
0x60: {  	[sflag:s13] =	ssyncadd.s32 $0xFFFFC000  }
0x61: {  	_ =	swait.ge [sflag:s18], $0x4000  }
0x62: {  	[sflag:s18] =	ssyncset.done $0x0  }
0x63: {  	[sflag:s18] =	ssyncadd.s32 $0xFFFFC000  }
0x64: {  	[spmem:s1] =	stream.indirect.scatter.add.f32 [tilespmem:s16], [sflag:$0x3], $0x80, s20, s15, $0xb8;
	[tilespmem:$0x19000] =	vst v63  }
0x65: {  	_ =	swait.ge [sflag:s13], $0x4000  }
0x66: {  	s3 =	sadd.s32 $0x1, s3;
	[sflag:s13] =	ssyncset.done $0x0  }
0x67: {  	p0 =	sne.s32 s3, s9;
	[sflag:s13] =	ssyncadd.s32 $0xFFFFC000  }
.Ltmp2:
0x68: {  	s22 =	sshrl.u32 s5, $0x3;
	[bflag:$0x0] =	sbarrier.arrive $0xFFFF;
	(pc) =	sbr.rel @p0 .LBB2_1-.Ltmp2, $4  }
0x69: {  	[hbm:s8], [sflag:s21] =	dma.local [spmem:s22], $0x1800  }
0x6a: {  	_ =	swait.ge [sflag:s13], $0x1800  }
0x6b: {  	[sflag:s13] =	ssyncset.done $0x0  }
0x6c: {  	[sflag:s13] =	ssyncadd.s32 $0xFFFFE800  }
0x6d: {  	_ =	sfence.sel $0x180000  }
0x6e: {  	[bflag:$0x0] =	sbarrier.arrive $0xFFFF  }
0x6f: {  	p0 =	sne.s32 s2, $0x0;
	_ =	strace $0x90000050  }
0x70: {  	s0 =	sadd.s32 @!p0 $0x100000, s0;
	[bflag:$0x2] =	sbarrier.arrive $0xFFFF  }
0x71: {  	[sflag:s0] =	ssyncadd.tile.s32 @!p0 $0x1;
	_ =	shalt  }
.Lfunc_end2:
_tile_overlayer_lowered:
.L_overlay_start_2:
0x72: {  	(tag) =	ssettag $0x2  }
0x73: {  	s0 =	rddreg [dreg:$0x0];
	s2 =	stileid.u32  }
0x74: {  	s1 =	rddreg [dreg:$0x1];
	p0 =	sne.s32 s2, $0x0  }
0x75: {  	s3 =	rddreg [dreg:$0x2];
	[bflag:$0x3] =	sbarrier.arrive $0xFFFF;
	s2 =	simm.s32 @!p0 $0x1C03  }
0x76: {  	[timem:s3], [sflag:s2] =	dma.local @!p0 [hbm:s0], s1  }
0x77: {  	s0 =	simm.s32 @!p0 $0x3  }
0x78: {  	_ =	swait.ge @!p0 [sflag:s0], s1  }
0x79: {  	s1 =	ssub.s32 @!p0 $0x0, s1;
	[sflag:s0] =	ssyncset.done @!p0 $0x0  }
0x7a: {  	[sflag:s0] =	ssyncadd.s32 @!p0 s1  }
0x7b: {  	[bflag:$0x3] =	sbarrier.arrive $0xFFFF  }
0x7c: {  	_ =	shalt  }

// kernel: kernel.27.cloned.1.call-start
scs
__scs_entry_jumppad:
0x0: {  	(pc) =	sbr.rel $0x88, $3  }
0x1: {  	(tag) =	ssettag $0x0;
	lr =	simm.s32 $0x1  }
0x2: {  	[smem:$0x3F90] =	sst lr;
	_ =	strace $0xD0000000  }
0x3: {  	_ = 	snop  }
0x4: {  	_ = 	snop  }
0x5: {  	_ = 	snop  }
0x6: {  	_ = 	snop  }
0x7: {  	_ = 	snop  }
__scs_overlays_trampoline_lowered:
0x8: {  	[smem:$0x3F9F] =	sst s0  }
0x9: {  	[smem:$0x3FA0] =	sst s1  }
0xa: {  	[smem:$0x3FA1] =	sst s2  }
0xb: {  	[smem:$0x3FA2] =	sst s3  }
0xc: {  	[smem:$0x3FA3] =	sst s4  }
0xd: {  	[smem:$0x3FA4] =	sst s5  }
0xe: {  	[smem:$0x3FA5] =	sst s6  }
0xf: {  	[smem:$0x3FA6] =	sst s7  }
0x10: {  	[smem:$0x3FA7] =	sst s8  }
0x11: {  	[smem:$0x3FA8] =	sst s9;
	s0 =	simm.s32 @!p0 $0x0  }
0x12: {  	s1 =	sld [smem:$0x3F8E];
	s0 =	simm.s32 @p0 $0x1  }
0x13: {  	[smem:$0x3FA9] =	sst s0;
	s0 =	simm.s32 @!p1 $0x0  }
0x14: {  	s2 =	sld [smem:$0x3F8D];
	s0 =	simm.s32 @p1 $0x1  }
0x15: {  	[smem:$0x3FAA] =	sst s0;
	s0 =	simm.s32 @!p2 $0x0  }
0x16: {  	s3 =	sld [smem:$0x3FDB];
	s0 =	simm.s32 @p2 $0x1  }
0x17: {  	s4 =	simm.s32 $0x1BF5;
	[smem:$0x3FAC] =	sst s0  }
0x18: {  	s0 =	sld [smem:$0x3F8F];
	_ =	swait.ge [sflag:s4], $0x0  }
0x19: {  	s7 =	sld [smem:$0x3F90]  }
0x1a: {  	s8 =	sadd.s32 $0xFFFFE003, lr  }
0x1b: {  	s9 =	sadd.s32 $0xFFFFFEF7, lr;
	s5 =	simm.s32 $0xFFFFFFFF;
	p2 =	slt.u32 s8, $0xFFFFF086  }
0x1c: {  	p1 =	slt.u32 s9, $0xF7A;
	s5 =	simm.s32 @!p2 $0x0  }
0x1d: {  	s5 =	simm.s32 @p1 $0x1;
	p0 =	seq.s32 s7, s2  }
0x1e: {  	s7 =	smul.u32 @!p0 $0xF7A, s2;
	p2 =	seq.s32 @!p0 s5, $0x0  }
0x1f: {  	s9 =	smul.u32 $0xF7A, s1;
	s8 =	simm.s32 @!p0 $0x1BF5;
	p2 =	por !p2, p0  }
0x20: {  	[sflag:s8] =	ssyncset.s32 @!p0 $0xFFFFF086;
	s6 =	sadd.s32 @!p0 s3, s7;
	s7 =	simm.s32 @!p0 $0x108  }
0x21: {  	s3 =	sadd.s32 s3, s9;
	s6 =	sadd.s32 @!p0 $0x88, s6;
	s7 =	simm.s32 @p2 $0x1082  }
0x22: {  	[simem:s7], [sflag:s8] =	dma.local @!p0 [hbm:s6], $0xF7A  }
0x23: {  	s9 =	sor.u32 $0xD0000000, s2;
	s6 =	simm.s32 $0x108;
	_ =	swait.ge @!p0 [sflag:s8], $0x0  }
0x24: {  	s3 =	sadd.s32 $0x88, s3;
	s6 =	simm.s32 @!p1 $0x1082;
	[sflag:s4] =	ssyncset.s32 $0xFFFFF086  }
0x25: {  	[simem:s6], [sflag:s4] =	dma.local [hbm:s3], $0xF7A  }
0x26: {  	[smem:$0x3F90] =	sst s1;
	(tag) =	ssettag s2;
	_ =	strace s9  }
0x27: {  	s1 =	sld [smem:$0x3FA0]  }
0x28: {  	s2 =	sld [smem:$0x3FA1]  }
0x29: {  	s4 =	sld [smem:$0x3FA3]  }
0x2a: {  	p0 =	seq.s32 s5, $0x0;
	s5 =	sld [smem:$0x3FA4]  }
0x2b: {  	s6 =	sld [smem:$0x3FA5]  }
0x2c: {  	s7 =	sld [smem:$0x3FA6]  }
0x2d: {  	s3 =	simm.s32 $0x108;
	s8 =	sld [smem:$0x3FA7]  }
0x2e: {  	s3 =	simm.s32 @!p0 $0x1082;
	s9 =	sld [smem:$0x3FA8]  }
0x2f: {  	lr =	sadd.s32 s0, s3;
	s0 =	sld [smem:$0x3F9F]  }
0x30: {  	s3 =	sld [smem:$0x3FA2]  }
0x31: {  	[smem:$0x3FAB] =	sst s10  }
0x32: {  	s10 =	sld [smem:$0x3FA9];
	_ =	sdelay $0x3  }
0x33: {  	p0 =	seq.s32 s10, $0x1;
	s10 =	sld [smem:$0x3FAB];
	_ =	sdelay $0x3  }
0x34: {  	[smem:$0x3FAB] =	sst s10  }
0x35: {  	s10 =	sld [smem:$0x3FAA];
	_ =	sdelay $0x3  }
0x36: {  	p1 =	seq.s32 s10, $0x1;
	s10 =	sld [smem:$0x3FAB];
	_ =	sdelay $0x3  }
0x37: {  	[smem:$0x3FAB] =	sst s10  }
0x38: {  	s10 =	sld [smem:$0x3FAC]  }
0x39: {  	_ = 	snop;
	(pc) =	sbr.ind lr, $3  }
0x3a: {  	_ = 	snop  }
0x3b: {  	_ = 	snop  }
0x3c: {  	p2 =	seq.s32 s10, $0x1;
	s10 =	sld [smem:$0x3FAB]  }
0x3d: {  	_ =	shalt  }
0x3e: {  	_ =	shalt  }
0x3f: {  	_ =	shalt  }
0x40: {  	_ =	shalt  }
0x41: {  	_ =	shalt  }
0x42: {  	_ =	shalt  }
0x43: {  	_ =	shalt  }
0x44: {  	_ =	shalt  }
0x45: {  	_ =	shalt  }
0x46: {  	_ =	shalt  }
0x47: {  	_ =	shalt  }
0x48: {  	_ =	shalt  }
0x49: {  	_ =	shalt  }
0x4a: {  	_ =	shalt  }
0x4b: {  	_ =	shalt  }
0x4c: {  	_ =	shalt  }
0x4d: {  	_ =	shalt  }
0x4e: {  	_ =	shalt  }
0x4f: {  	_ =	shalt  }
0x50: {  	_ =	shalt  }
0x51: {  	_ =	shalt  }
0x52: {  	_ =	shalt  }
0x53: {  	_ =	shalt  }
0x54: {  	_ =	shalt  }
0x55: {  	_ =	shalt  }
0x56: {  	_ =	shalt  }
0x57: {  	_ =	shalt  }
0x58: {  	_ =	shalt  }
0x59: {  	_ =	shalt  }
0x5a: {  	_ =	shalt  }
0x5b: {  	_ =	shalt  }
0x5c: {  	_ =	shalt  }
0x5d: {  	_ =	shalt  }
0x5e: {  	_ =	shalt  }
0x5f: {  	_ =	shalt  }
0x60: {  	_ =	shalt  }
0x61: {  	_ =	shalt  }
0x62: {  	_ =	shalt  }
0x63: {  	_ =	shalt  }
0x64: {  	_ =	shalt  }
0x65: {  	_ =	shalt  }
0x66: {  	_ =	shalt  }
0x67: {  	_ =	shalt  }
0x68: {  	_ =	shalt  }
0x69: {  	_ =	shalt  }
0x6a: {  	_ =	shalt  }
0x6b: {  	_ =	shalt  }
0x6c: {  	_ =	shalt  }
0x6d: {  	_ =	shalt  }
0x6e: {  	_ =	shalt  }
0x6f: {  	_ =	shalt  }
0x70: {  	_ =	shalt  }
0x71: {  	_ =	shalt  }
0x72: {  	_ =	shalt  }
0x73: {  	_ =	shalt  }
0x74: {  	_ =	shalt  }
0x75: {  	_ =	shalt  }
0x76: {  	_ =	shalt  }
0x77: {  	_ =	shalt  }
0x78: {  	_ =	shalt  }
0x79: {  	_ =	shalt  }
0x7a: {  	_ =	shalt  }
0x7b: {  	_ =	shalt  }
0x7c: {  	_ =	shalt  }
0x7d: {  	_ =	shalt  }
0x7e: {  	_ =	shalt  }
0x7f: {  	_ =	shalt  }
0x80: {  	_ =	shalt  }
0x81: {  	_ =	shalt  }
0x82: {  	_ =	shalt  }
0x83: {  	_ =	shalt  }
0x84: {  	_ =	shalt  }
0x85: {  	_ =	shalt  }
0x86: {  	_ =	shalt  }
0x87: {  	_ =	shalt  }
.Lfunc_end0:
.L_simem_size_0:
called_computation.4_lowered:
.L_overlay_start_0:
0x88: {  	s2 =	sld [smem:$0x3FD9]  }
0x89: {  	s3 =	sld [smem:$0x3FFE];
	_ =	sdelay $0x1  }
0x8a: {  	s1 =	srdreg.scid  }
0x8b: {  	s0 =	sand.u32 $0x1, s1  }
0x8c: {  	s16 =	sshll.u32 s0, $0xA;
	s2 =	sadd.s32 s3, s2  }
0x8d: {  	s2 =	sadd.s32 s2, s16  }
0x8e: {  	[smem:$0x3FB7] =	sst s2  }
0x8f: {  	_ = 	snop  }
0x90: {  	(tm) =	ssettm $0x1  }
0x91: {  	s17 =	sld [smem:$0x3FFB];
	_ =	sdelay $0x3  }
0x92: {  	_ =	strace s17  }
0x93: {  	s2 =	sld [smem:$0x3FFC];
	_ =	sdelay $0x3  }
0x94: {  	_ =	strace s2  }
0x95: {  	s2 =	sld [smem:$0x3FFD];
	_ =	sdelay $0x3  }
0x96: {  	_ =	strace s2  }
0x97: {  	_ =	strace $0x8FFFFFFF  }
0x98: {  	s18 =	sld [smem:$0x3FDB];
	_ =	sdelay $0x1  }
0x99: {  	s19 =	simm.s32 $_scs_section_size  }
0x9a: {  	s4 =	simm.s32 $_size__tile_overlayer_lowered;
	s5 =	simm.s32 $_tile_overlayer_lowered  }
0x9b: {  	s22 =	simm.s32 $0x1BFF;
	s21 =	sshll.u32 s5, $0x1;
	s2 =	sadd.s32 s19, s18  }
0x9c: {  	s6 =	simm.s32 $0x0;
	s20 =	sshll.u32 s4, $0x1;
	s4 =	sadd.s32 s21, s2  }
0x9d: {  	[timem:s6], [sflag:s22] =	dma.local [hbm:s4], s20  }
0x9e: {  	_ =	swait.ge [sflag:s22], s20  }
0x9f: {  	s3 =	ssub.s32 $0x0, s20;
	[sflag:s22] =	ssyncset.done $0x0  }
0xa0: {  	[sflag:s22] =	ssyncadd.s32 s3;
	_ =	sdelay $0x1  }
0xa1: {  	s23 =	simm.s32 $0x1B8B  }
0xa2: {  	_ =	swait.ge [sflag:s23], $0x1  }
0xa3: {  	[sflag:s23] =	ssyncset.done $0x0  }
0xa4: {  	s25 =	simm.s32 $0x1B8E;
	s24 =	sld [smem:$0x3FFE];
	[sflag:s23] =	ssyncadd.s32 $0xFFFFFFFF  }
0xa5: {  	s26 =	simm.s32 $execute0_lowered;
	[smem:$0x3FD2] =	sst s25  }
0xa6: {  	s4 =	sshll.u32 s26, $0x1;
	_ =	strace $0x80000052;
	[dreg:$0x1] =	wrdreg $0xFFFFFFFF  }
0xa7: {  	s28 =	simm.s32 $_size_execute0_lowered;
	s2 =	sadd.s32 s2, s4;
	[dreg:$0x0] =	wrdreg $0x0  }
0xa8: {  	s4 =	sshll.u32 s28, $0x1;
	[dreg:$0x2] =	wrdreg s2  }
0xa9: {  	[dreg:$0x3] =	wrdreg s4  }
0xaa: {  	[dreg:$0x4] =	wrdreg $0xC0  }
0xab: {  	_ =	task [dreg:s6], $0x5FFFF  }
0xac: {  	[dreg:$0x1] =	wrdreg $0xFFFFFFFF  }
0xad: {  	[dreg:$0x0] =	wrdreg $0x60  }
0xae: {  	[dreg:$0x2] =	wrdreg s24  }
0xaf: {  	[dreg:$0x3] =	wrdreg $0xD0000  }
0xb0: {  	[dreg:$0x4] =	wrdreg $0x9  }
0xb1: {  	_ =	task.clear_ibuf [dreg:s6], $0x5FFFF;
	_ =	strace $0x90000052  }
0xb2: {  	s29 =	simm.s32 $0x9;
	_ =	strace $0x80000054  }
0xb3: {  	_ =	swait.ge [sflag:s29], $0x1  }
0xb4: {  	[sflag:s29] =	ssyncadd.s32 $0xFFFFFFFF  }
0xb5: {  	_ =	strace $0x90000054  }
0xb6: {  	_ =	sfence  }
0xb7: {  	s30 =	sld [smem:$0x0];
	_ =	sdelay $0x2  }
0xb8: {  	s31 =	sshll.u32 s1, $0xD;
	s1 =	sshrl.u32 s1, $0x2  }
0xb9: {  	s3 =	sand.u32 $0x4000, s31;
	s1 =	sadd.s32 s1, s30  }
0xba: {  	s0 =	sor.u32 s3, s0;
	s1 =	sshll.u32 s1, $0x11  }
0xbb: {  	s0 =	sor.u32 s1, s0  }
0xbc: {  	s0 =	sadd.s32 $0x8F2B, s0  }
0xbd: {  	[sflag:s0] =	ssyncadd.remote.s32 $0x1  }
0xbe: {  	_ =	sfence.sel $0xFFFF  }
0xbf: {  	[dreg:$0x0] =	wrdreg $0xFFFFFFFF;
	(pc) =	sbr.abs _section_cstart, $3  }
0xc0: {  	[dreg:$0x1] =	wrdreg $0xFFFFFFFF  }
0xc1: {  	_ =	task.clear_ibuf [dreg:s6], $0x2FFFF;
	_ =	strace $0x9FFFFFFF  }
0xc2: {  	(tm) =	ssettm $0x7FFFFFFF  }
0xc3: {  	_ =	shalt  }
tec
execute0_lowered:
.L_overlay_start_1:
0x0: {  	(tag) =	ssettag $0x1  }
0x1: {  	s5 =	rddreg [dreg:$0x0]  }
0x2: {  	s1 =	rddreg [dreg:$0x1];
	s2 =	srdreg.scid  }
0x3: {  	s0 =	rddreg [dreg:$0x2];
	s3 =	simm.s32 $0x0;
	s12 =	simm.s32 $0x5000  }
0x4: {  	s13 =	simm.s32 $0x3;
	s14 =	simm.s32 $0x2800;
	s15 =	simm.s32 $0x80  }
0x5: {  	s16 =	simm.s32 $0x9000;
	s17 =	simm.s32 $0x1;
	s18 =	simm.s32 $0x2  }
0x6: {  	s19 =	simm.s32 $0x4F00;
	s6 =	sand.u32 $0x1, s2;
	s2 =	stileid.u32  }
0x7: {  	s20 =	simm.s32 $0x4F80;
	[smem:$0x7FF] =	sst s3;
	s7 =	smul.u32 $0xC0000, s6  }
0x8: {  	s4 =	sshll.u32 s6, $0x4;
	s9 =	smul.u32 $0xC000, s2;
	_ =	strace $0x80000053  }
0x9: {  	s6 =	ssub.s32 $0x2, s6;
	s30 =	smul.u32 $0x30000, s2;
	s21 =	sshll.u32 s2, $0x6  }
0xa: {  	s8 =	sor.u32 s2, s4;
	s4 =	sadd.s32 $0x23800, s5;
	s10 =	sshrl.u32 s6, $0x1  }
0xb: {  	s21 =	sor.u32 $0x1C03, s21;
	s8 =	smul.u32 $0x500, s8;
	s7 =	sadd.s32 s9, s7  }
0xc: {  	s10 =	ssub.s32 s6, s10;
	s31 =	sshrl.u32 s30, $0x2;
	s7 =	sshrl.u32 s7, $0x3  }
0xd: {  	s9 =	smax.u32 s10, $0x1;
	s8 =	sadd.s32 s8, s5;
	s11 =	sadd.s32 s7, s5  }
0xe: {  	s5 =	sadd.s32 s31, s1;
	s6 =	sadd.s32 $0x19800, s8;
	s7 =	sadd.s32 $0xF800, s8  }
0xf: {  	v0 =	vimm.f32 $0.0e+00;
	s8 =	sadd.s32 $0x71A00, s11;
	s10 =	sadd.s32 $0x4000, s5;
	s11 =	sadd.s32 $0x8000, s5  }
.LBB2_1:
0x10: {  	s22 =	simm.s32 $0x0;
	s23 =	simm.s32 $0x200  }
.LBB2_2:
0x11: {  	p0 =	sne.s32 s23, $0xFE00;
	[tilespmem:s22+$0x5070] =	vst v0  }
0x12: {  	[tilespmem:s22+$0x5000] =	vst v0  }
0x13: {  	[tilespmem:s22+$0x5010] =	vst v0  }
.Ltmp0:
0x14: {  	[tilespmem:s22+$0x5020] =	vst v0;
	(pc) =	sbr.rel @p0 .LBB2_2-.Ltmp0, $4  }
0x15: {  	[tilespmem:s22+$0x5030] =	vst v0  }
0x16: {  	[tilespmem:s22+$0x5040] =	vst v0  }
0x17: {  	[tilespmem:s22+$0x5050] =	vst v0  }
0x18: {  	[tilespmem:s22+$0x5060] =	vst v0;
	s22 =	sshra.s32 s23, $0x2;
	s23 =	sadd.s32 $0x200, s23  }
0x19: {  	[tilespmem:s22+$0x5070] =	vst v0  }
0x1a: {  	[tilespmem:s22+$0x5000] =	vst v0  }
0x1b: {  	[tilespmem:s22+$0x5010] =	vst v0  }
0x1c: {  	[tilespmem:s22+$0x5020] =	vst v0  }
0x1d: {  	[tilespmem:s22+$0x5030] =	vst v0  }
0x1e: {  	[tilespmem:s22+$0x5040] =	vst v0  }
0x1f: {  	[tilespmem:s22+$0x5050] =	vst v0  }
0x20: {  	[tilespmem:s22+$0x5060] =	vst v0  }
0x21: {  	[spmem:s5] =	stream.linear.scatter [tilespmem:s12], [sflag:$0x3], $0x4000, $0x38;
	[tilespmem:$0x19000] =	vst v63  }
0x22: {  	_ =	swait.ge [sflag:s13], $0x4000  }
0x23: {  	[sflag:s13] =	ssyncset.done $0x0  }
0x24: {  	[sflag:s13] =	ssyncadd.s32 $0xFFFFC000  }
0x25: {  	[spmem:s10] =	stream.linear.scatter [tilespmem:s12], [sflag:$0x3], $0x4000, $0x38;
	[tilespmem:$0x19000] =	vst v63  }
0x26: {  	_ =	swait.ge [sflag:s13], $0x4000  }
0x27: {  	[sflag:s13] =	ssyncset.done $0x0  }
0x28: {  	[sflag:s13] =	ssyncadd.s32 $0xFFFFC000  }
0x29: {  	[spmem:s11] =	stream.linear.scatter [tilespmem:s12], [sflag:$0x3], $0x4000, $0x38;
	[tilespmem:$0x19000] =	vst v63  }
0x2a: {  	_ =	swait.ge [sflag:s13], $0x4000  }
0x2b: {  	[sflag:s13] =	ssyncset.done $0x0  }
0x2c: {  	s28 =	simm.s32 $0x0;
	[sflag:s13] =	ssyncadd.s32 $0xFFFFC000  }
0x2d: {  	[tilespmem:s28], [sflag:$0x3] =	stream.linear.gather [hbm4b:s6+s28], $0x2800, $0x38;
	[tilespmem:$0x19000] =	vst v63  }
0x2e: {  	_ =	swait.ge [sflag:s13], $0x2800  }
0x2f: {  	[sflag:s13] =	ssyncset.done $0x0  }
0x30: {  	[sflag:s13] =	ssyncadd.s32 $0xFFFFD800  }
0x31: {  	[tilespmem:s14], [sflag:$0x3] =	stream.linear.gather [hbm4b:s7+s28], $0x2800, $0x38;
	[tilespmem:$0x19000] =	vst v63  }
0x32: {  	_ =	swait.ge [sflag:s13], $0x2800  }
0x33: {  	[sflag:s13] =	ssyncset.done $0x0  }
0x34: {  	[sflag:s13] =	ssyncadd.s32 $0xFFFFD800  }
0x35: {  	[bflag:$0x0] =	sbarrier.arrive $0xFFFF  }
0x36: {  	[tilespmem:s12], [sflag:$0x1] =	stream.indirect.gather [hbm4b:s4+s15], $0x80, s28, s15, $0xb8;
	[tilespmem:$0x19000] =	vst v63  }
0x37: {  	_ = 	snop  }
0x38: {  	[tilespmem:s16], [sflag:$0x2] =	stream.indirect.gather [hbm4b:s4+s15], $0x80, s15, s15, $0xb8;
	[tilespmem:$0x19000] =	vst v63  }
0x39: {  	_ =	swait.ge [sflag:s17], $0x4000  }
0x3a: {  	[sflag:s17] =	ssyncset.done $0x0  }
0x3b: {  	s29 =	simm.s32 $0x2800;
	[sflag:s17] =	ssyncadd.s32 $0xFFFFC000  }
0x3c: {  	[spmem:s1] =	stream.indirect.scatter.add.f32 [tilespmem:s12], [sflag:$0x3], $0x80, s29, s15, $0xb8;
	[tilespmem:$0x19000] =	vst v63  }
0x3d: {  	_ =	swait.ge [sflag:s13], $0x4000  }
0x3e: {  	[sflag:s13] =	ssyncset.done $0x0  }
0x3f: {  	s30 =	simm.s32 $0x100;
	[sflag:s13] =	ssyncadd.s32 $0xFFFFC000  }
0x40: {  	[tilespmem:s12], [sflag:$0x1] =	stream.indirect.gather [hbm4b:s4+s15], $0x80, s30, s15, $0xb8;
	[tilespmem:$0x19000] =	vst v63  }
0x41: {  	_ =	swait.ge [sflag:s18], $0x4000  }
0x42: {  	[sflag:s18] =	ssyncset.done $0x0  }
0x43: {  	s31 =	simm.s32 $0x2880;
	[sflag:s18] =	ssyncadd.s32 $0xFFFFC000  }
0x44: {  	[spmem:s1] =	stream.indirect.scatter.add.f32 [tilespmem:s16], [sflag:$0x3], $0x80, s31, s15, $0xb8;
	[tilespmem:$0x19000] =	vst v63  }
0x45: {  	_ =	swait.ge [sflag:s13], $0x4000  }
0x46: {  	[sflag:s13] =	ssyncset.done $0x0  }
0x47: {  	s22 =	simm.s32 $0x400;
	s23 =	simm.s32 $0x180;
	[sflag:s13] =	ssyncadd.s32 $0xFFFFC000  }
.LBB2_4:
0x48: {  	[tilespmem:s16], [sflag:$0x2] =	stream.indirect.gather [hbm4b:s4+s15], $0x80, s23, s15, $0xb8;
	[tilespmem:$0x19000] =	vst v63  }
0x49: {  	s23 =	smov.u32 s22  }
0x4a: {  	p0 =	sne.s32 s22, $0x9800;
	s22 =	sadd.s32 $0x400, s22;
	_ =	swait.ge [sflag:s17], $0x4000  }
0x4b: {  	s23 =	sshra.s32 s23, $0x2;
	[sflag:s17] =	ssyncset.done $0x0  }
0x4c: {  	s24 =	sadd.s32 $0x2800, s23;
	[sflag:s17] =	ssyncadd.s32 $0xFFFFC000  }
0x4d: {  	[spmem:s1] =	stream.indirect.scatter.add.f32 [tilespmem:s12], [sflag:$0x3], $0x80, s24, s15, $0xb8;
	[tilespmem:$0x19000] =	vst v63  }
0x4e: {  	_ =	swait.ge [sflag:s13], $0x4000  }
0x4f: {  	[sflag:s13] =	ssyncset.done $0x0  }
0x50: {  	s24 =	sadd.s32 $0x100, s23;
	[sflag:s13] =	ssyncadd.s32 $0xFFFFC000  }
0x51: {  	[tilespmem:s12], [sflag:$0x1] =	stream.indirect.gather [hbm4b:s4+s15], $0x80, s24, s15, $0xb8;
	[tilespmem:$0x19000] =	vst v63  }
0x52: {  	_ =	swait.ge [sflag:s18], $0x4000  }
0x53: {  	[sflag:s18] =	ssyncset.done $0x0  }
.Ltmp1:
0x54: {  	s24 =	sadd.s32 $0x2880, s23;
	[sflag:s18] =	ssyncadd.s32 $0xFFFFC000;
	(pc) =	sbr.rel @p0 .LBB2_4-.Ltmp1, $4  }
0x55: {  	[spmem:s1] =	stream.indirect.scatter.add.f32 [tilespmem:s16], [sflag:$0x3], $0x80, s24, s15, $0xb8;
	[tilespmem:$0x19000] =	vst v63  }
0x56: {  	_ =	swait.ge [sflag:s13], $0x4000  }
0x57: {  	[sflag:s13] =	ssyncset.done $0x0  }
0x58: {  	s23 =	sadd.s32 $0x180, s23;
	[sflag:s13] =	ssyncadd.s32 $0xFFFFC000  }
0x59: {  	[tilespmem:s16], [sflag:$0x2] =	stream.indirect.gather [hbm4b:s4+s15], $0x80, s23, s15, $0xb8;
	[tilespmem:$0x19000] =	vst v63  }
0x5a: {  	_ =	swait.ge [sflag:s17], $0x4000  }
0x5b: {  	[sflag:s17] =	ssyncset.done $0x0  }
0x5c: {  	[sflag:s17] =	ssyncadd.s32 $0xFFFFC000  }
0x5d: {  	[spmem:s1] =	stream.indirect.scatter.add.f32 [tilespmem:s12], [sflag:$0x3], $0x80, s19, s15, $0xb8;
	[tilespmem:$0x19000] =	vst v63  }
0x5e: {  	_ =	swait.ge [sflag:s13], $0x4000  }
0x5f: {  	[sflag:s13] =	ssyncset.done $0x0  }
0x60: {  	[sflag:s13] =	ssyncadd.s32 $0xFFFFC000  }
0x61: {  	_ =	swait.ge [sflag:s18], $0x4000  }
0x62: {  	[sflag:s18] =	ssyncset.done $0x0  }
0x63: {  	[sflag:s18] =	ssyncadd.s32 $0xFFFFC000  }
0x64: {  	[spmem:s1] =	stream.indirect.scatter.add.f32 [tilespmem:s16], [sflag:$0x3], $0x80, s20, s15, $0xb8;
	[tilespmem:$0x19000] =	vst v63  }
0x65: {  	_ =	swait.ge [sflag:s13], $0x4000  }
0x66: {  	s3 =	sadd.s32 $0x1, s3;
	[sflag:s13] =	ssyncset.done $0x0  }
0x67: {  	p0 =	sne.s32 s3, s9;
	[sflag:s13] =	ssyncadd.s32 $0xFFFFC000  }
.Ltmp2:
0x68: {  	s22 =	sshrl.u32 s5, $0x3;
	[bflag:$0x0] =	sbarrier.arrive $0xFFFF;
	(pc) =	sbr.rel @p0 .LBB2_1-.Ltmp2, $4  }
0x69: {  	[hbm:s8], [sflag:s21] =	dma.local [spmem:s22], $0x1800  }
0x6a: {  	_ =	swait.ge [sflag:s13], $0x1800  }
0x6b: {  	[sflag:s13] =	ssyncset.done $0x0  }
0x6c: {  	[sflag:s13] =	ssyncadd.s32 $0xFFFFE800  }
0x6d: {  	_ =	sfence.sel $0x180000  }
0x6e: {  	[bflag:$0x0] =	sbarrier.arrive $0xFFFF  }
0x6f: {  	p0 =	sne.s32 s2, $0x0;
	_ =	strace $0x90000053  }
0x70: {  	s0 =	sadd.s32 @!p0 $0x100000, s0;
	[bflag:$0x2] =	sbarrier.arrive $0xFFFF  }
0x71: {  	[sflag:s0] =	ssyncadd.tile.s32 @!p0 $0x1;
	_ =	shalt  }
.Lfunc_end2:
_tile_overlayer_lowered:
.L_overlay_start_2:
0x72: {  	(tag) =	ssettag $0x2  }
0x73: {  	s0 =	rddreg [dreg:$0x0];
	s2 =	stileid.u32  }
0x74: {  	s1 =	rddreg [dreg:$0x1];
	p0 =	sne.s32 s2, $0x0  }
0x75: {  	s3 =	rddreg [dreg:$0x2];
	[bflag:$0x3] =	sbarrier.arrive $0xFFFF;
	s2 =	simm.s32 @!p0 $0x1C03  }
0x76: {  	[timem:s3], [sflag:s2] =	dma.local @!p0 [hbm:s0], s1  }
0x77: {  	s0 =	simm.s32 @!p0 $0x3  }
0x78: {  	_ =	swait.ge @!p0 [sflag:s0], s1  }
0x79: {  	s1 =	ssub.s32 @!p0 $0x0, s1;
	[sflag:s0] =	ssyncset.done @!p0 $0x0  }
0x7a: {  	[sflag:s0] =	ssyncadd.s32 @!p0 s1  }
0x7b: {  	[bflag:$0x3] =	sbarrier.arrive $0xFFFF  }
0x7c: {  	_ =	shalt  }

// kernel: kernel.30.cloned.1.call-start
scs
__scs_entry_jumppad:
0x0: {  	(pc) =	sbr.rel $0x88, $3  }
0x1: {  	(tag) =	ssettag $0x0;
	lr =	simm.s32 $0x1  }
0x2: {  	[smem:$0x3F90] =	sst lr;
	_ =	strace $0xD0000000  }
0x3: {  	_ = 	snop  }
0x4: {  	_ = 	snop  }
0x5: {  	_ = 	snop  }
0x6: {  	_ = 	snop  }
0x7: {  	_ = 	snop  }
__scs_overlays_trampoline_lowered:
0x8: {  	[smem:$0x3F9F] =	sst s0  }
0x9: {  	[smem:$0x3FA0] =	sst s1  }
0xa: {  	[smem:$0x3FA1] =	sst s2  }
0xb: {  	[smem:$0x3FA2] =	sst s3  }
0xc: {  	[smem:$0x3FA3] =	sst s4  }
0xd: {  	[smem:$0x3FA4] =	sst s5  }
0xe: {  	[smem:$0x3FA5] =	sst s6  }
0xf: {  	[smem:$0x3FA6] =	sst s7  }
0x10: {  	[smem:$0x3FA7] =	sst s8  }
0x11: {  	[smem:$0x3FA8] =	sst s9;
	s0 =	simm.s32 @!p0 $0x0  }
0x12: {  	s1 =	sld [smem:$0x3F8E];
	s0 =	simm.s32 @p0 $0x1  }
0x13: {  	[smem:$0x3FA9] =	sst s0;
	s0 =	simm.s32 @!p1 $0x0  }
0x14: {  	s2 =	sld [smem:$0x3F8D];
	s0 =	simm.s32 @p1 $0x1  }
0x15: {  	[smem:$0x3FAA] =	sst s0;
	s0 =	simm.s32 @!p2 $0x0  }
0x16: {  	s3 =	sld [smem:$0x3FDB];
	s0 =	simm.s32 @p2 $0x1  }
0x17: {  	s4 =	simm.s32 $0x1BF5;
	[smem:$0x3FAC] =	sst s0  }
0x18: {  	s0 =	sld [smem:$0x3F8F];
	_ =	swait.ge [sflag:s4], $0x0  }
0x19: {  	s7 =	sld [smem:$0x3F90]  }
0x1a: {  	s8 =	sadd.s32 $0xFFFFE003, lr  }
0x1b: {  	s9 =	sadd.s32 $0xFFFFFEF7, lr;
	s5 =	simm.s32 $0xFFFFFFFF;
	p2 =	slt.u32 s8, $0xFFFFF086  }
0x1c: {  	p1 =	slt.u32 s9, $0xF7A;
	s5 =	simm.s32 @!p2 $0x0  }
0x1d: {  	s5 =	simm.s32 @p1 $0x1;
	p0 =	seq.s32 s7, s2  }
0x1e: {  	s7 =	smul.u32 @!p0 $0xF7A, s2;
	p2 =	seq.s32 @!p0 s5, $0x0  }
0x1f: {  	s9 =	smul.u32 $0xF7A, s1;
	s8 =	simm.s32 @!p0 $0x1BF5;
	p2 =	por !p2, p0  }
0x20: {  	[sflag:s8] =	ssyncset.s32 @!p0 $0xFFFFF086;
	s6 =	sadd.s32 @!p0 s3, s7;
	s7 =	simm.s32 @!p0 $0x108  }
0x21: {  	s3 =	sadd.s32 s3, s9;
	s6 =	sadd.s32 @!p0 $0x88, s6;
	s7 =	simm.s32 @p2 $0x1082  }
0x22: {  	[simem:s7], [sflag:s8] =	dma.local @!p0 [hbm:s6], $0xF7A  }
0x23: {  	s9 =	sor.u32 $0xD0000000, s2;
	s6 =	simm.s32 $0x108;
	_ =	swait.ge @!p0 [sflag:s8], $0x0  }
0x24: {  	s3 =	sadd.s32 $0x88, s3;
	s6 =	simm.s32 @!p1 $0x1082;
	[sflag:s4] =	ssyncset.s32 $0xFFFFF086  }
0x25: {  	[simem:s6], [sflag:s4] =	dma.local [hbm:s3], $0xF7A  }
0x26: {  	[smem:$0x3F90] =	sst s1;
	(tag) =	ssettag s2;
	_ =	strace s9  }
0x27: {  	s1 =	sld [smem:$0x3FA0]  }
0x28: {  	s2 =	sld [smem:$0x3FA1]  }
0x29: {  	s4 =	sld [smem:$0x3FA3]  }
0x2a: {  	p0 =	seq.s32 s5, $0x0;
	s5 =	sld [smem:$0x3FA4]  }
0x2b: {  	s6 =	sld [smem:$0x3FA5]  }
0x2c: {  	s7 =	sld [smem:$0x3FA6]  }
0x2d: {  	s3 =	simm.s32 $0x108;
	s8 =	sld [smem:$0x3FA7]  }
0x2e: {  	s3 =	simm.s32 @!p0 $0x1082;
	s9 =	sld [smem:$0x3FA8]  }
0x2f: {  	lr =	sadd.s32 s0, s3;
	s0 =	sld [smem:$0x3F9F]  }
0x30: {  	s3 =	sld [smem:$0x3FA2]  }
0x31: {  	[smem:$0x3FAB] =	sst s10  }
0x32: {  	s10 =	sld [smem:$0x3FA9];
	_ =	sdelay $0x3  }
0x33: {  	p0 =	seq.s32 s10, $0x1;
	s10 =	sld [smem:$0x3FAB];
	_ =	sdelay $0x3  }
0x34: {  	[smem:$0x3FAB] =	sst s10  }
0x35: {  	s10 =	sld [smem:$0x3FAA];
	_ =	sdelay $0x3  }
0x36: {  	p1 =	seq.s32 s10, $0x1;
	s10 =	sld [smem:$0x3FAB];
	_ =	sdelay $0x3  }
0x37: {  	[smem:$0x3FAB] =	sst s10  }
0x38: {  	s10 =	sld [smem:$0x3FAC]  }
0x39: {  	_ = 	snop;
	(pc) =	sbr.ind lr, $3  }
0x3a: {  	_ = 	snop  }
0x3b: {  	_ = 	snop  }
0x3c: {  	p2 =	seq.s32 s10, $0x1;
	s10 =	sld [smem:$0x3FAB]  }
0x3d: {  	_ =	shalt  }
0x3e: {  	_ =	shalt  }
0x3f: {  	_ =	shalt  }
0x40: {  	_ =	shalt  }
0x41: {  	_ =	shalt  }
0x42: {  	_ =	shalt  }
0x43: {  	_ =	shalt  }
0x44: {  	_ =	shalt  }
0x45: {  	_ =	shalt  }
0x46: {  	_ =	shalt  }
0x47: {  	_ =	shalt  }
0x48: {  	_ =	shalt  }
0x49: {  	_ =	shalt  }
0x4a: {  	_ =	shalt  }
0x4b: {  	_ =	shalt  }
0x4c: {  	_ =	shalt  }
0x4d: {  	_ =	shalt  }
0x4e: {  	_ =	shalt  }
0x4f: {  	_ =	shalt  }
0x50: {  	_ =	shalt  }
0x51: {  	_ =	shalt  }
0x52: {  	_ =	shalt  }
0x53: {  	_ =	shalt  }
0x54: {  	_ =	shalt  }
0x55: {  	_ =	shalt  }
0x56: {  	_ =	shalt  }
0x57: {  	_ =	shalt  }
0x58: {  	_ =	shalt  }
0x59: {  	_ =	shalt  }
0x5a: {  	_ =	shalt  }
0x5b: {  	_ =	shalt  }
0x5c: {  	_ =	shalt  }
0x5d: {  	_ =	shalt  }
0x5e: {  	_ =	shalt  }
0x5f: {  	_ =	shalt  }
0x60: {  	_ =	shalt  }
0x61: {  	_ =	shalt  }
0x62: {  	_ =	shalt  }
0x63: {  	_ =	shalt  }
0x64: {  	_ =	shalt  }
0x65: {  	_ =	shalt  }
0x66: {  	_ =	shalt  }
0x67: {  	_ =	shalt  }
0x68: {  	_ =	shalt  }
0x69: {  	_ =	shalt  }
0x6a: {  	_ =	shalt  }
0x6b: {  	_ =	shalt  }
0x6c: {  	_ =	shalt  }
0x6d: {  	_ =	shalt  }
0x6e: {  	_ =	shalt  }
0x6f: {  	_ =	shalt  }
0x70: {  	_ =	shalt  }
0x71: {  	_ =	shalt  }
0x72: {  	_ =	shalt  }
0x73: {  	_ =	shalt  }
0x74: {  	_ =	shalt  }
0x75: {  	_ =	shalt  }
0x76: {  	_ =	shalt  }
0x77: {  	_ =	shalt  }
0x78: {  	_ =	shalt  }
0x79: {  	_ =	shalt  }
0x7a: {  	_ =	shalt  }
0x7b: {  	_ =	shalt  }
0x7c: {  	_ =	shalt  }
0x7d: {  	_ =	shalt  }
0x7e: {  	_ =	shalt  }
0x7f: {  	_ =	shalt  }
0x80: {  	_ =	shalt  }
0x81: {  	_ =	shalt  }
0x82: {  	_ =	shalt  }
0x83: {  	_ =	shalt  }
0x84: {  	_ =	shalt  }
0x85: {  	_ =	shalt  }
0x86: {  	_ =	shalt  }
0x87: {  	_ =	shalt  }
.Lfunc_end0:
.L_simem_size_0:
called_computation.5_lowered:
.L_overlay_start_0:
0x88: {  	s2 =	sld [smem:$0x3FD9]  }
0x89: {  	s3 =	sld [smem:$0x3FFE];
	_ =	sdelay $0x1  }
0x8a: {  	s1 =	srdreg.scid  }
0x8b: {  	s0 =	sand.u32 $0x1, s1  }
0x8c: {  	s16 =	sshll.u32 s0, $0xA;
	s2 =	sadd.s32 s3, s2  }
0x8d: {  	s2 =	sadd.s32 s2, s16  }
0x8e: {  	[smem:$0x3FB7] =	sst s2  }
0x8f: {  	_ = 	snop  }
0x90: {  	(tm) =	ssettm $0x1  }
0x91: {  	s17 =	sld [smem:$0x3FFB];
	_ =	sdelay $0x3  }
0x92: {  	_ =	strace s17  }
0x93: {  	s2 =	sld [smem:$0x3FFC];
	_ =	sdelay $0x3  }
0x94: {  	_ =	strace s2  }
0x95: {  	s2 =	sld [smem:$0x3FFD];
	_ =	sdelay $0x3  }
0x96: {  	_ =	strace s2  }
0x97: {  	_ =	strace $0x8FFFFFFF  }
0x98: {  	s18 =	sld [smem:$0x3FDB];
	_ =	sdelay $0x1  }
0x99: {  	s19 =	simm.s32 $_scs_section_size  }
0x9a: {  	s4 =	simm.s32 $_size__tile_overlayer_lowered;
	s5 =	simm.s32 $_tile_overlayer_lowered  }
0x9b: {  	s22 =	simm.s32 $0x1BFF;
	s21 =	sshll.u32 s5, $0x1;
	s2 =	sadd.s32 s19, s18  }
0x9c: {  	s6 =	simm.s32 $0x0;
	s20 =	sshll.u32 s4, $0x1;
	s4 =	sadd.s32 s21, s2  }
0x9d: {  	[timem:s6], [sflag:s22] =	dma.local [hbm:s4], s20  }
0x9e: {  	_ =	swait.ge [sflag:s22], s20  }
0x9f: {  	s3 =	ssub.s32 $0x0, s20;
	[sflag:s22] =	ssyncset.done $0x0  }
0xa0: {  	[sflag:s22] =	ssyncadd.s32 s3;
	_ =	sdelay $0x1  }
0xa1: {  	s23 =	simm.s32 $0x1B8B  }
0xa2: {  	_ =	swait.ge [sflag:s23], $0x1  }
0xa3: {  	[sflag:s23] =	ssyncset.done $0x0  }
0xa4: {  	s25 =	simm.s32 $0x1B8E;
	s24 =	sld [smem:$0x3FFE];
	[sflag:s23] =	ssyncadd.s32 $0xFFFFFFFF  }
0xa5: {  	s26 =	simm.s32 $execute0_lowered;
	[smem:$0x3FD2] =	sst s25  }
0xa6: {  	s4 =	sshll.u32 s26, $0x1;
	_ =	strace $0x80000055;
	[dreg:$0x1] =	wrdreg $0xFFFFFFFF  }
0xa7: {  	s28 =	simm.s32 $_size_execute0_lowered;
	s2 =	sadd.s32 s2, s4;
	[dreg:$0x0] =	wrdreg $0x0  }
0xa8: {  	s4 =	sshll.u32 s28, $0x1;
	[dreg:$0x2] =	wrdreg s2  }
0xa9: {  	[dreg:$0x3] =	wrdreg s4  }
0xaa: {  	[dreg:$0x4] =	wrdreg $0xC0  }
0xab: {  	_ =	task [dreg:s6], $0x5FFFF  }
0xac: {  	[dreg:$0x1] =	wrdreg $0xFFFFFFFF  }
0xad: {  	[dreg:$0x0] =	wrdreg $0x60  }
0xae: {  	[dreg:$0x2] =	wrdreg s24  }
0xaf: {  	[dreg:$0x3] =	wrdreg $0xD0000  }
0xb0: {  	[dreg:$0x4] =	wrdreg $0x9  }
0xb1: {  	_ =	task.clear_ibuf [dreg:s6], $0x5FFFF;
	_ =	strace $0x90000055  }
0xb2: {  	s29 =	simm.s32 $0x9;
	_ =	strace $0x80000057  }
0xb3: {  	_ =	swait.ge [sflag:s29], $0x1  }
0xb4: {  	[sflag:s29] =	ssyncadd.s32 $0xFFFFFFFF  }
0xb5: {  	_ =	strace $0x90000057  }
0xb6: {  	_ =	sfence  }
0xb7: {  	s30 =	sld [smem:$0x0];
	_ =	sdelay $0x2  }
0xb8: {  	s31 =	sshll.u32 s1, $0xD;
	s1 =	sshrl.u32 s1, $0x2  }
0xb9: {  	s3 =	sand.u32 $0x4000, s31;
	s1 =	sadd.s32 s1, s30  }
0xba: {  	s0 =	sor.u32 s3, s0;
	s1 =	sshll.u32 s1, $0x11  }
0xbb: {  	s0 =	sor.u32 s1, s0  }
0xbc: {  	s0 =	sadd.s32 $0x8F2B, s0  }
0xbd: {  	[sflag:s0] =	ssyncadd.remote.s32 $0x1  }
0xbe: {  	_ =	sfence.sel $0xFFFF  }
0xbf: {  	[dreg:$0x0] =	wrdreg $0xFFFFFFFF;
	(pc) =	sbr.abs _section_cstart, $3  }
0xc0: {  	[dreg:$0x1] =	wrdreg $0xFFFFFFFF  }
0xc1: {  	_ =	task.clear_ibuf [dreg:s6], $0x2FFFF;
	_ =	strace $0x9FFFFFFF  }
0xc2: {  	(tm) =	ssettm $0x7FFFFFFF  }
0xc3: {  	_ =	shalt  }
tec
execute0_lowered:
.L_overlay_start_1:
0x0: {  	(tag) =	ssettag $0x1  }
0x1: {  	s5 =	rddreg [dreg:$0x0]  }
0x2: {  	s1 =	rddreg [dreg:$0x1];
	s2 =	srdreg.scid  }
0x3: {  	s0 =	rddreg [dreg:$0x2];
	s3 =	simm.s32 $0x0;
	s12 =	simm.s32 $0x5000  }
0x4: {  	s13 =	simm.s32 $0x3;
	s14 =	simm.s32 $0x2800;
	s15 =	simm.s32 $0x80  }
0x5: {  	s16 =	simm.s32 $0x9000;
	s17 =	simm.s32 $0x1;
	s18 =	simm.s32 $0x2  }
0x6: {  	s19 =	simm.s32 $0x4F00;
	s6 =	sand.u32 $0x1, s2;
	s2 =	stileid.u32  }
0x7: {  	s20 =	simm.s32 $0x4F80;
	[smem:$0x7FF] =	sst s3;
	s7 =	smul.u32 $0xC0000, s6  }
0x8: {  	s4 =	sshll.u32 s6, $0x4;
	s9 =	smul.u32 $0xC000, s2;
	_ =	strace $0x80000056  }
0x9: {  	s6 =	ssub.s32 $0x2, s6;
	s30 =	smul.u32 $0x30000, s2;
	s21 =	sshll.u32 s2, $0x6  }
0xa: {  	s8 =	sor.u32 s2, s4;
	s4 =	sadd.s32 $0x23800, s5;
	s10 =	sshrl.u32 s6, $0x1  }
0xb: {  	s21 =	sor.u32 $0x1C03, s21;
	s8 =	smul.u32 $0x500, s8;
	s7 =	sadd.s32 s9, s7  }
0xc: {  	s10 =	ssub.s32 s6, s10;
	s31 =	sshrl.u32 s30, $0x2;
	s7 =	sshrl.u32 s7, $0x3  }
0xd: {  	s9 =	smax.u32 s10, $0x1;
	s8 =	sadd.s32 s8, s5;
	s11 =	sadd.s32 s7, s5  }
0xe: {  	s5 =	sadd.s32 s31, s1;
	s6 =	sadd.s32 $0x19800, s8;
	s7 =	sadd.s32 $0xF800, s8  }
0xf: {  	v0 =	vimm.f32 $0.0e+00;
	s8 =	sadd.s32 $0x71A00, s11;
	s10 =	sadd.s32 $0x4000, s5;
	s11 =	sadd.s32 $0x8000, s5  }
.LBB2_1:
0x10: {  	s22 =	simm.s32 $0x0;
	s23 =	simm.s32 $0x200  }
.LBB2_2:
0x11: {  	p0 =	sne.s32 s23, $0xFE00;
	[tilespmem:s22+$0x5070] =	vst v0  }
0x12: {  	[tilespmem:s22+$0x5000] =	vst v0  }
0x13: {  	[tilespmem:s22+$0x5010] =	vst v0  }
.Ltmp0:
0x14: {  	[tilespmem:s22+$0x5020] =	vst v0;
	(pc) =	sbr.rel @p0 .LBB2_2-.Ltmp0, $4  }
0x15: {  	[tilespmem:s22+$0x5030] =	vst v0  }
0x16: {  	[tilespmem:s22+$0x5040] =	vst v0  }
0x17: {  	[tilespmem:s22+$0x5050] =	vst v0  }
0x18: {  	[tilespmem:s22+$0x5060] =	vst v0;
	s22 =	sshra.s32 s23, $0x2;
	s23 =	sadd.s32 $0x200, s23  }
0x19: {  	[tilespmem:s22+$0x5070] =	vst v0  }
0x1a: {  	[tilespmem:s22+$0x5000] =	vst v0  }
0x1b: {  	[tilespmem:s22+$0x5010] =	vst v0  }
0x1c: {  	[tilespmem:s22+$0x5020] =	vst v0  }
0x1d: {  	[tilespmem:s22+$0x5030] =	vst v0  }
0x1e: {  	[tilespmem:s22+$0x5040] =	vst v0  }
0x1f: {  	[tilespmem:s22+$0x5050] =	vst v0  }
0x20: {  	[tilespmem:s22+$0x5060] =	vst v0  }
0x21: {  	[spmem:s5] =	stream.linear.scatter [tilespmem:s12], [sflag:$0x3], $0x4000, $0x38;
	[tilespmem:$0x19000] =	vst v63  }
0x22: {  	_ =	swait.ge [sflag:s13], $0x4000  }
0x23: {  	[sflag:s13] =	ssyncset.done $0x0  }
0x24: {  	[sflag:s13] =	ssyncadd.s32 $0xFFFFC000  }
0x25: {  	[spmem:s10] =	stream.linear.scatter [tilespmem:s12], [sflag:$0x3], $0x4000, $0x38;
	[tilespmem:$0x19000] =	vst v63  }
0x26: {  	_ =	swait.ge [sflag:s13], $0x4000  }
0x27: {  	[sflag:s13] =	ssyncset.done $0x0  }
0x28: {  	[sflag:s13] =	ssyncadd.s32 $0xFFFFC000  }
0x29: {  	[spmem:s11] =	stream.linear.scatter [tilespmem:s12], [sflag:$0x3], $0x4000, $0x38;
	[tilespmem:$0x19000] =	vst v63  }
0x2a: {  	_ =	swait.ge [sflag:s13], $0x4000  }
0x2b: {  	[sflag:s13] =	ssyncset.done $0x0  }
0x2c: {  	s28 =	simm.s32 $0x0;
	[sflag:s13] =	ssyncadd.s32 $0xFFFFC000  }
0x2d: {  	[tilespmem:s28], [sflag:$0x3] =	stream.linear.gather [hbm4b:s6+s28], $0x2800, $0x38;
	[tilespmem:$0x19000] =	vst v63  }
0x2e: {  	_ =	swait.ge [sflag:s13], $0x2800  }
0x2f: {  	[sflag:s13] =	ssyncset.done $0x0  }
0x30: {  	[sflag:s13] =	ssyncadd.s32 $0xFFFFD800  }
0x31: {  	[tilespmem:s14], [sflag:$0x3] =	stream.linear.gather [hbm4b:s7+s28], $0x2800, $0x38;
	[tilespmem:$0x19000] =	vst v63  }
0x32: {  	_ =	swait.ge [sflag:s13], $0x2800  }
0x33: {  	[sflag:s13] =	ssyncset.done $0x0  }
0x34: {  	[sflag:s13] =	ssyncadd.s32 $0xFFFFD800  }
0x35: {  	[bflag:$0x0] =	sbarrier.arrive $0xFFFF  }
0x36: {  	[tilespmem:s12], [sflag:$0x1] =	stream.indirect.gather [hbm4b:s4+s15], $0x80, s28, s15, $0xb8;
	[tilespmem:$0x19000] =	vst v63  }
0x37: {  	_ = 	snop  }
0x38: {  	[tilespmem:s16], [sflag:$0x2] =	stream.indirect.gather [hbm4b:s4+s15], $0x80, s15, s15, $0xb8;
	[tilespmem:$0x19000] =	vst v63  }
0x39: {  	_ =	swait.ge [sflag:s17], $0x4000  }
0x3a: {  	[sflag:s17] =	ssyncset.done $0x0  }
0x3b: {  	s29 =	simm.s32 $0x2800;
	[sflag:s17] =	ssyncadd.s32 $0xFFFFC000  }
0x3c: {  	[spmem:s1] =	stream.indirect.scatter.add.f32 [tilespmem:s12], [sflag:$0x3], $0x80, s29, s15, $0xb8;
	[tilespmem:$0x19000] =	vst v63  }
0x3d: {  	_ =	swait.ge [sflag:s13], $0x4000  }
0x3e: {  	[sflag:s13] =	ssyncset.done $0x0  }
0x3f: {  	s30 =	simm.s32 $0x100;
	[sflag:s13] =	ssyncadd.s32 $0xFFFFC000  }
0x40: {  	[tilespmem:s12], [sflag:$0x1] =	stream.indirect.gather [hbm4b:s4+s15], $0x80, s30, s15, $0xb8;
	[tilespmem:$0x19000] =	vst v63  }
0x41: {  	_ =	swait.ge [sflag:s18], $0x4000  }
0x42: {  	[sflag:s18] =	ssyncset.done $0x0  }
0x43: {  	s31 =	simm.s32 $0x2880;
	[sflag:s18] =	ssyncadd.s32 $0xFFFFC000  }
0x44: {  	[spmem:s1] =	stream.indirect.scatter.add.f32 [tilespmem:s16], [sflag:$0x3], $0x80, s31, s15, $0xb8;
	[tilespmem:$0x19000] =	vst v63  }
0x45: {  	_ =	swait.ge [sflag:s13], $0x4000  }
0x46: {  	[sflag:s13] =	ssyncset.done $0x0  }
0x47: {  	s22 =	simm.s32 $0x400;
	s23 =	simm.s32 $0x180;
	[sflag:s13] =	ssyncadd.s32 $0xFFFFC000  }
.LBB2_4:
0x48: {  	[tilespmem:s16], [sflag:$0x2] =	stream.indirect.gather [hbm4b:s4+s15], $0x80, s23, s15, $0xb8;
	[tilespmem:$0x19000] =	vst v63  }
0x49: {  	s23 =	smov.u32 s22  }
0x4a: {  	p0 =	sne.s32 s22, $0x9800;
	s22 =	sadd.s32 $0x400, s22;
	_ =	swait.ge [sflag:s17], $0x4000  }
0x4b: {  	s23 =	sshra.s32 s23, $0x2;
	[sflag:s17] =	ssyncset.done $0x0  }
0x4c: {  	s24 =	sadd.s32 $0x2800, s23;
	[sflag:s17] =	ssyncadd.s32 $0xFFFFC000  }
0x4d: {  	[spmem:s1] =	stream.indirect.scatter.add.f32 [tilespmem:s12], [sflag:$0x3], $0x80, s24, s15, $0xb8;
	[tilespmem:$0x19000] =	vst v63  }
0x4e: {  	_ =	swait.ge [sflag:s13], $0x4000  }
0x4f: {  	[sflag:s13] =	ssyncset.done $0x0  }
0x50: {  	s24 =	sadd.s32 $0x100, s23;
	[sflag:s13] =	ssyncadd.s32 $0xFFFFC000  }
0x51: {  	[tilespmem:s12], [sflag:$0x1] =	stream.indirect.gather [hbm4b:s4+s15], $0x80, s24, s15, $0xb8;
	[tilespmem:$0x19000] =	vst v63  }
0x52: {  	_ =	swait.ge [sflag:s18], $0x4000  }
0x53: {  	[sflag:s18] =	ssyncset.done $0x0  }
.Ltmp1:
0x54: {  	s24 =	sadd.s32 $0x2880, s23;
	[sflag:s18] =	ssyncadd.s32 $0xFFFFC000;
	(pc) =	sbr.rel @p0 .LBB2_4-.Ltmp1, $4  }
0x55: {  	[spmem:s1] =	stream.indirect.scatter.add.f32 [tilespmem:s16], [sflag:$0x3], $0x80, s24, s15, $0xb8;
	[tilespmem:$0x19000] =	vst v63  }
0x56: {  	_ =	swait.ge [sflag:s13], $0x4000  }
0x57: {  	[sflag:s13] =	ssyncset.done $0x0  }
0x58: {  	s23 =	sadd.s32 $0x180, s23;
	[sflag:s13] =	ssyncadd.s32 $0xFFFFC000  }
0x59: {  	[tilespmem:s16], [sflag:$0x2] =	stream.indirect.gather [hbm4b:s4+s15], $0x80, s23, s15, $0xb8;
	[tilespmem:$0x19000] =	vst v63  }
0x5a: {  	_ =	swait.ge [sflag:s17], $0x4000  }
0x5b: {  	[sflag:s17] =	ssyncset.done $0x0  }
0x5c: {  	[sflag:s17] =	ssyncadd.s32 $0xFFFFC000  }
0x5d: {  	[spmem:s1] =	stream.indirect.scatter.add.f32 [tilespmem:s12], [sflag:$0x3], $0x80, s19, s15, $0xb8;
	[tilespmem:$0x19000] =	vst v63  }
0x5e: {  	_ =	swait.ge [sflag:s13], $0x4000  }
0x5f: {  	[sflag:s13] =	ssyncset.done $0x0  }
0x60: {  	[sflag:s13] =	ssyncadd.s32 $0xFFFFC000  }
0x61: {  	_ =	swait.ge [sflag:s18], $0x4000  }
0x62: {  	[sflag:s18] =	ssyncset.done $0x0  }
0x63: {  	[sflag:s18] =	ssyncadd.s32 $0xFFFFC000  }
0x64: {  	[spmem:s1] =	stream.indirect.scatter.add.f32 [tilespmem:s16], [sflag:$0x3], $0x80, s20, s15, $0xb8;
	[tilespmem:$0x19000] =	vst v63  }
0x65: {  	_ =	swait.ge [sflag:s13], $0x4000  }
0x66: {  	s3 =	sadd.s32 $0x1, s3;
	[sflag:s13] =	ssyncset.done $0x0  }
0x67: {  	p0 =	sne.s32 s3, s9;
	[sflag:s13] =	ssyncadd.s32 $0xFFFFC000  }
.Ltmp2:
0x68: {  	s22 =	sshrl.u32 s5, $0x3;
	[bflag:$0x0] =	sbarrier.arrive $0xFFFF;
	(pc) =	sbr.rel @p0 .LBB2_1-.Ltmp2, $4  }
0x69: {  	[hbm:s8], [sflag:s21] =	dma.local [spmem:s22], $0x1800  }
0x6a: {  	_ =	swait.ge [sflag:s13], $0x1800  }
0x6b: {  	[sflag:s13] =	ssyncset.done $0x0  }
0x6c: {  	[sflag:s13] =	ssyncadd.s32 $0xFFFFE800  }
0x6d: {  	_ =	sfence.sel $0x180000  }
0x6e: {  	[bflag:$0x0] =	sbarrier.arrive $0xFFFF  }
0x6f: {  	p0 =	sne.s32 s2, $0x0;
	_ =	strace $0x90000056  }
0x70: {  	s0 =	sadd.s32 @!p0 $0x100000, s0;
	[bflag:$0x2] =	sbarrier.arrive $0xFFFF  }
0x71: {  	[sflag:s0] =	ssyncadd.tile.s32 @!p0 $0x1;
	_ =	shalt  }
.Lfunc_end2:
_tile_overlayer_lowered:
.L_overlay_start_2:
0x72: {  	(tag) =	ssettag $0x2  }
0x73: {  	s0 =	rddreg [dreg:$0x0];
	s2 =	stileid.u32  }
0x74: {  	s1 =	rddreg [dreg:$0x1];
	p0 =	sne.s32 s2, $0x0  }
0x75: {  	s3 =	rddreg [dreg:$0x2];
	[bflag:$0x3] =	sbarrier.arrive $0xFFFF;
	s2 =	simm.s32 @!p0 $0x1C03  }
0x76: {  	[timem:s3], [sflag:s2] =	dma.local @!p0 [hbm:s0], s1  }
0x77: {  	s0 =	simm.s32 @!p0 $0x3  }
0x78: {  	_ =	swait.ge @!p0 [sflag:s0], s1  }
0x79: {  	s1 =	ssub.s32 @!p0 $0x0, s1;
	[sflag:s0] =	ssyncset.done @!p0 $0x0  }
0x7a: {  	[sflag:s0] =	ssyncadd.s32 @!p0 s1  }
0x7b: {  	[bflag:$0x3] =	sbarrier.arrive $0xFFFF  }
0x7c: {  	_ =	shalt  }

</sc_bundles>
